<compile_context>
chip_gen: v7x
topology: tpu7x:2x2x1
jax: 0.10.2.dev20260603
libtpu: 0.0.44.dev20260713+nightly
codegen_flags: <defaults>
</compile_context>

<pallas_src>
import functools

import jax
import jax.numpy as jnp
from jax import lax
from jax.experimental import pallas as pl
from jax.experimental.pallas import tpu as pltpu
from jax.experimental.pallas import tpu_sc as plsc

N_FIELDS = 26
VOCAB = 40000
EMBED = 200
BATCH = 4096
HID = 200

NC = 2
NS = 16
NW = NC * NS
ROWS = BATCH * N_FIELDS
CHUNK = 128
ROWS_PER_W = ROWS // NW
CHUNKS_PER_W = ROWS_PER_W // CHUNK

VB = 4096
NB = -(-VOCAB // VB)


def _round_bf16_hi(x):
    b = lax.bitcast_convert_type(x, jnp.int32)
    lsb = lax.shift_right_logical(b, 16) & 1
    return (b + 0x7FFF + lsb) & jnp.int32(-65536)


def _tr_body(t_ref, p_ref):
    y = t_ref[...].T
    hi = _round_bf16_hi(y[:, :128])
    lo = _round_bf16_hi(jnp.concatenate(
        [y[:, 128:], jnp.zeros((VB, 128 - (EMBED - 128)), jnp.float32)],
        axis=1))
    packed = hi | lax.shift_right_logical(lo, 16)
    p_ref[...] = lax.bitcast_convert_type(packed, jnp.float32)[None]


FGROUPS = (13, 13)


def _make_tr_call(f0, nf):
    return pl.pallas_call(
        _tr_body,
        grid=(nf, NB),
        in_specs=[pl.BlockSpec((EMBED, VB), lambda i, j: (i + f0, j))],
        out_specs=pl.BlockSpec((1, VB, 128), lambda i, j: (i, j, 0)),
        out_shape=jax.ShapeDtypeStruct((nf, VOCAB, 128), jnp.float32),
    )



@functools.lru_cache(maxsize=None)
def _make_sc_gather(n_rows):
    mesh = plsc.VectorSubcoreMesh(core_axis_name="c", subcore_axis_name="s")
    rows_per_w = n_rows // NW
    n_chunks = rows_per_w // CHUNK

    @functools.partial(
        pl.kernel,
        mesh=mesh,
        out_type=jax.ShapeDtypeStruct((n_rows, 128), jnp.float32),
        scratch_types=[
            pltpu.VMEM((n_chunks, CHUNK), jnp.int32),
            pltpu.VMEM((CHUNK, 128), jnp.float32),
            pltpu.SemaphoreType.DMA,
        ],
    )
    def _sc_gather(idx_hbm, tabp_hbm, embp_out, idx_v, pbuf, psem):
        wid = lax.axis_index("s") * NC + lax.axis_index("c")
        pltpu.sync_copy(idx_hbm.at[wid], idx_v)

        def chunk(j, carry):
            row0 = wid * rows_per_w + j * CHUNK
            pltpu.async_copy(tabp_hbm.at[idx_v.at[j]], pbuf, psem).wait()
            pltpu.sync_copy(pbuf, embp_out.at[pl.ds(row0, CHUNK)])
            return carry

        lax.fori_loop(0, n_chunks, chunk, 0)

    return _sc_gather


@functools.lru_cache(maxsize=None)
def _make_sc_wgather():
    mesh = plsc.VectorSubcoreMesh(core_axis_name="c", subcore_axis_name="s")

    @functools.partial(
        pl.kernel,
        mesh=mesh,
        out_type=jax.ShapeDtypeStruct((ROWS, 16), jnp.float32),
        scratch_types=[
            pltpu.VMEM((CHUNKS_PER_W, CHUNK), jnp.int32),
            pltpu.VMEM((CHUNK, 16), jnp.float32),
            pltpu.SemaphoreType.DMA,
        ],
        compiler_params=pltpu.CompilerParams(use_tc_tiling_on_sc=False),
    )
    def _sc_wgather(idxw_hbm, w16_hbm, w16_out, idxw_v, wbuf, wsem):
        wid = lax.axis_index("s") * NC + lax.axis_index("c")
        pltpu.sync_copy(idxw_hbm.at[wid], idxw_v)

        def chunk(j, carry):
            row0 = wid * ROWS_PER_W + j * CHUNK
            pltpu.async_copy(w16_hbm.at[idxw_v.at[j]], wbuf, wsem).wait()
            pltpu.sync_copy(wbuf, w16_out.at[pl.ds(row0, CHUNK)])
            return carry

        lax.fori_loop(0, CHUNKS_PER_W, chunk, 0)

    return _sc_wgather


BB = 256
DA = N_FIELDS * 128
_F0 = (0, 13)


def _tc_body(xp1_ref, xp2_ref, wv_ref, lo_ref,
             w1a_ref, w1b_ref, b1_ref, w2_ref, b2_ref,
             w3_ref, b3_ref, wo_ref, bo_ref, o_ref):
    lo = lo_ref[...]
    xp_refs = (xp1_ref, xp2_ref)
    iota = lax.broadcasted_iota(jnp.int32, (BB, 16), 1)
    sa = jnp.zeros((BB, 128), jnp.float32)
    sb = jnp.zeros((BB, 128), jnp.float32)
    sq = jnp.zeros((BB, 1), jnp.float32)
    first = jnp.zeros((BB, 1), jnp.float32)
    h = jnp.zeros((BB, HID), jnp.float32)
    for f in range(N_FIELDS):
        c0, c1 = f * 128, (f + 1) * 128
        g = sum(1 for s in _F0[1:] if f >= s)
        ref = xp_refs[g]
        d0 = (f - _F0[g]) * 128
        p = lax.bitcast_convert_type(ref[:, d0:d0 + 128], jnp.int32)
        xa = lax.bitcast_convert_type(p & jnp.int32(-65536), jnp.float32)
        xb = lax.bitcast_convert_type(lax.shift_left(p, 16), jnp.float32)
        sa = sa + xa
        sb = sb + xb
        sq = sq + jnp.sum(xa * xa + xb * xb, axis=1, keepdims=True)
        ohf = (lo[:, f:f + 1] == iota).astype(jnp.float32)
        first = first + jnp.sum(wv_ref[:, f * 16:(f + 1) * 16] * ohf,
                                axis=1, keepdims=True)
        h = h + jnp.dot(xa.astype(jnp.bfloat16), w1a_ref[c0:c1, :],
                        preferred_element_type=jnp.float32)
        h = h + jnp.dot(xb.astype(jnp.bfloat16), w1b_ref[c0:c1, :],
                        preferred_element_type=jnp.float32)
    second = 0.5 * (jnp.sum(sa * sa, axis=1, keepdims=True)
                    + jnp.sum(sb * sb, axis=1, keepdims=True) - sq)
    h = jax.nn.relu(h + b1_ref[...])
    h = jax.nn.relu(jnp.dot(h.astype(jnp.bfloat16), w2_ref[...],
                            preferred_element_type=jnp.float32) + b2_ref[...])
    h = jax.nn.relu(jnp.dot(h.astype(jnp.bfloat16), w3_ref[...],
                            preferred_element_type=jnp.float32) + b3_ref[...])
    deep = (jnp.dot(h.astype(jnp.bfloat16), wo_ref[...],
                    preferred_element_type=jnp.float32) + bo_ref[...])
    o_ref[...] = jax.nn.sigmoid(first + second + deep)


def _full(shape):
    return pl.BlockSpec(shape, lambda i: (0,) * len(shape))


_tc_call = pl.pallas_call(
    _tc_body,
    grid=(BATCH // BB,),
    in_specs=[
        pl.BlockSpec((BB, FGROUPS[0] * 128), lambda i: (i, 0)),
        pl.BlockSpec((BB, FGROUPS[1] * 128), lambda i: (i, 0)),
        pl.BlockSpec((BB, N_FIELDS * 16), lambda i: (i, 0)),
        pl.BlockSpec((BB, N_FIELDS), lambda i: (i, 0)),
        _full((DA, HID)),
        _full((DA, HID)),
        _full((1, HID)),
        _full((HID, HID)),
        _full((1, HID)),
        _full((HID, HID)),
        _full((1, HID)),
        _full((HID, 1)),
        _full((1, 1)),
    ],
    out_specs=pl.BlockSpec((BB, 1), lambda i: (i, 0)),
    out_shape=jax.ShapeDtypeStruct((BATCH, 1), jnp.float32),
)


def kernel(sparse_inputs, tables, w, W1, b1, W2, b2, W3, b3, Wout, bout):
    tt = jnp.transpose(tables, (0, 2, 1)).reshape(N_FIELDS * EMBED, VOCAB)

    offs = (jnp.arange(N_FIELDS, dtype=jnp.int32) * VOCAB)[None, :]
    idx = (sparse_inputs.astype(jnp.int32) + offs)
    w16 = w.reshape(N_FIELDS * VOCAB // 16, 16)
    w16rows = _make_sc_wgather()((idx >> 4).reshape(NW, CHUNKS_PER_W, CHUNK), w16)

    xps = []
    f0 = 0
    for nf in FGROUPS:
        tabp = _make_tr_call(f0, nf)(tt).reshape(nf * VOCAB, 128)
        g_rows = BATCH * nf
        idxh = (idx[:, f0:f0 + nf] - f0 * VOCAB)
        idxh = idxh.reshape(NW, g_rows // (NW * CHUNK), CHUNK)
        xps.append(_make_sc_gather(g_rows)(idxh, tabp).reshape(BATCH, nf * 128))
        f0 += nf

    wv = w16rows.reshape(BATCH, N_FIELDS * 16)
    lo = (idx & 15).reshape(BATCH, N_FIELDS)

    w1s = W1.reshape(N_FIELDS, EMBED, HID)
    w1a = w1s[:, :128, :].reshape(DA, HID).astype(jnp.bfloat16)
    w1b = jnp.pad(w1s[:, 128:, :], ((0, 0), (0, 128 - (EMBED - 128)), (0, 0))
                  ).reshape(DA, HID).astype(jnp.bfloat16)

    return _tc_call(xps[0], xps[1], wv, lo, w1a, w1b,
                    b1.reshape(1, HID), W2.astype(jnp.bfloat16),
                    b2.reshape(1, HID), W3.astype(jnp.bfloat16),
                    b3.reshape(1, HID), Wout.astype(jnp.bfloat16),
                    bout.reshape(1, 1))

# --- scband reference (transcript-rebuilt; emitter-appended) ---
"""Pipeline reference for scband-deep-fm-20615843021503 (READ-ONLY COPY).

The authoritative reference and input builder live on the scoring server;
editing this copy changes nothing except your own understanding.
"""

import jax, jax.numpy as jnp
import numpy as np

N_FIELDS = 26
VOCAB = 40000
EMBED = 200
BATCH = 4096
HID = 200


def setup_inputs(seed: int = 0) -> dict:
    key = jax.random.key(seed)
    ks = jax.random.split(key, 12)
    sparse_inputs = jax.random.randint(ks[0], (BATCH, N_FIELDS), 0, VOCAB)
    tables = jax.random.normal(ks[1], (N_FIELDS, VOCAB, EMBED), dtype=jnp.float32) * 0.05
    w = jax.random.normal(ks[2], (N_FIELDS * VOCAB, 1), dtype=jnp.float32) * 0.05
    W1 = jax.random.normal(ks[3], (N_FIELDS * EMBED, HID), dtype=jnp.float32) * 0.02
    b1 = jnp.zeros((HID,), dtype=jnp.float32)
    W2 = jax.random.normal(ks[4], (HID, HID), dtype=jnp.float32) * 0.02
    b2 = jnp.zeros((HID,), dtype=jnp.float32)
    W3 = jax.random.normal(ks[5], (HID, HID), dtype=jnp.float32) * 0.02
    b3 = jnp.zeros((HID,), dtype=jnp.float32)
    Wout = jax.random.normal(ks[6], (HID, 1), dtype=jnp.float32) * 0.02
    bout = jnp.zeros((1,), dtype=jnp.float32)
    return {"sparse_inputs": sparse_inputs, "tables": tables, "w": w,
            "W1": W1, "b1": b1, "W2": W2, "b2": b2, "W3": W3, "b3": b3,
            "Wout": Wout, "bout": bout}


def reference(sparse_inputs, tables, w, W1, b1, W2, b2, W3, b3, Wout, bout):
    # per-field embedding lookup: emb[b, f, :] = tables[f, sparse_inputs[b, f], :]
    emb = jax.vmap(lambda t, ix: jnp.take(t, ix, axis=0), in_axes=(0, 1), out_axes=1)(tables, sparse_inputs)
    B = emb.shape[0]
    sparse_embed = emb.reshape(B, N_FIELDS * EMBED)
    # FM first order with global index mapping offsets
    offsets = jnp.arange(N_FIELDS, dtype=sparse_inputs.dtype) * VOCAB
    idx_off = sparse_inputs + offsets[None, :]
    first_order = jnp.sum(jnp.take(w, idx_off, axis=0), axis=1)  # [B, 1]
    # FM second order
    square_sum = jnp.square(jnp.sum(emb, axis=1, keepdims=True))
    sum_square = jnp.sum(jnp.square(emb), axis=1, keepdims=True)
    second_order = 0.5 * jnp.sum(square_sum - sum_square, axis=2)  # [B, 1]
    wide_outputs = first_order + second_order
    # DNN (dropout=0.0 -> identity in eval)
    x = jax.nn.relu(sparse_embed @ W1 + b1)
    x = jax.nn.relu(x @ W2 + b2)
    x = jax.nn.relu(x @ W3 + b3)
    deep_outputs = x @ Wout + bout  # [B, 1]
    return jax.nn.sigmoid(wide_outputs + deep_outputs)

if __name__ == "__main__":
    import jax
    _d = setup_inputs()
    print(jax.jit(kernel)(*tuple(_d.values())))

</pallas_src>

<mosaic_0001>
#map = affine_map<(d0, d1) -> (0, 0, 0)>
#map1 = affine_map<(d0, d1) -> (0, 0)>
module attributes {stable_mosaic.version = 14 : i64} {
  func.func @_sc_wgather(%arg0: i32, %arg1: i32, %arg2: memref<32x26x128xi32, #tpu.memory_space<hbm>>, %arg3: memref<65000x16xf32, #tpu.memory_space<hbm>>, %arg4: memref<106496x16xf32, #tpu.memory_space<hbm>>, %arg5: memref<26x128xi32, #tpu.memory_space<vmem>>, %arg6: memref<128x16xf32, #tpu.memory_space<vmem>>, %arg7: memref<!tpu.dma_semaphore, #tpu.memory_space<semaphore_mem>>) attributes {dimension_semantics = [#tpu.dimension_semantics<core_parallel>, #tpu.dimension_semantics<subcore_parallel>], iteration_bounds = array<i64: 2, 16>, scalar_prefetch = 0 : i64, scratch_operands = 3 : i64, tpu.core_type = #tpu.core_type<sc_vector_subcore>, window_params = [{transform_indices = #map}, {transform_indices = #map1}, {transform_indices = #map1}]} {
    %mul3A = arith.constant 2 : i32
    %mul3A_0 = arith.muli %arg1, %mul3A : i32
    %add3A = arith.addi %mul3A_0, %arg0 : i32
    "tpu.region"() ({
      %run_scoped3A = tpu.sem_alloc : memref<!tpu.dma_semaphore, #tpu.memory_space<semaphore_mem>>
      %dma_start3A = arith.constant 0 : i32
      %dma_start3A_6 = arith.constant 0 : i32
      %dma_start3A_7 = tpu.memref_slice %arg2[%add3A, %dma_start3A, %dma_start3A_6] : memref<32x26x128xi32, #tpu.memory_space<hbm>> -> memref<1x26x128xi32, #tpu.memory_space<hbm>>
      %dma_start3A_8 = tpu.memref_squeeze %dma_start3A_7 : memref<1x26x128xi32, #tpu.memory_space<hbm>> -> memref<26x128xi32, #tpu.memory_space<hbm>>
      %dma_start3A_9 = arith.constant 0 : i32
      %dma_start3A_10 = arith.constant 0 : i32
      %dma_start3A_11 = tpu.memref_slice %arg2[%add3A, %dma_start3A_9, %dma_start3A_10] : memref<32x26x128xi32, #tpu.memory_space<hbm>> -> memref<1x26x128xi32, #tpu.memory_space<hbm>>
      %dma_start3A_12 = tpu.memref_squeeze %dma_start3A_11 : memref<1x26x128xi32, #tpu.memory_space<hbm>> -> memref<26x128xi32, #tpu.memory_space<hbm>>
      tpu.enqueue_dma source(%dma_start3A_12 : memref<26x128xi32, #tpu.memory_space<hbm>>) target(%arg5 : memref<26x128xi32, #tpu.memory_space<vmem>>) target_semaphore(%run_scoped3A : memref<!tpu.dma_semaphore, #tpu.memory_space<semaphore_mem>>)
      %dma_wait3A = arith.constant 0 : i32
      %dma_wait3A_13 = arith.constant 0 : i32
      %dma_wait3A_14 = tpu.memref_slice %arg2[%add3A, %dma_wait3A, %dma_wait3A_13] : memref<32x26x128xi32, #tpu.memory_space<hbm>> -> memref<1x26x128xi32, #tpu.memory_space<hbm>>
      %dma_wait3A_15 = tpu.memref_squeeze %dma_wait3A_14 : memref<1x26x128xi32, #tpu.memory_space<hbm>> -> memref<26x128xi32, #tpu.memory_space<hbm>>
      %dma_wait3A_16 = arith.constant 0 : i32
      %dma_wait3A_17 = arith.constant 0 : i32
      %dma_wait3A_18 = tpu.memref_slice %arg2[%add3A, %dma_wait3A_16, %dma_wait3A_17] : memref<32x26x128xi32, #tpu.memory_space<hbm>> -> memref<1x26x128xi32, #tpu.memory_space<hbm>>
      %dma_wait3A_19 = tpu.memref_squeeze %dma_wait3A_18 : memref<1x26x128xi32, #tpu.memory_space<hbm>> -> memref<26x128xi32, #tpu.memory_space<hbm>>
      tpu.wait_dma2 semaphore(%run_scoped3A : memref<!tpu.dma_semaphore, #tpu.memory_space<semaphore_mem>>) src(%dma_wait3A_19 : memref<26x128xi32, #tpu.memory_space<hbm>>) dst(%arg5 : memref<26x128xi32, #tpu.memory_space<vmem>>)
      tpu.yield
    }) : () -> ()
    %scan3A = arith.constant 0 : i32
    %scan3A_1 = arith.constant 0 : i32
    %scan3A_2 = arith.constant 26 : i32
    %scan3A_3 = arith.addi %scan3A_1, %scan3A_2 : i32
    %scan3A_4 = arith.constant 1 : i32
    scf.for %scan3A_6 = %scan3A_1 to %scan3A_3 step %scan3A_4  : i32 {
      %mul3A_7 = arith.constant 3328 : i32
      %mul3A_8 = arith.muli %add3A, %mul3A_7 : i32
      %mul3A_9 = arith.constant 128 : i32
      %mul3A_10 = arith.muli %scan3A_6, %mul3A_9 : i32
      %add3A_11 = arith.addi %mul3A_8, %mul3A_10 : i32
      %dma_start3A = arith.constant 0 : i32
      %dma_start3A_12 = tpu.memref_slice %arg5[%scan3A_6, %dma_start3A] : memref<26x128xi32, #tpu.memory_space<vmem>> -> memref<1x128xi32, #tpu.memory_space<vmem>>
      %dma_start3A_13 = tpu.memref_squeeze %dma_start3A_12 : memref<1x128xi32, #tpu.memory_space<vmem>> -> memref<128xi32, #tpu.memory_space<vmem>>
      %dma_start3A_14 = arith.constant 0 : i32
      %dma_start3A_15 = arith.constant 0 : i32
      %dma_start3A_16 = tpu.memref_slice %arg3[%dma_start3A_14, %dma_start3A_15] : memref<65000x16xf32, #tpu.memory_space<hbm>> -> memref<65000x16xf32, #tpu.memory_space<hbm>>
      tpu.enqueue_indirect_dma source(%dma_start3A_16 : memref<65000x16xf32, #tpu.memory_space<hbm>>) target(%arg6 : memref<128x16xf32, #tpu.memory_space<vmem>>) offsets(%dma_start3A_13 : memref<128xi32, #tpu.memory_space<vmem>>) semaphore(%arg7 : memref<!tpu.dma_semaphore, #tpu.memory_space<semaphore_mem>>)
      %dma_wait3A = arith.constant 0 : i32
      %dma_wait3A_17 = tpu.memref_slice %arg5[%scan3A_6, %dma_wait3A] : memref<26x128xi32, #tpu.memory_space<vmem>> -> memref<1x128xi32, #tpu.memory_space<vmem>>
      %dma_wait3A_18 = tpu.memref_squeeze %dma_wait3A_17 : memref<1x128xi32, #tpu.memory_space<vmem>> -> memref<128xi32, #tpu.memory_space<vmem>>
      %dma_wait3A_19 = arith.constant 0 : i32
      %dma_wait3A_20 = arith.constant 0 : i32
      %dma_wait3A_21 = tpu.memref_slice %arg3[%dma_wait3A_19, %dma_wait3A_20] : memref<65000x16xf32, #tpu.memory_space<hbm>> -> memref<65000x16xf32, #tpu.memory_space<hbm>>
      tpu.wait_indirect_dma semaphore(%arg7 : memref<!tpu.dma_semaphore, #tpu.memory_space<semaphore_mem>>) src(%dma_wait3A_21 : memref<65000x16xf32, #tpu.memory_space<hbm>>) dst(%arg6 : memref<128x16xf32, #tpu.memory_space<vmem>>)
      "tpu.region"() ({
        %run_scoped3A = tpu.sem_alloc : memref<!tpu.dma_semaphore, #tpu.memory_space<semaphore_mem>>
        %dma_start3A_22 = arith.constant 0 : i32
        %dma_start3A_23 = tpu.memref_slice %arg4[%add3A_11, %dma_start3A_22] : memref<106496x16xf32, #tpu.memory_space<hbm>> -> memref<128x16xf32, #tpu.memory_space<hbm>>
        %dma_start3A_24 = arith.constant 0 : i32
        %dma_start3A_25 = tpu.memref_slice %arg4[%add3A_11, %dma_start3A_24] : memref<106496x16xf32, #tpu.memory_space<hbm>> -> memref<128x16xf32, #tpu.memory_space<hbm>>
        tpu.enqueue_dma source(%arg6 : memref<128x16xf32, #tpu.memory_space<vmem>>) target(%dma_start3A_25 : memref<128x16xf32, #tpu.memory_space<hbm>>) target_semaphore(%run_scoped3A : memref<!tpu.dma_semaphore, #tpu.memory_space<semaphore_mem>>)
        %dma_wait3A_26 = arith.constant 0 : i32
        %dma_wait3A_27 = tpu.memref_slice %arg4[%add3A_11, %dma_wait3A_26] : memref<106496x16xf32, #tpu.memory_space<hbm>> -> memref<128x16xf32, #tpu.memory_space<hbm>>
        %dma_wait3A_28 = arith.constant 0 : i32
        %dma_wait3A_29 = tpu.memref_slice %arg4[%add3A_11, %dma_wait3A_28] : memref<106496x16xf32, #tpu.memory_space<hbm>> -> memref<128x16xf32, #tpu.memory_space<hbm>>
        tpu.wait_dma2 semaphore(%run_scoped3A : memref<!tpu.dma_semaphore, #tpu.memory_space<semaphore_mem>>) src(%arg6 : memref<128x16xf32, #tpu.memory_space<vmem>>) dst(%dma_wait3A_29 : memref<128x16xf32, #tpu.memory_space<hbm>>)
        tpu.yield
      }) : () -> ()
    }
    %scan3A_5 = arith.constant 26 : i32
    return
  }
}

#map = affine_map<(d0, d1) -> (0, 0, 0)>
#map1 = affine_map<(d0, d1) -> (0, 0)>
module attributes {stable_mosaic.version = 14 : i64} {
  func.func @_sc_gather(%arg0: i32, %arg1: i32, %arg2: memref<32x13x128xi32, #tpu.memory_space<hbm>>, %arg3: memref<520000x128xf32, #tpu.memory_space<hbm>>, %arg4: memref<53248x128xf32, #tpu.memory_space<hbm>>, %arg5: memref<13x128xi32, #tpu.memory_space<vmem>>, %arg6: memref<128x128xf32, #tpu.memory_space<vmem>>, %arg7: memref<!tpu.dma_semaphore, #tpu.memory_space<semaphore_mem>>) attributes {dimension_semantics = [#tpu.dimension_semantics<core_parallel>, #tpu.dimension_semantics<subcore_parallel>], iteration_bounds = array<i64: 2, 16>, scalar_prefetch = 0 : i64, scratch_operands = 3 : i64, tpu.core_type = #tpu.core_type<sc_vector_subcore>, window_params = [{transform_indices = #map}, {transform_indices = #map1}, {transform_indices = #map1}]} {
    %mul3A = arith.constant 2 : i32
    %mul3A_0 = arith.muli %arg1, %mul3A : i32
    %add3A = arith.addi %mul3A_0, %arg0 : i32
    "tpu.region"() ({
      %run_scoped3A = tpu.sem_alloc : memref<!tpu.dma_semaphore, #tpu.memory_space<semaphore_mem>>
      %dma_start3A = arith.constant 0 : i32
      %dma_start3A_6 = arith.constant 0 : i32
      %dma_start3A_7 = tpu.memref_slice %arg2[%add3A, %dma_start3A, %dma_start3A_6] : memref<32x13x128xi32, #tpu.memory_space<hbm>> -> memref<1x13x128xi32, #tpu.memory_space<hbm>>
      %dma_start3A_8 = tpu.memref_squeeze %dma_start3A_7 : memref<1x13x128xi32, #tpu.memory_space<hbm>> -> memref<13x128xi32, #tpu.memory_space<hbm>>
      %dma_start3A_9 = arith.constant 0 : i32
      %dma_start3A_10 = arith.constant 0 : i32
      %dma_start3A_11 = tpu.memref_slice %arg2[%add3A, %dma_start3A_9, %dma_start3A_10] : memref<32x13x128xi32, #tpu.memory_space<hbm>> -> memref<1x13x128xi32, #tpu.memory_space<hbm>>
      %dma_start3A_12 = tpu.memref_squeeze %dma_start3A_11 : memref<1x13x128xi32, #tpu.memory_space<hbm>> -> memref<13x128xi32, #tpu.memory_space<hbm>>
      tpu.enqueue_dma source(%dma_start3A_12 : memref<13x128xi32, #tpu.memory_space<hbm>>) target(%arg5 : memref<13x128xi32, #tpu.memory_space<vmem>>) target_semaphore(%run_scoped3A : memref<!tpu.dma_semaphore, #tpu.memory_space<semaphore_mem>>)
      %dma_wait3A = arith.constant 0 : i32
      %dma_wait3A_13 = arith.constant 0 : i32
      %dma_wait3A_14 = tpu.memref_slice %arg2[%add3A, %dma_wait3A, %dma_wait3A_13] : memref<32x13x128xi32, #tpu.memory_space<hbm>> -> memref<1x13x128xi32, #tpu.memory_space<hbm>>
      %dma_wait3A_15 = tpu.memref_squeeze %dma_wait3A_14 : memref<1x13x128xi32, #tpu.memory_space<hbm>> -> memref<13x128xi32, #tpu.memory_space<hbm>>
      %dma_wait3A_16 = arith.constant 0 : i32
      %dma_wait3A_17 = arith.constant 0 : i32
      %dma_wait3A_18 = tpu.memref_slice %arg2[%add3A, %dma_wait3A_16, %dma_wait3A_17] : memref<32x13x128xi32, #tpu.memory_space<hbm>> -> memref<1x13x128xi32, #tpu.memory_space<hbm>>
      %dma_wait3A_19 = tpu.memref_squeeze %dma_wait3A_18 : memref<1x13x128xi32, #tpu.memory_space<hbm>> -> memref<13x128xi32, #tpu.memory_space<hbm>>
      tpu.wait_dma2 semaphore(%run_scoped3A : memref<!tpu.dma_semaphore, #tpu.memory_space<semaphore_mem>>) src(%dma_wait3A_19 : memref<13x128xi32, #tpu.memory_space<hbm>>) dst(%arg5 : memref<13x128xi32, #tpu.memory_space<vmem>>)
      tpu.yield
    }) : () -> ()
    %scan3A = arith.constant 0 : i32
    %scan3A_1 = arith.constant 0 : i32
    %scan3A_2 = arith.constant 13 : i32
    %scan3A_3 = arith.addi %scan3A_1, %scan3A_2 : i32
    %scan3A_4 = arith.constant 1 : i32
    scf.for %scan3A_6 = %scan3A_1 to %scan3A_3 step %scan3A_4  : i32 {
      %mul3A_7 = arith.constant 1664 : i32
      %mul3A_8 = arith.muli %add3A, %mul3A_7 : i32
      %mul3A_9 = arith.constant 128 : i32
      %mul3A_10 = arith.muli %scan3A_6, %mul3A_9 : i32
      %add3A_11 = arith.addi %mul3A_8, %mul3A_10 : i32
      %dma_start3A = arith.constant 0 : i32
      %dma_start3A_12 = tpu.memref_slice %arg5[%scan3A_6, %dma_start3A] : memref<13x128xi32, #tpu.memory_space<vmem>> -> memref<1x128xi32, #tpu.memory_space<vmem>>
      %dma_start3A_13 = tpu.memref_squeeze %dma_start3A_12 : memref<1x128xi32, #tpu.memory_space<vmem>> -> memref<128xi32, #tpu.memory_space<vmem>>
      %dma_start3A_14 = arith.constant 0 : i32
      %dma_start3A_15 = arith.constant 0 : i32
      %dma_start3A_16 = tpu.memref_slice %arg3[%dma_start3A_14, %dma_start3A_15] : memref<520000x128xf32, #tpu.memory_space<hbm>> -> memref<520000x128xf32, #tpu.memory_space<hbm>>
      tpu.enqueue_indirect_dma source(%dma_start3A_16 : memref<520000x128xf32, #tpu.memory_space<hbm>>) target(%arg6 : memref<128x128xf32, #tpu.memory_space<vmem>>) offsets(%dma_start3A_13 : memref<128xi32, #tpu.memory_space<vmem>>) semaphore(%arg7 : memref<!tpu.dma_semaphore, #tpu.memory_space<semaphore_mem>>)
      %dma_wait3A = arith.constant 0 : i32
      %dma_wait3A_17 = tpu.memref_slice %arg5[%scan3A_6, %dma_wait3A] : memref<13x128xi32, #tpu.memory_space<vmem>> -> memref<1x128xi32, #tpu.memory_space<vmem>>
      %dma_wait3A_18 = tpu.memref_squeeze %dma_wait3A_17 : memref<1x128xi32, #tpu.memory_space<vmem>> -> memref<128xi32, #tpu.memory_space<vmem>>
      %dma_wait3A_19 = arith.constant 0 : i32
      %dma_wait3A_20 = arith.constant 0 : i32
      %dma_wait3A_21 = tpu.memref_slice %arg3[%dma_wait3A_19, %dma_wait3A_20] : memref<520000x128xf32, #tpu.memory_space<hbm>> -> memref<520000x128xf32, #tpu.memory_space<hbm>>
      tpu.wait_indirect_dma semaphore(%arg7 : memref<!tpu.dma_semaphore, #tpu.memory_space<semaphore_mem>>) src(%dma_wait3A_21 : memref<520000x128xf32, #tpu.memory_space<hbm>>) dst(%arg6 : memref<128x128xf32, #tpu.memory_space<vmem>>)
      "tpu.region"() ({
        %run_scoped3A = tpu.sem_alloc : memref<!tpu.dma_semaphore, #tpu.memory_space<semaphore_mem>>
        %dma_start3A_22 = arith.constant 0 : i32
        %dma_start3A_23 = tpu.memref_slice %arg4[%add3A_11, %dma_start3A_22] : memref<53248x128xf32, #tpu.memory_space<hbm>> -> memref<128x128xf32, #tpu.memory_space<hbm>>
        %dma_start3A_24 = arith.constant 0 : i32
        %dma_start3A_25 = tpu.memref_slice %arg4[%add3A_11, %dma_start3A_24] : memref<53248x128xf32, #tpu.memory_space<hbm>> -> memref<128x128xf32, #tpu.memory_space<hbm>>
        tpu.enqueue_dma source(%arg6 : memref<128x128xf32, #tpu.memory_space<vmem>>) target(%dma_start3A_25 : memref<128x128xf32, #tpu.memory_space<hbm>>) target_semaphore(%run_scoped3A : memref<!tpu.dma_semaphore, #tpu.memory_space<semaphore_mem>>)
        %dma_wait3A_26 = arith.constant 0 : i32
        %dma_wait3A_27 = tpu.memref_slice %arg4[%add3A_11, %dma_wait3A_26] : memref<53248x128xf32, #tpu.memory_space<hbm>> -> memref<128x128xf32, #tpu.memory_space<hbm>>
        %dma_wait3A_28 = arith.constant 0 : i32
        %dma_wait3A_29 = tpu.memref_slice %arg4[%add3A_11, %dma_wait3A_28] : memref<53248x128xf32, #tpu.memory_space<hbm>> -> memref<128x128xf32, #tpu.memory_space<hbm>>
        tpu.wait_dma2 semaphore(%run_scoped3A : memref<!tpu.dma_semaphore, #tpu.memory_space<semaphore_mem>>) src(%arg6 : memref<128x128xf32, #tpu.memory_space<vmem>>) dst(%dma_wait3A_29 : memref<128x128xf32, #tpu.memory_space<hbm>>)
        tpu.yield
      }) : () -> ()
    }
    %scan3A_5 = arith.constant 13 : i32
    return
  }
}

#map = affine_map<(d0, d1) -> (0, 0, 0)>
#map1 = affine_map<(d0, d1) -> (0, 0)>
module attributes {stable_mosaic.version = 14 : i64} {
  func.func @_sc_gather(%arg0: i32, %arg1: i32, %arg2: memref<32x13x128xi32, #tpu.memory_space<hbm>>, %arg3: memref<520000x128xf32, #tpu.memory_space<hbm>>, %arg4: memref<53248x128xf32, #tpu.memory_space<hbm>>, %arg5: memref<13x128xi32, #tpu.memory_space<vmem>>, %arg6: memref<128x128xf32, #tpu.memory_space<vmem>>, %arg7: memref<!tpu.dma_semaphore, #tpu.memory_space<semaphore_mem>>) attributes {dimension_semantics = [#tpu.dimension_semantics<core_parallel>, #tpu.dimension_semantics<subcore_parallel>], iteration_bounds = array<i64: 2, 16>, scalar_prefetch = 0 : i64, scratch_operands = 3 : i64, tpu.core_type = #tpu.core_type<sc_vector_subcore>, window_params = [{transform_indices = #map}, {transform_indices = #map1}, {transform_indices = #map1}]} {
    %mul3A = arith.constant 2 : i32
    %mul3A_0 = arith.muli %arg1, %mul3A : i32
    %add3A = arith.addi %mul3A_0, %arg0 : i32
    "tpu.region"() ({
      %run_scoped3A = tpu.sem_alloc : memref<!tpu.dma_semaphore, #tpu.memory_space<semaphore_mem>>
      %dma_start3A = arith.constant 0 : i32
      %dma_start3A_6 = arith.constant 0 : i32
      %dma_start3A_7 = tpu.memref_slice %arg2[%add3A, %dma_start3A, %dma_start3A_6] : memref<32x13x128xi32, #tpu.memory_space<hbm>> -> memref<1x13x128xi32, #tpu.memory_space<hbm>>
      %dma_start3A_8 = tpu.memref_squeeze %dma_start3A_7 : memref<1x13x128xi32, #tpu.memory_space<hbm>> -> memref<13x128xi32, #tpu.memory_space<hbm>>
      %dma_start3A_9 = arith.constant 0 : i32
      %dma_start3A_10 = arith.constant 0 : i32
      %dma_start3A_11 = tpu.memref_slice %arg2[%add3A, %dma_start3A_9, %dma_start3A_10] : memref<32x13x128xi32, #tpu.memory_space<hbm>> -> memref<1x13x128xi32, #tpu.memory_space<hbm>>
      %dma_start3A_12 = tpu.memref_squeeze %dma_start3A_11 : memref<1x13x128xi32, #tpu.memory_space<hbm>> -> memref<13x128xi32, #tpu.memory_space<hbm>>
      tpu.enqueue_dma source(%dma_start3A_12 : memref<13x128xi32, #tpu.memory_space<hbm>>) target(%arg5 : memref<13x128xi32, #tpu.memory_space<vmem>>) target_semaphore(%run_scoped3A : memref<!tpu.dma_semaphore, #tpu.memory_space<semaphore_mem>>)
      %dma_wait3A = arith.constant 0 : i32
      %dma_wait3A_13 = arith.constant 0 : i32
      %dma_wait3A_14 = tpu.memref_slice %arg2[%add3A, %dma_wait3A, %dma_wait3A_13] : memref<32x13x128xi32, #tpu.memory_space<hbm>> -> memref<1x13x128xi32, #tpu.memory_space<hbm>>
      %dma_wait3A_15 = tpu.memref_squeeze %dma_wait3A_14 : memref<1x13x128xi32, #tpu.memory_space<hbm>> -> memref<13x128xi32, #tpu.memory_space<hbm>>
      %dma_wait3A_16 = arith.constant 0 : i32
      %dma_wait3A_17 = arith.constant 0 : i32
      %dma_wait3A_18 = tpu.memref_slice %arg2[%add3A, %dma_wait3A_16, %dma_wait3A_17] : memref<32x13x128xi32, #tpu.memory_space<hbm>> -> memref<1x13x128xi32, #tpu.memory_space<hbm>>
      %dma_wait3A_19 = tpu.memref_squeeze %dma_wait3A_18 : memref<1x13x128xi32, #tpu.memory_space<hbm>> -> memref<13x128xi32, #tpu.memory_space<hbm>>
      tpu.wait_dma2 semaphore(%run_scoped3A : memref<!tpu.dma_semaphore, #tpu.memory_space<semaphore_mem>>) src(%dma_wait3A_19 : memref<13x128xi32, #tpu.memory_space<hbm>>) dst(%arg5 : memref<13x128xi32, #tpu.memory_space<vmem>>)
      tpu.yield
    }) : () -> ()
    %scan3A = arith.constant 0 : i32
    %scan3A_1 = arith.constant 0 : i32
    %scan3A_2 = arith.constant 13 : i32
    %scan3A_3 = arith.addi %scan3A_1, %scan3A_2 : i32
    %scan3A_4 = arith.constant 1 : i32
    scf.for %scan3A_6 = %scan3A_1 to %scan3A_3 step %scan3A_4  : i32 {
      %mul3A_7 = arith.constant 1664 : i32
      %mul3A_8 = arith.muli %add3A, %mul3A_7 : i32
      %mul3A_9 = arith.constant 128 : i32
      %mul3A_10 = arith.muli %scan3A_6, %mul3A_9 : i32
      %add3A_11 = arith.addi %mul3A_8, %mul3A_10 : i32
      %dma_start3A = arith.constant 0 : i32
      %dma_start3A_12 = tpu.memref_slice %arg5[%scan3A_6, %dma_start3A] : memref<13x128xi32, #tpu.memory_space<vmem>> -> memref<1x128xi32, #tpu.memory_space<vmem>>
      %dma_start3A_13 = tpu.memref_squeeze %dma_start3A_12 : memref<1x128xi32, #tpu.memory_space<vmem>> -> memref<128xi32, #tpu.memory_space<vmem>>
      %dma_start3A_14 = arith.constant 0 : i32
      %dma_start3A_15 = arith.constant 0 : i32
      %dma_start3A_16 = tpu.memref_slice %arg3[%dma_start3A_14, %dma_start3A_15] : memref<520000x128xf32, #tpu.memory_space<hbm>> -> memref<520000x128xf32, #tpu.memory_space<hbm>>
      tpu.enqueue_indirect_dma source(%dma_start3A_16 : memref<520000x128xf32, #tpu.memory_space<hbm>>) target(%arg6 : memref<128x128xf32, #tpu.memory_space<vmem>>) offsets(%dma_start3A_13 : memref<128xi32, #tpu.memory_space<vmem>>) semaphore(%arg7 : memref<!tpu.dma_semaphore, #tpu.memory_space<semaphore_mem>>)
      %dma_wait3A = arith.constant 0 : i32
      %dma_wait3A_17 = tpu.memref_slice %arg5[%scan3A_6, %dma_wait3A] : memref<13x128xi32, #tpu.memory_space<vmem>> -> memref<1x128xi32, #tpu.memory_space<vmem>>
      %dma_wait3A_18 = tpu.memref_squeeze %dma_wait3A_17 : memref<1x128xi32, #tpu.memory_space<vmem>> -> memref<128xi32, #tpu.memory_space<vmem>>
      %dma_wait3A_19 = arith.constant 0 : i32
      %dma_wait3A_20 = arith.constant 0 : i32
      %dma_wait3A_21 = tpu.memref_slice %arg3[%dma_wait3A_19, %dma_wait3A_20] : memref<520000x128xf32, #tpu.memory_space<hbm>> -> memref<520000x128xf32, #tpu.memory_space<hbm>>
      tpu.wait_indirect_dma semaphore(%arg7 : memref<!tpu.dma_semaphore, #tpu.memory_space<semaphore_mem>>) src(%dma_wait3A_21 : memref<520000x128xf32, #tpu.memory_space<hbm>>) dst(%arg6 : memref<128x128xf32, #tpu.memory_space<vmem>>)
      "tpu.region"() ({
        %run_scoped3A = tpu.sem_alloc : memref<!tpu.dma_semaphore, #tpu.memory_space<semaphore_mem>>
        %dma_start3A_22 = arith.constant 0 : i32
        %dma_start3A_23 = tpu.memref_slice %arg4[%add3A_11, %dma_start3A_22] : memref<53248x128xf32, #tpu.memory_space<hbm>> -> memref<128x128xf32, #tpu.memory_space<hbm>>
        %dma_start3A_24 = arith.constant 0 : i32
        %dma_start3A_25 = tpu.memref_slice %arg4[%add3A_11, %dma_start3A_24] : memref<53248x128xf32, #tpu.memory_space<hbm>> -> memref<128x128xf32, #tpu.memory_space<hbm>>
        tpu.enqueue_dma source(%arg6 : memref<128x128xf32, #tpu.memory_space<vmem>>) target(%dma_start3A_25 : memref<128x128xf32, #tpu.memory_space<hbm>>) target_semaphore(%run_scoped3A : memref<!tpu.dma_semaphore, #tpu.memory_space<semaphore_mem>>)
        %dma_wait3A_26 = arith.constant 0 : i32
        %dma_wait3A_27 = tpu.memref_slice %arg4[%add3A_11, %dma_wait3A_26] : memref<53248x128xf32, #tpu.memory_space<hbm>> -> memref<128x128xf32, #tpu.memory_space<hbm>>
        %dma_wait3A_28 = arith.constant 0 : i32
        %dma_wait3A_29 = tpu.memref_slice %arg4[%add3A_11, %dma_wait3A_28] : memref<53248x128xf32, #tpu.memory_space<hbm>> -> memref<128x128xf32, #tpu.memory_space<hbm>>
        tpu.wait_dma2 semaphore(%run_scoped3A : memref<!tpu.dma_semaphore, #tpu.memory_space<semaphore_mem>>) src(%arg6 : memref<128x128xf32, #tpu.memory_space<vmem>>) dst(%dma_wait3A_29 : memref<128x128xf32, #tpu.memory_space<hbm>>)
        tpu.yield
      }) : () -> ()
    }
    %scan3A_5 = arith.constant 13 : i32
    return
  }
}

module attributes {stable_mosaic.version = 14 : i64} {
  func.func @_tr_body(%arg0: i32, %arg1: i32, %arg2: memref<200x4096xf32, #tpu.memory_space<vmem>>, %arg3: memref<1x4096x128xf32, #tpu.memory_space<vmem>>) attributes {dimension_semantics = [#tpu.dimension_semantics<arbitrary>, #tpu.dimension_semantics<arbitrary>], iteration_bounds = array<i64: 13, 10>, scalar_prefetch = 0 : i64, scratch_operands = 0 : i64, tpu.core_type = #tpu.core_type<tc>, window_params = [{transform_indices = @transform_0, window_bounds = array<i64: 200, 4096>}, {transform_indices = @transform_1, window_bounds = array<i64: 1, 4096, 128>}]} {
    %get3A = arith.constant 0 : index
    %get3A_0 = arith.constant 0 : index
    %get3A_1 = vector.load %arg2[%get3A, %get3A_0] : memref<200x4096xf32, #tpu.memory_space<vmem>>, vector<200x4096xf32>
    %transpose3A = tpu.transpose %get3A_1, [1, 0] : vector<200x4096xf32> -> vector<4096x200xf32>
    %slice3A = vector.extract_strided_slice %transpose3A {offsets = [0, 0], sizes = [4096, 128], strides = [1, 1]} : vector<4096x200xf32> to vector<4096x128xf32>
    %bitcast_convert_type3A = tpu.bitcast %slice3A : vector<4096x128xf32> -> vector<4096x128xi32>
    %shift_right_logical3A = arith.constant 16 : i32
    %shift_right_logical3A_2 = vector.broadcast %shift_right_logical3A : i32 to vector<4096x128xi32>
    %shift_right_logical3A_3 = arith.shrui %bitcast_convert_type3A, %shift_right_logical3A_2 : vector<4096x128xi32>
    %and3A = arith.constant 1 : i32
    %and3A_4 = vector.broadcast %and3A : i32 to vector<4096x128xi32>
    %and3A_5 = arith.andi %shift_right_logical3A_3, %and3A_4 : vector<4096x128xi32>
    %add3A = arith.constant 32767 : i32
    %add3A_6 = vector.broadcast %add3A : i32 to vector<4096x128xi32>
    %add3A_7 = arith.addi %bitcast_convert_type3A, %add3A_6 : vector<4096x128xi32>
    %add3A_8 = arith.addi %add3A_7, %and3A_5 : vector<4096x128xi32>
    %and3A_9 = arith.constant -65536 : i32
    %and3A_10 = vector.broadcast %and3A_9 : i32 to vector<4096x128xi32>
    %and3A_11 = arith.andi %add3A_8, %and3A_10 : vector<4096x128xi32>
    %slice3A_12 = vector.extract_strided_slice %transpose3A {offsets = [0, 128], sizes = [4096, 72], strides = [1, 1]} : vector<4096x200xf32> to vector<4096x72xf32>
    %broadcast_in_dim3A = arith.constant 0.000000e+00 : f32
    %broadcast_in_dim3A_13 = vector.broadcast %broadcast_in_dim3A : f32 to vector<4096x56xf32>
    %concatenate3A = tpu.concatenate %slice3A_12, %broadcast_in_dim3A_13 in 1 : vector<4096x72xf32>, vector<4096x56xf32> -> vector<4096x128xf32>
    %bitcast_convert_type3A_14 = tpu.bitcast %concatenate3A : vector<4096x128xf32> -> vector<4096x128xi32>
    %shift_right_logical3A_15 = arith.constant 16 : i32
    %shift_right_logical3A_16 = vector.broadcast %shift_right_logical3A_15 : i32 to vector<4096x128xi32>
    %shift_right_logical3A_17 = arith.shrui %bitcast_convert_type3A_14, %shift_right_logical3A_16 : vector<4096x128xi32>
    %and3A_18 = arith.constant 1 : i32
    %and3A_19 = vector.broadcast %and3A_18 : i32 to vector<4096x128xi32>
    %and3A_20 = arith.andi %shift_right_logical3A_17, %and3A_19 : vector<4096x128xi32>
    %add3A_21 = arith.constant 32767 : i32
    %add3A_22 = vector.broadcast %add3A_21 : i32 to vector<4096x128xi32>
    %add3A_23 = arith.addi %bitcast_convert_type3A_14, %add3A_22 : vector<4096x128xi32>
    %add3A_24 = arith.addi %add3A_23, %and3A_20 : vector<4096x128xi32>
    %and3A_25 = arith.constant -65536 : i32
    %and3A_26 = vector.broadcast %and3A_25 : i32 to vector<4096x128xi32>
    %and3A_27 = arith.andi %add3A_24, %and3A_26 : vector<4096x128xi32>
    %shift_right_logical3A_28 = arith.constant 16 : i32
    %shift_right_logical3A_29 = vector.broadcast %shift_right_logical3A_28 : i32 to vector<4096x128xi32>
    %shift_right_logical3A_30 = arith.shrui %and3A_27, %shift_right_logical3A_29 : vector<4096x128xi32>
    %or3A = arith.ori %and3A_11, %shift_right_logical3A_30 : vector<4096x128xi32>
    %bitcast_convert_type3A_31 = tpu.bitcast %or3A : vector<4096x128xi32> -> vector<4096x128xf32>
    %broadcast_in_dim3A_32 = vector.shape_cast %bitcast_convert_type3A_31 : vector<4096x128xf32> to vector<1x4096x128xf32>
    %swap3A = arith.constant 0 : index
    %swap3A_33 = arith.constant 0 : index
    %swap3A_34 = arith.constant 0 : index
    %swap3A_35 = vector.load %arg3[%swap3A, %swap3A_33, %swap3A_34] : memref<1x4096x128xf32, #tpu.memory_space<vmem>>, vector<1x4096x128xf32>
    tpu.vector_store %arg3[%swap3A, %swap3A_33, %swap3A_34], %broadcast_in_dim3A_32 {strides = array<i32>} : memref<1x4096x128xf32, #tpu.memory_space<vmem>>, vector<1x4096x128xf32>,
    return
  }
  func.func @transform_0(%arg0: i32, %arg1: i32) -> (i32, i32) {
    %add3A = arith.constant 0 : i32
    %add3A_0 = arith.addi %arg0, %add3A : i32
    %c0_i32 = arith.constant 0 : i32
    return %add3A_0, %arg1 : i32, i32
  }
  func.func @transform_1(%arg0: i32, %arg1: i32) -> (i32, i32, i32) {
    %c0_i32 = arith.constant 0 : i32
    %c0_i32_0 = arith.constant 0 : i32
    return %arg0, %arg1, %c0_i32 : i32, i32, i32
  }
}

module attributes {stable_mosaic.version = 14 : i64} {
  func.func @_tr_body(%arg0: i32, %arg1: i32, %arg2: memref<200x4096xf32, #tpu.memory_space<vmem>>, %arg3: memref<1x4096x128xf32, #tpu.memory_space<vmem>>) attributes {dimension_semantics = [#tpu.dimension_semantics<arbitrary>, #tpu.dimension_semantics<arbitrary>], iteration_bounds = array<i64: 13, 10>, scalar_prefetch = 0 : i64, scratch_operands = 0 : i64, tpu.core_type = #tpu.core_type<tc>, window_params = [{transform_indices = @transform_0, window_bounds = array<i64: 200, 4096>}, {transform_indices = @transform_1, window_bounds = array<i64: 1, 4096, 128>}]} {
    %get3A = arith.constant 0 : index
    %get3A_0 = arith.constant 0 : index
    %get3A_1 = vector.load %arg2[%get3A, %get3A_0] : memref<200x4096xf32, #tpu.memory_space<vmem>>, vector<200x4096xf32>
    %transpose3A = tpu.transpose %get3A_1, [1, 0] : vector<200x4096xf32> -> vector<4096x200xf32>
    %slice3A = vector.extract_strided_slice %transpose3A {offsets = [0, 0], sizes = [4096, 128], strides = [1, 1]} : vector<4096x200xf32> to vector<4096x128xf32>
    %bitcast_convert_type3A = tpu.bitcast %slice3A : vector<4096x128xf32> -> vector<4096x128xi32>
    %shift_right_logical3A = arith.constant 16 : i32
    %shift_right_logical3A_2 = vector.broadcast %shift_right_logical3A : i32 to vector<4096x128xi32>
    %shift_right_logical3A_3 = arith.shrui %bitcast_convert_type3A, %shift_right_logical3A_2 : vector<4096x128xi32>
    %and3A = arith.constant 1 : i32
    %and3A_4 = vector.broadcast %and3A : i32 to vector<4096x128xi32>
    %and3A_5 = arith.andi %shift_right_logical3A_3, %and3A_4 : vector<4096x128xi32>
    %add3A = arith.constant 32767 : i32
    %add3A_6 = vector.broadcast %add3A : i32 to vector<4096x128xi32>
    %add3A_7 = arith.addi %bitcast_convert_type3A, %add3A_6 : vector<4096x128xi32>
    %add3A_8 = arith.addi %add3A_7, %and3A_5 : vector<4096x128xi32>
    %and3A_9 = arith.constant -65536 : i32
    %and3A_10 = vector.broadcast %and3A_9 : i32 to vector<4096x128xi32>
    %and3A_11 = arith.andi %add3A_8, %and3A_10 : vector<4096x128xi32>
    %slice3A_12 = vector.extract_strided_slice %transpose3A {offsets = [0, 128], sizes = [4096, 72], strides = [1, 1]} : vector<4096x200xf32> to vector<4096x72xf32>
    %broadcast_in_dim3A = arith.constant 0.000000e+00 : f32
    %broadcast_in_dim3A_13 = vector.broadcast %broadcast_in_dim3A : f32 to vector<4096x56xf32>
    %concatenate3A = tpu.concatenate %slice3A_12, %broadcast_in_dim3A_13 in 1 : vector<4096x72xf32>, vector<4096x56xf32> -> vector<4096x128xf32>
    %bitcast_convert_type3A_14 = tpu.bitcast %concatenate3A : vector<4096x128xf32> -> vector<4096x128xi32>
    %shift_right_logical3A_15 = arith.constant 16 : i32
    %shift_right_logical3A_16 = vector.broadcast %shift_right_logical3A_15 : i32 to vector<4096x128xi32>
    %shift_right_logical3A_17 = arith.shrui %bitcast_convert_type3A_14, %shift_right_logical3A_16 : vector<4096x128xi32>
    %and3A_18 = arith.constant 1 : i32
    %and3A_19 = vector.broadcast %and3A_18 : i32 to vector<4096x128xi32>
    %and3A_20 = arith.andi %shift_right_logical3A_17, %and3A_19 : vector<4096x128xi32>
    %add3A_21 = arith.constant 32767 : i32
    %add3A_22 = vector.broadcast %add3A_21 : i32 to vector<4096x128xi32>
    %add3A_23 = arith.addi %bitcast_convert_type3A_14, %add3A_22 : vector<4096x128xi32>
    %add3A_24 = arith.addi %add3A_23, %and3A_20 : vector<4096x128xi32>
    %and3A_25 = arith.constant -65536 : i32
    %and3A_26 = vector.broadcast %and3A_25 : i32 to vector<4096x128xi32>
    %and3A_27 = arith.andi %add3A_24, %and3A_26 : vector<4096x128xi32>
    %shift_right_logical3A_28 = arith.constant 16 : i32
    %shift_right_logical3A_29 = vector.broadcast %shift_right_logical3A_28 : i32 to vector<4096x128xi32>
    %shift_right_logical3A_30 = arith.shrui %and3A_27, %shift_right_logical3A_29 : vector<4096x128xi32>
    %or3A = arith.ori %and3A_11, %shift_right_logical3A_30 : vector<4096x128xi32>
    %bitcast_convert_type3A_31 = tpu.bitcast %or3A : vector<4096x128xi32> -> vector<4096x128xf32>
    %broadcast_in_dim3A_32 = vector.shape_cast %bitcast_convert_type3A_31 : vector<4096x128xf32> to vector<1x4096x128xf32>
    %swap3A = arith.constant 0 : index
    %swap3A_33 = arith.constant 0 : index
    %swap3A_34 = arith.constant 0 : index
    %swap3A_35 = vector.load %arg3[%swap3A, %swap3A_33, %swap3A_34] : memref<1x4096x128xf32, #tpu.memory_space<vmem>>, vector<1x4096x128xf32>
    tpu.vector_store %arg3[%swap3A, %swap3A_33, %swap3A_34], %broadcast_in_dim3A_32 {strides = array<i32>} : memref<1x4096x128xf32, #tpu.memory_space<vmem>>, vector<1x4096x128xf32>,
    return
  }
  func.func @transform_0(%arg0: i32, %arg1: i32) -> (i32, i32) {
    %add3A = arith.constant 13 : i32
    %add3A_0 = arith.addi %arg0, %add3A : i32
    %c0_i32 = arith.constant 0 : i32
    return %add3A_0, %arg1 : i32, i32
  }
  func.func @transform_1(%arg0: i32, %arg1: i32) -> (i32, i32, i32) {
    %c0_i32 = arith.constant 0 : i32
    %c0_i32_0 = arith.constant 0 : i32
    return %arg0, %arg1, %c0_i32 : i32, i32, i32
  }
}

module attributes {stable_mosaic.version = 14 : i64} {
  func.func @_tc_body(%arg0: i32, %arg1: memref<256x1664xf32, #tpu.memory_space<vmem>>, %arg2: memref<256x1664xf32, #tpu.memory_space<vmem>>, %arg3: memref<256x416xf32, #tpu.memory_space<vmem>>, %arg4: memref<256x26xi32, #tpu.memory_space<vmem>>, %arg5: memref<3328x200xbf16, #tpu.memory_space<vmem>>, %arg6: memref<3328x200xbf16, #tpu.memory_space<vmem>>, %arg7: memref<1x200xf32, #tpu.memory_space<vmem>>, %arg8: memref<200x200xbf16, #tpu.memory_space<vmem>>, %arg9: memref<1x200xf32, #tpu.memory_space<vmem>>, %arg10: memref<200x200xbf16, #tpu.memory_space<vmem>>, %arg11: memref<1x200xf32, #tpu.memory_space<vmem>>, %arg12: memref<200x1xbf16, #tpu.memory_space<vmem>>, %arg13: memref<1x1xf32, #tpu.memory_space<vmem>>, %arg14: memref<256x1xf32, #tpu.memory_space<vmem>>) attributes {dimension_semantics = [#tpu.dimension_semantics<arbitrary>], iteration_bounds = array<i64: 16>, scalar_prefetch = 0 : i64, scratch_operands = 0 : i64, tpu.core_type = #tpu.core_type<tc>, window_params = [{transform_indices = @transform_0, window_bounds = array<i64: 256, 1664>}, {transform_indices = @transform_1, window_bounds = array<i64: 256, 1664>}, {transform_indices = @transform_2, window_bounds = array<i64: 256, 416>}, {transform_indices = @transform_3, window_bounds = array<i64: 256, 26>}, {pipeline_mode = #tpu.pipeline_mode<synchronous>, transform_indices = @transform_4, window_bounds = array<i64: 3328, 200>}, {pipeline_mode = #tpu.pipeline_mode<synchronous>, transform_indices = @transform_5, window_bounds = array<i64: 3328, 200>}, {pipeline_mode = #tpu.pipeline_mode<synchronous>, transform_indices = @transform_6, window_bounds = array<i64: 1, 200>}, {pipeline_mode = #tpu.pipeline_mode<synchronous>, transform_indices = @transform_7, window_bounds = array<i64: 200, 200>}, {pipeline_mode = #tpu.pipeline_mode<synchronous>, transform_indices = @transform_8, window_bounds = array<i64: 1, 200>}, {pipeline_mode = #tpu.pipeline_mode<synchronous>, transform_indices = @transform_9, window_bounds = array<i64: 200, 200>}, {pipeline_mode = #tpu.pipeline_mode<synchronous>, transform_indices = @transform_10, window_bounds = array<i64: 1, 200>}, {pipeline_mode = #tpu.pipeline_mode<synchronous>, transform_indices = @transform_11, window_bounds = array<i64: 200, 1>}, {pipeline_mode = #tpu.pipeline_mode<synchronous>, transform_indices = @transform_12, window_bounds = array<i64: 1, 1>}, {transform_indices = @transform_13, window_bounds = array<i64: 256, 1>}]} {
    %get3A = arith.constant 0 : index
    %get3A_0 = arith.constant 0 : index
    %get3A_1 = vector.load %arg4[%get3A, %get3A_0] : memref<256x26xi32, #tpu.memory_space<vmem>>, vector<256x26xi32>
    %iota3A = tpu.iota {dimensions = array<i32: 1>} : vector<256x16xi32>
    %broadcast_in_dim3A = arith.constant 0.000000e+00 : f32
    %broadcast_in_dim3A_2 = vector.broadcast %broadcast_in_dim3A : f32 to vector<256x128xf32>
    %broadcast_in_dim3A_3 = arith.constant 0.000000e+00 : f32
    %broadcast_in_dim3A_4 = vector.broadcast %broadcast_in_dim3A_3 : f32 to vector<256x128xf32>
    %broadcast_in_dim3A_5 = arith.constant 0.000000e+00 : f32
    %broadcast_in_dim3A_6 = vector.broadcast %broadcast_in_dim3A_5 : f32 to vector<256x1xf32>
    %broadcast_in_dim3A_7 = arith.constant 0.000000e+00 : f32
    %broadcast_in_dim3A_8 = vector.broadcast %broadcast_in_dim3A_7 : f32 to vector<256x1xf32>
    %broadcast_in_dim3A_9 = arith.constant 0.000000e+00 : f32
    %broadcast_in_dim3A_10 = vector.broadcast %broadcast_in_dim3A_9 : f32 to vector<256x200xf32>
    %get3A_11 = arith.constant 0 : index
    %get3A_12 = arith.constant 0 : index
    %get3A_13 = vector.load %arg1[%get3A_11, %get3A_12] : memref<256x1664xf32, #tpu.memory_space<vmem>>, vector<256x128xf32>
    %bitcast_convert_type3A = tpu.bitcast %get3A_13 : vector<256x128xf32> -> vector<256x128xi32>
    %and3A = arith.constant -65536 : i32
    %and3A_14 = vector.broadcast %and3A : i32 to vector<256x128xi32>
    %and3A_15 = arith.andi %bitcast_convert_type3A, %and3A_14 : vector<256x128xi32>
    %bitcast_convert_type3A_16 = tpu.bitcast %and3A_15 : vector<256x128xi32> -> vector<256x128xf32>
    %shift_left3A = arith.constant 16 : i32
    %shift_left3A_17 = vector.broadcast %shift_left3A : i32 to vector<256x128xi32>
    %shift_left3A_18 = arith.shli %bitcast_convert_type3A, %shift_left3A_17 : vector<256x128xi32>
    %bitcast_convert_type3A_19 = tpu.bitcast %shift_left3A_18 : vector<256x128xi32> -> vector<256x128xf32>
    %add3A = arith.addf %broadcast_in_dim3A_2, %bitcast_convert_type3A_16 : vector<256x128xf32>
    %add3A_20 = arith.addf %broadcast_in_dim3A_4, %bitcast_convert_type3A_19 : vector<256x128xf32>
    %mul3A = arith.mulf %bitcast_convert_type3A_16, %bitcast_convert_type3A_16 : vector<256x128xf32>
    %mul3A_21 = arith.mulf %bitcast_convert_type3A_19, %bitcast_convert_type3A_19 : vector<256x128xf32>
    %add3A_22 = arith.addf %mul3A, %mul3A_21 : vector<256x128xf32>
    %reduce_sum3A = arith.constant dense<0.000000e+00> : vector<256xf32>
    %reduce_sum3A_23 = vector.multi_reduction <add>, %add3A_22, %reduce_sum3A [1] : vector<256x128xf32> to vector<256xf32>
    %broadcast_in_dim3A_24 = vector.shape_cast %reduce_sum3A_23 : vector<256xf32> to vector<256x1xf32>
    %add3A_25 = arith.addf %broadcast_in_dim3A_6, %broadcast_in_dim3A_24 : vector<256x1xf32>
    %slice3A = vector.extract_strided_slice %get3A_1 {offsets = [0, 0], sizes = [256, 1], strides = [1, 1]} : vector<256x26xi32> to vector<256x1xi32>
    %eq3A = vector.broadcast %slice3A : vector<256x1xi32> to vector<256x16xi32>
    %eq3A_26 = arith.cmpi eq, %eq3A, %iota3A : vector<256x16xi32>
    %convert_element_type3A = arith.extui %eq3A_26 : vector<256x16xi1> to vector<256x16xi32>
    %convert_element_type3A_27 = arith.sitofp %convert_element_type3A : vector<256x16xi32> to vector<256x16xf32>
    %get3A_28 = arith.constant 0 : index
    %get3A_29 = arith.constant 0 : index
    %get3A_30 = vector.load %arg3[%get3A_28, %get3A_29] : memref<256x416xf32, #tpu.memory_space<vmem>>, vector<256x16xf32>
    %mul3A_31 = arith.mulf %get3A_30, %convert_element_type3A_27 : vector<256x16xf32>
    %reduce_sum3A_32 = arith.constant dense<0.000000e+00> : vector<256xf32>
    %reduce_sum3A_33 = vector.multi_reduction <add>, %mul3A_31, %reduce_sum3A_32 [1] : vector<256x16xf32> to vector<256xf32>
    %broadcast_in_dim3A_34 = vector.shape_cast %reduce_sum3A_33 : vector<256xf32> to vector<256x1xf32>
    %add3A_35 = arith.addf %broadcast_in_dim3A_8, %broadcast_in_dim3A_34 : vector<256x1xf32>
    %convert_element_type3A_36 = arith.truncf %bitcast_convert_type3A_16 : vector<256x128xf32> to vector<256x128xbf16>
    %get3A_37 = arith.constant 0 : index
    %get3A_38 = arith.constant 0 : index
    %get3A_39 = vector.load %arg5[%get3A_37, %get3A_38] : memref<3328x200xbf16, #tpu.memory_space<vmem>>, vector<128x200xbf16>
    %dot_general3A = arith.constant dense<0.000000e+00> : vector<256x200xf32>
    %dot_general3A_40 = tpu.matmul %convert_element_type3A_36, %get3A_39, %dot_general3A {dimension_numbers = #tpu.dot_dimension_numbers<[1], [0], [0], [1], [0, 0, 1, 1], [], []>, transpose_lhs_hint = false} : vector<256x128xbf16>, vector<128x200xbf16>, vector<256x200xf32> -> vector<256x200xf32>
    %add3A_41 = arith.addf %broadcast_in_dim3A_10, %dot_general3A_40 : vector<256x200xf32>
    %convert_element_type3A_42 = arith.truncf %bitcast_convert_type3A_19 : vector<256x128xf32> to vector<256x128xbf16>
    %get3A_43 = arith.constant 0 : index
    %get3A_44 = arith.constant 0 : index
    %get3A_45 = vector.load %arg6[%get3A_43, %get3A_44] : memref<3328x200xbf16, #tpu.memory_space<vmem>>, vector<128x200xbf16>
    %dot_general3A_46 = arith.constant dense<0.000000e+00> : vector<256x200xf32>
    %dot_general3A_47 = tpu.matmul %convert_element_type3A_42, %get3A_45, %dot_general3A_46 {dimension_numbers = #tpu.dot_dimension_numbers<[1], [0], [0], [1], [0, 0, 1, 1], [], []>, transpose_lhs_hint = false} : vector<256x128xbf16>, vector<128x200xbf16>, vector<256x200xf32> -> vector<256x200xf32>
    %add3A_48 = arith.addf %add3A_41, %dot_general3A_47 : vector<256x200xf32>
    %get3A_49 = arith.constant 0 : index
    %get3A_50 = arith.constant 128 : index
    %get3A_51 = vector.load %arg1[%get3A_49, %get3A_50] : memref<256x1664xf32, #tpu.memory_space<vmem>>, vector<256x128xf32>
    %bitcast_convert_type3A_52 = tpu.bitcast %get3A_51 : vector<256x128xf32> -> vector<256x128xi32>
    %and3A_53 = arith.constant -65536 : i32
    %and3A_54 = vector.broadcast %and3A_53 : i32 to vector<256x128xi32>
    %and3A_55 = arith.andi %bitcast_convert_type3A_52, %and3A_54 : vector<256x128xi32>
    %bitcast_convert_type3A_56 = tpu.bitcast %and3A_55 : vector<256x128xi32> -> vector<256x128xf32>
    %shift_left3A_57 = arith.constant 16 : i32
    %shift_left3A_58 = vector.broadcast %shift_left3A_57 : i32 to vector<256x128xi32>
    %shift_left3A_59 = arith.shli %bitcast_convert_type3A_52, %shift_left3A_58 : vector<256x128xi32>
    %bitcast_convert_type3A_60 = tpu.bitcast %shift_left3A_59 : vector<256x128xi32> -> vector<256x128xf32>
    %add3A_61 = arith.addf %add3A, %bitcast_convert_type3A_56 : vector<256x128xf32>
    %add3A_62 = arith.addf %add3A_20, %bitcast_convert_type3A_60 : vector<256x128xf32>
    %mul3A_63 = arith.mulf %bitcast_convert_type3A_56, %bitcast_convert_type3A_56 : vector<256x128xf32>
    %mul3A_64 = arith.mulf %bitcast_convert_type3A_60, %bitcast_convert_type3A_60 : vector<256x128xf32>
    %add3A_65 = arith.addf %mul3A_63, %mul3A_64 : vector<256x128xf32>
    %reduce_sum3A_66 = arith.constant dense<0.000000e+00> : vector<256xf32>
    %reduce_sum3A_67 = vector.multi_reduction <add>, %add3A_65, %reduce_sum3A_66 [1] : vector<256x128xf32> to vector<256xf32>
    %broadcast_in_dim3A_68 = vector.shape_cast %reduce_sum3A_67 : vector<256xf32> to vector<256x1xf32>
    %add3A_69 = arith.addf %add3A_25, %broadcast_in_dim3A_68 : vector<256x1xf32>
    %slice3A_70 = vector.extract_strided_slice %get3A_1 {offsets = [0, 1], sizes = [256, 1], strides = [1, 1]} : vector<256x26xi32> to vector<256x1xi32>
    %eq3A_71 = vector.broadcast %slice3A_70 : vector<256x1xi32> to vector<256x16xi32>
    %eq3A_72 = arith.cmpi eq, %eq3A_71, %iota3A : vector<256x16xi32>
    %convert_element_type3A_73 = arith.extui %eq3A_72 : vector<256x16xi1> to vector<256x16xi32>
    %convert_element_type3A_74 = arith.sitofp %convert_element_type3A_73 : vector<256x16xi32> to vector<256x16xf32>
    %get3A_75 = arith.constant 0 : index
    %get3A_76 = arith.constant 16 : index
    %get3A_77 = vector.load %arg3[%get3A_75, %get3A_76] : memref<256x416xf32, #tpu.memory_space<vmem>>, vector<256x16xf32>
    %mul3A_78 = arith.mulf %get3A_77, %convert_element_type3A_74 : vector<256x16xf32>
    %reduce_sum3A_79 = arith.constant dense<0.000000e+00> : vector<256xf32>
    %reduce_sum3A_80 = vector.multi_reduction <add>, %mul3A_78, %reduce_sum3A_79 [1] : vector<256x16xf32> to vector<256xf32>
    %broadcast_in_dim3A_81 = vector.shape_cast %reduce_sum3A_80 : vector<256xf32> to vector<256x1xf32>
    %add3A_82 = arith.addf %add3A_35, %broadcast_in_dim3A_81 : vector<256x1xf32>
    %convert_element_type3A_83 = arith.truncf %bitcast_convert_type3A_56 : vector<256x128xf32> to vector<256x128xbf16>
    %get3A_84 = arith.constant 128 : index
    %get3A_85 = arith.constant 0 : index
    %get3A_86 = vector.load %arg5[%get3A_84, %get3A_85] : memref<3328x200xbf16, #tpu.memory_space<vmem>>, vector<128x200xbf16>
    %dot_general3A_87 = arith.constant dense<0.000000e+00> : vector<256x200xf32>
    %dot_general3A_88 = tpu.matmul %convert_element_type3A_83, %get3A_86, %dot_general3A_87 {dimension_numbers = #tpu.dot_dimension_numbers<[1], [0], [0], [1], [0, 0, 1, 1], [], []>, transpose_lhs_hint = false} : vector<256x128xbf16>, vector<128x200xbf16>, vector<256x200xf32> -> vector<256x200xf32>
    %add3A_89 = arith.addf %add3A_48, %dot_general3A_88 : vector<256x200xf32>
    %convert_element_type3A_90 = arith.truncf %bitcast_convert_type3A_60 : vector<256x128xf32> to vector<256x128xbf16>
    %get3A_91 = arith.constant 128 : index
    %get3A_92 = arith.constant 0 : index
    %get3A_93 = vector.load %arg6[%get3A_91, %get3A_92] : memref<3328x200xbf16, #tpu.memory_space<vmem>>, vector<128x200xbf16>
    %dot_general3A_94 = arith.constant dense<0.000000e+00> : vector<256x200xf32>
    %dot_general3A_95 = tpu.matmul %convert_element_type3A_90, %get3A_93, %dot_general3A_94 {dimension_numbers = #tpu.dot_dimension_numbers<[1], [0], [0], [1], [0, 0, 1, 1], [], []>, transpose_lhs_hint = false} : vector<256x128xbf16>, vector<128x200xbf16>, vector<256x200xf32> -> vector<256x200xf32>
    %add3A_96 = arith.addf %add3A_89, %dot_general3A_95 : vector<256x200xf32>
    %get3A_97 = arith.constant 0 : index
    %get3A_98 = arith.constant 256 : index
    %get3A_99 = vector.load %arg1[%get3A_97, %get3A_98] : memref<256x1664xf32, #tpu.memory_space<vmem>>, vector<256x128xf32>
    %bitcast_convert_type3A_100 = tpu.bitcast %get3A_99 : vector<256x128xf32> -> vector<256x128xi32>
    %and3A_101 = arith.constant -65536 : i32
    %and3A_102 = vector.broadcast %and3A_101 : i32 to vector<256x128xi32>
    %and3A_103 = arith.andi %bitcast_convert_type3A_100, %and3A_102 : vector<256x128xi32>
    %bitcast_convert_type3A_104 = tpu.bitcast %and3A_103 : vector<256x128xi32> -> vector<256x128xf32>
    %shift_left3A_105 = arith.constant 16 : i32
    %shift_left3A_106 = vector.broadcast %shift_left3A_105 : i32 to vector<256x128xi32>
    %shift_left3A_107 = arith.shli %bitcast_convert_type3A_100, %shift_left3A_106 : vector<256x128xi32>
    %bitcast_convert_type3A_108 = tpu.bitcast %shift_left3A_107 : vector<256x128xi32> -> vector<256x128xf32>
    %add3A_109 = arith.addf %add3A_61, %bitcast_convert_type3A_104 : vector<256x128xf32>
    %add3A_110 = arith.addf %add3A_62, %bitcast_convert_type3A_108 : vector<256x128xf32>
    %mul3A_111 = arith.mulf %bitcast_convert_type3A_104, %bitcast_convert_type3A_104 : vector<256x128xf32>
    %mul3A_112 = arith.mulf %bitcast_convert_type3A_108, %bitcast_convert_type3A_108 : vector<256x128xf32>
    %add3A_113 = arith.addf %mul3A_111, %mul3A_112 : vector<256x128xf32>
    %reduce_sum3A_114 = arith.constant dense<0.000000e+00> : vector<256xf32>
    %reduce_sum3A_115 = vector.multi_reduction <add>, %add3A_113, %reduce_sum3A_114 [1] : vector<256x128xf32> to vector<256xf32>
    %broadcast_in_dim3A_116 = vector.shape_cast %reduce_sum3A_115 : vector<256xf32> to vector<256x1xf32>
    %add3A_117 = arith.addf %add3A_69, %broadcast_in_dim3A_116 : vector<256x1xf32>
    %slice3A_118 = vector.extract_strided_slice %get3A_1 {offsets = [0, 2], sizes = [256, 1], strides = [1, 1]} : vector<256x26xi32> to vector<256x1xi32>
    %eq3A_119 = vector.broadcast %slice3A_118 : vector<256x1xi32> to vector<256x16xi32>
    %eq3A_120 = arith.cmpi eq, %eq3A_119, %iota3A : vector<256x16xi32>
    %convert_element_type3A_121 = arith.extui %eq3A_120 : vector<256x16xi1> to vector<256x16xi32>
    %convert_element_type3A_122 = arith.sitofp %convert_element_type3A_121 : vector<256x16xi32> to vector<256x16xf32>
    %get3A_123 = arith.constant 0 : index
    %get3A_124 = arith.constant 32 : index
    %get3A_125 = vector.load %arg3[%get3A_123, %get3A_124] : memref<256x416xf32, #tpu.memory_space<vmem>>, vector<256x16xf32>
    %mul3A_126 = arith.mulf %get3A_125, %convert_element_type3A_122 : vector<256x16xf32>
    %reduce_sum3A_127 = arith.constant dense<0.000000e+00> : vector<256xf32>
    %reduce_sum3A_128 = vector.multi_reduction <add>, %mul3A_126, %reduce_sum3A_127 [1] : vector<256x16xf32> to vector<256xf32>
    %broadcast_in_dim3A_129 = vector.shape_cast %reduce_sum3A_128 : vector<256xf32> to vector<256x1xf32>
    %add3A_130 = arith.addf %add3A_82, %broadcast_in_dim3A_129 : vector<256x1xf32>
    %convert_element_type3A_131 = arith.truncf %bitcast_convert_type3A_104 : vector<256x128xf32> to vector<256x128xbf16>
    %get3A_132 = arith.constant 256 : index
    %get3A_133 = arith.constant 0 : index
    %get3A_134 = vector.load %arg5[%get3A_132, %get3A_133] : memref<3328x200xbf16, #tpu.memory_space<vmem>>, vector<128x200xbf16>
    %dot_general3A_135 = arith.constant dense<0.000000e+00> : vector<256x200xf32>
    %dot_general3A_136 = tpu.matmul %convert_element_type3A_131, %get3A_134, %dot_general3A_135 {dimension_numbers = #tpu.dot_dimension_numbers<[1], [0], [0], [1], [0, 0, 1, 1], [], []>, transpose_lhs_hint = false} : vector<256x128xbf16>, vector<128x200xbf16>, vector<256x200xf32> -> vector<256x200xf32>
    %add3A_137 = arith.addf %add3A_96, %dot_general3A_136 : vector<256x200xf32>
    %convert_element_type3A_138 = arith.truncf %bitcast_convert_type3A_108 : vector<256x128xf32> to vector<256x128xbf16>
    %get3A_139 = arith.constant 256 : index
    %get3A_140 = arith.constant 0 : index
    %get3A_141 = vector.load %arg6[%get3A_139, %get3A_140] : memref<3328x200xbf16, #tpu.memory_space<vmem>>, vector<128x200xbf16>
    %dot_general3A_142 = arith.constant dense<0.000000e+00> : vector<256x200xf32>
    %dot_general3A_143 = tpu.matmul %convert_element_type3A_138, %get3A_141, %dot_general3A_142 {dimension_numbers = #tpu.dot_dimension_numbers<[1], [0], [0], [1], [0, 0, 1, 1], [], []>, transpose_lhs_hint = false} : vector<256x128xbf16>, vector<128x200xbf16>, vector<256x200xf32> -> vector<256x200xf32>
    %add3A_144 = arith.addf %add3A_137, %dot_general3A_143 : vector<256x200xf32>
    %get3A_145 = arith.constant 0 : index
    %get3A_146 = arith.constant 384 : index
    %get3A_147 = vector.load %arg1[%get3A_145, %get3A_146] : memref<256x1664xf32, #tpu.memory_space<vmem>>, vector<256x128xf32>
    %bitcast_convert_type3A_148 = tpu.bitcast %get3A_147 : vector<256x128xf32> -> vector<256x128xi32>
    %and3A_149 = arith.constant -65536 : i32
    %and3A_150 = vector.broadcast %and3A_149 : i32 to vector<256x128xi32>
    %and3A_151 = arith.andi %bitcast_convert_type3A_148, %and3A_150 : vector<256x128xi32>
    %bitcast_convert_type3A_152 = tpu.bitcast %and3A_151 : vector<256x128xi32> -> vector<256x128xf32>
    %shift_left3A_153 = arith.constant 16 : i32
    %shift_left3A_154 = vector.broadcast %shift_left3A_153 : i32 to vector<256x128xi32>
    %shift_left3A_155 = arith.shli %bitcast_convert_type3A_148, %shift_left3A_154 : vector<256x128xi32>
    %bitcast_convert_type3A_156 = tpu.bitcast %shift_left3A_155 : vector<256x128xi32> -> vector<256x128xf32>
    %add3A_157 = arith.addf %add3A_109, %bitcast_convert_type3A_152 : vector<256x128xf32>
    %add3A_158 = arith.addf %add3A_110, %bitcast_convert_type3A_156 : vector<256x128xf32>
    %mul3A_159 = arith.mulf %bitcast_convert_type3A_152, %bitcast_convert_type3A_152 : vector<256x128xf32>
    %mul3A_160 = arith.mulf %bitcast_convert_type3A_156, %bitcast_convert_type3A_156 : vector<256x128xf32>
    %add3A_161 = arith.addf %mul3A_159, %mul3A_160 : vector<256x128xf32>
    %reduce_sum3A_162 = arith.constant dense<0.000000e+00> : vector<256xf32>
    %reduce_sum3A_163 = vector.multi_reduction <add>, %add3A_161, %reduce_sum3A_162 [1] : vector<256x128xf32> to vector<256xf32>
    %broadcast_in_dim3A_164 = vector.shape_cast %reduce_sum3A_163 : vector<256xf32> to vector<256x1xf32>
    %add3A_165 = arith.addf %add3A_117, %broadcast_in_dim3A_164 : vector<256x1xf32>
    %slice3A_166 = vector.extract_strided_slice %get3A_1 {offsets = [0, 3], sizes = [256, 1], strides = [1, 1]} : vector<256x26xi32> to vector<256x1xi32>
    %eq3A_167 = vector.broadcast %slice3A_166 : vector<256x1xi32> to vector<256x16xi32>
    %eq3A_168 = arith.cmpi eq, %eq3A_167, %iota3A : vector<256x16xi32>
    %convert_element_type3A_169 = arith.extui %eq3A_168 : vector<256x16xi1> to vector<256x16xi32>
    %convert_element_type3A_170 = arith.sitofp %convert_element_type3A_169 : vector<256x16xi32> to vector<256x16xf32>
    %get3A_171 = arith.constant 0 : index
    %get3A_172 = arith.constant 48 : index
    %get3A_173 = vector.load %arg3[%get3A_171, %get3A_172] : memref<256x416xf32, #tpu.memory_space<vmem>>, vector<256x16xf32>
    %mul3A_174 = arith.mulf %get3A_173, %convert_element_type3A_170 : vector<256x16xf32>
    %reduce_sum3A_175 = arith.constant dense<0.000000e+00> : vector<256xf32>
    %reduce_sum3A_176 = vector.multi_reduction <add>, %mul3A_174, %reduce_sum3A_175 [1] : vector<256x16xf32> to vector<256xf32>
    %broadcast_in_dim3A_177 = vector.shape_cast %reduce_sum3A_176 : vector<256xf32> to vector<256x1xf32>
    %add3A_178 = arith.addf %add3A_130, %broadcast_in_dim3A_177 : vector<256x1xf32>
    %convert_element_type3A_179 = arith.truncf %bitcast_convert_type3A_152 : vector<256x128xf32> to vector<256x128xbf16>
    %get3A_180 = arith.constant 384 : index
    %get3A_181 = arith.constant 0 : index
    %get3A_182 = vector.load %arg5[%get3A_180, %get3A_181] : memref<3328x200xbf16, #tpu.memory_space<vmem>>, vector<128x200xbf16>
    %dot_general3A_183 = arith.constant dense<0.000000e+00> : vector<256x200xf32>
    %dot_general3A_184 = tpu.matmul %convert_element_type3A_179, %get3A_182, %dot_general3A_183 {dimension_numbers = #tpu.dot_dimension_numbers<[1], [0], [0], [1], [0, 0, 1, 1], [], []>, transpose_lhs_hint = false} : vector<256x128xbf16>, vector<128x200xbf16>, vector<256x200xf32> -> vector<256x200xf32>
    %add3A_185 = arith.addf %add3A_144, %dot_general3A_184 : vector<256x200xf32>
    %convert_element_type3A_186 = arith.truncf %bitcast_convert_type3A_156 : vector<256x128xf32> to vector<256x128xbf16>
    %get3A_187 = arith.constant 384 : index
    %get3A_188 = arith.constant 0 : index
    %get3A_189 = vector.load %arg6[%get3A_187, %get3A_188] : memref<3328x200xbf16, #tpu.memory_space<vmem>>, vector<128x200xbf16>
    %dot_general3A_190 = arith.constant dense<0.000000e+00> : vector<256x200xf32>
    %dot_general3A_191 = tpu.matmul %convert_element_type3A_186, %get3A_189, %dot_general3A_190 {dimension_numbers = #tpu.dot_dimension_numbers<[1], [0], [0], [1], [0, 0, 1, 1], [], []>, transpose_lhs_hint = false} : vector<256x128xbf16>, vector<128x200xbf16>, vector<256x200xf32> -> vector<256x200xf32>
    %add3A_192 = arith.addf %add3A_185, %dot_general3A_191 : vector<256x200xf32>
    %get3A_193 = arith.constant 0 : index
    %get3A_194 = arith.constant 512 : index
    %get3A_195 = vector.load %arg1[%get3A_193, %get3A_194] : memref<256x1664xf32, #tpu.memory_space<vmem>>, vector<256x128xf32>
    %bitcast_convert_type3A_196 = tpu.bitcast %get3A_195 : vector<256x128xf32> -> vector<256x128xi32>
    %and3A_197 = arith.constant -65536 : i32
    %and3A_198 = vector.broadcast %and3A_197 : i32 to vector<256x128xi32>
    %and3A_199 = arith.andi %bitcast_convert_type3A_196, %and3A_198 : vector<256x128xi32>
    %bitcast_convert_type3A_200 = tpu.bitcast %and3A_199 : vector<256x128xi32> -> vector<256x128xf32>
    %shift_left3A_201 = arith.constant 16 : i32
    %shift_left3A_202 = vector.broadcast %shift_left3A_201 : i32 to vector<256x128xi32>
    %shift_left3A_203 = arith.shli %bitcast_convert_type3A_196, %shift_left3A_202 : vector<256x128xi32>
    %bitcast_convert_type3A_204 = tpu.bitcast %shift_left3A_203 : vector<256x128xi32> -> vector<256x128xf32>
    %add3A_205 = arith.addf %add3A_157, %bitcast_convert_type3A_200 : vector<256x128xf32>
    %add3A_206 = arith.addf %add3A_158, %bitcast_convert_type3A_204 : vector<256x128xf32>
    %mul3A_207 = arith.mulf %bitcast_convert_type3A_200, %bitcast_convert_type3A_200 : vector<256x128xf32>
    %mul3A_208 = arith.mulf %bitcast_convert_type3A_204, %bitcast_convert_type3A_204 : vector<256x128xf32>
    %add3A_209 = arith.addf %mul3A_207, %mul3A_208 : vector<256x128xf32>
    %reduce_sum3A_210 = arith.constant dense<0.000000e+00> : vector<256xf32>
    %reduce_sum3A_211 = vector.multi_reduction <add>, %add3A_209, %reduce_sum3A_210 [1] : vector<256x128xf32> to vector<256xf32>
    %broadcast_in_dim3A_212 = vector.shape_cast %reduce_sum3A_211 : vector<256xf32> to vector<256x1xf32>
    %add3A_213 = arith.addf %add3A_165, %broadcast_in_dim3A_212 : vector<256x1xf32>
    %slice3A_214 = vector.extract_strided_slice %get3A_1 {offsets = [0, 4], sizes = [256, 1], strides = [1, 1]} : vector<256x26xi32> to vector<256x1xi32>
    %eq3A_215 = vector.broadcast %slice3A_214 : vector<256x1xi32> to vector<256x16xi32>
    %eq3A_216 = arith.cmpi eq, %eq3A_215, %iota3A : vector<256x16xi32>
    %convert_element_type3A_217 = arith.extui %eq3A_216 : vector<256x16xi1> to vector<256x16xi32>
    %convert_element_type3A_218 = arith.sitofp %convert_element_type3A_217 : vector<256x16xi32> to vector<256x16xf32>
    %get3A_219 = arith.constant 0 : index
    %get3A_220 = arith.constant 64 : index
    %get3A_221 = vector.load %arg3[%get3A_219, %get3A_220] : memref<256x416xf32, #tpu.memory_space<vmem>>, vector<256x16xf32>
    %mul3A_222 = arith.mulf %get3A_221, %convert_element_type3A_218 : vector<256x16xf32>
    %reduce_sum3A_223 = arith.constant dense<0.000000e+00> : vector<256xf32>
    %reduce_sum3A_224 = vector.multi_reduction <add>, %mul3A_222, %reduce_sum3A_223 [1] : vector<256x16xf32> to vector<256xf32>
    %broadcast_in_dim3A_225 = vector.shape_cast %reduce_sum3A_224 : vector<256xf32> to vector<256x1xf32>
    %add3A_226 = arith.addf %add3A_178, %broadcast_in_dim3A_225 : vector<256x1xf32>
    %convert_element_type3A_227 = arith.truncf %bitcast_convert_type3A_200 : vector<256x128xf32> to vector<256x128xbf16>
    %get3A_228 = arith.constant 512 : index
    %get3A_229 = arith.constant 0 : index
    %get3A_230 = vector.load %arg5[%get3A_228, %get3A_229] : memref<3328x200xbf16, #tpu.memory_space<vmem>>, vector<128x200xbf16>
    %dot_general3A_231 = arith.constant dense<0.000000e+00> : vector<256x200xf32>
    %dot_general3A_232 = tpu.matmul %convert_element_type3A_227, %get3A_230, %dot_general3A_231 {dimension_numbers = #tpu.dot_dimension_numbers<[1], [0], [0], [1], [0, 0, 1, 1], [], []>, transpose_lhs_hint = false} : vector<256x128xbf16>, vector<128x200xbf16>, vector<256x200xf32> -> vector<256x200xf32>
    %add3A_233 = arith.addf %add3A_192, %dot_general3A_232 : vector<256x200xf32>
    %convert_element_type3A_234 = arith.truncf %bitcast_convert_type3A_204 : vector<256x128xf32> to vector<256x128xbf16>
    %get3A_235 = arith.constant 512 : index
    %get3A_236 = arith.constant 0 : index
    %get3A_237 = vector.load %arg6[%get3A_235, %get3A_236] : memref<3328x200xbf16, #tpu.memory_space<vmem>>, vector<128x200xbf16>
    %dot_general3A_238 = arith.constant dense<0.000000e+00> : vector<256x200xf32>
    %dot_general3A_239 = tpu.matmul %convert_element_type3A_234, %get3A_237, %dot_general3A_238 {dimension_numbers = #tpu.dot_dimension_numbers<[1], [0], [0], [1], [0, 0, 1, 1], [], []>, transpose_lhs_hint = false} : vector<256x128xbf16>, vector<128x200xbf16>, vector<256x200xf32> -> vector<256x200xf32>
    %add3A_240 = arith.addf %add3A_233, %dot_general3A_239 : vector<256x200xf32>
    %get3A_241 = arith.constant 0 : index
    %get3A_242 = arith.constant 640 : index
    %get3A_243 = vector.load %arg1[%get3A_241, %get3A_242] : memref<256x1664xf32, #tpu.memory_space<vmem>>, vector<256x128xf32>
    %bitcast_convert_type3A_244 = tpu.bitcast %get3A_243 : vector<256x128xf32> -> vector<256x128xi32>
    %and3A_245 = arith.constant -65536 : i32
    %and3A_246 = vector.broadcast %and3A_245 : i32 to vector<256x128xi32>
    %and3A_247 = arith.andi %bitcast_convert_type3A_244, %and3A_246 : vector<256x128xi32>
    %bitcast_convert_type3A_248 = tpu.bitcast %and3A_247 : vector<256x128xi32> -> vector<256x128xf32>
    %shift_left3A_249 = arith.constant 16 : i32
    %shift_left3A_250 = vector.broadcast %shift_left3A_249 : i32 to vector<256x128xi32>
    %shift_left3A_251 = arith.shli %bitcast_convert_type3A_244, %shift_left3A_250 : vector<256x128xi32>
    %bitcast_convert_type3A_252 = tpu.bitcast %shift_left3A_251 : vector<256x128xi32> -> vector<256x128xf32>
    %add3A_253 = arith.addf %add3A_205, %bitcast_convert_type3A_248 : vector<256x128xf32>
    %add3A_254 = arith.addf %add3A_206, %bitcast_convert_type3A_252 : vector<256x128xf32>
    %mul3A_255 = arith.mulf %bitcast_convert_type3A_248, %bitcast_convert_type3A_248 : vector<256x128xf32>
    %mul3A_256 = arith.mulf %bitcast_convert_type3A_252, %bitcast_convert_type3A_252 : vector<256x128xf32>
    %add3A_257 = arith.addf %mul3A_255, %mul3A_256 : vector<256x128xf32>
    %reduce_sum3A_258 = arith.constant dense<0.000000e+00> : vector<256xf32>
    %reduce_sum3A_259 = vector.multi_reduction <add>, %add3A_257, %reduce_sum3A_258 [1] : vector<256x128xf32> to vector<256xf32>
    %broadcast_in_dim3A_260 = vector.shape_cast %reduce_sum3A_259 : vector<256xf32> to vector<256x1xf32>
    %add3A_261 = arith.addf %add3A_213, %broadcast_in_dim3A_260 : vector<256x1xf32>
    %slice3A_262 = vector.extract_strided_slice %get3A_1 {offsets = [0, 5], sizes = [256, 1], strides = [1, 1]} : vector<256x26xi32> to vector<256x1xi32>
    %eq3A_263 = vector.broadcast %slice3A_262 : vector<256x1xi32> to vector<256x16xi32>
    %eq3A_264 = arith.cmpi eq, %eq3A_263, %iota3A : vector<256x16xi32>
    %convert_element_type3A_265 = arith.extui %eq3A_264 : vector<256x16xi1> to vector<256x16xi32>
    %convert_element_type3A_266 = arith.sitofp %convert_element_type3A_265 : vector<256x16xi32> to vector<256x16xf32>
    %get3A_267 = arith.constant 0 : index
    %get3A_268 = arith.constant 80 : index
    %get3A_269 = vector.load %arg3[%get3A_267, %get3A_268] : memref<256x416xf32, #tpu.memory_space<vmem>>, vector<256x16xf32>
    %mul3A_270 = arith.mulf %get3A_269, %convert_element_type3A_266 : vector<256x16xf32>
    %reduce_sum3A_271 = arith.constant dense<0.000000e+00> : vector<256xf32>
    %reduce_sum3A_272 = vector.multi_reduction <add>, %mul3A_270, %reduce_sum3A_271 [1] : vector<256x16xf32> to vector<256xf32>
    %broadcast_in_dim3A_273 = vector.shape_cast %reduce_sum3A_272 : vector<256xf32> to vector<256x1xf32>
    %add3A_274 = arith.addf %add3A_226, %broadcast_in_dim3A_273 : vector<256x1xf32>
    %convert_element_type3A_275 = arith.truncf %bitcast_convert_type3A_248 : vector<256x128xf32> to vector<256x128xbf16>
    %get3A_276 = arith.constant 640 : index
    %get3A_277 = arith.constant 0 : index
    %get3A_278 = vector.load %arg5[%get3A_276, %get3A_277] : memref<3328x200xbf16, #tpu.memory_space<vmem>>, vector<128x200xbf16>
    %dot_general3A_279 = arith.constant dense<0.000000e+00> : vector<256x200xf32>
    %dot_general3A_280 = tpu.matmul %convert_element_type3A_275, %get3A_278, %dot_general3A_279 {dimension_numbers = #tpu.dot_dimension_numbers<[1], [0], [0], [1], [0, 0, 1, 1], [], []>, transpose_lhs_hint = false} : vector<256x128xbf16>, vector<128x200xbf16>, vector<256x200xf32> -> vector<256x200xf32>
    %add3A_281 = arith.addf %add3A_240, %dot_general3A_280 : vector<256x200xf32>
    %convert_element_type3A_282 = arith.truncf %bitcast_convert_type3A_252 : vector<256x128xf32> to vector<256x128xbf16>
    %get3A_283 = arith.constant 640 : index
    %get3A_284 = arith.constant 0 : index
    %get3A_285 = vector.load %arg6[%get3A_283, %get3A_284] : memref<3328x200xbf16, #tpu.memory_space<vmem>>, vector<128x200xbf16>
    %dot_general3A_286 = arith.constant dense<0.000000e+00> : vector<256x200xf32>
    %dot_general3A_287 = tpu.matmul %convert_element_type3A_282, %get3A_285, %dot_general3A_286 {dimension_numbers = #tpu.dot_dimension_numbers<[1], [0], [0], [1], [0, 0, 1, 1], [], []>, transpose_lhs_hint = false} : vector<256x128xbf16>, vector<128x200xbf16>, vector<256x200xf32> -> vector<256x200xf32>
    %add3A_288 = arith.addf %add3A_281, %dot_general3A_287 : vector<256x200xf32>
    %get3A_289 = arith.constant 0 : index
    %get3A_290 = arith.constant 768 : index
    %get3A_291 = vector.load %arg1[%get3A_289, %get3A_290] : memref<256x1664xf32, #tpu.memory_space<vmem>>, vector<256x128xf32>
    %bitcast_convert_type3A_292 = tpu.bitcast %get3A_291 : vector<256x128xf32> -> vector<256x128xi32>
    %and3A_293 = arith.constant -65536 : i32
    %and3A_294 = vector.broadcast %and3A_293 : i32 to vector<256x128xi32>
    %and3A_295 = arith.andi %bitcast_convert_type3A_292, %and3A_294 : vector<256x128xi32>
    %bitcast_convert_type3A_296 = tpu.bitcast %and3A_295 : vector<256x128xi32> -> vector<256x128xf32>
    %shift_left3A_297 = arith.constant 16 : i32
    %shift_left3A_298 = vector.broadcast %shift_left3A_297 : i32 to vector<256x128xi32>
    %shift_left3A_299 = arith.shli %bitcast_convert_type3A_292, %shift_left3A_298 : vector<256x128xi32>
    %bitcast_convert_type3A_300 = tpu.bitcast %shift_left3A_299 : vector<256x128xi32> -> vector<256x128xf32>
    %add3A_301 = arith.addf %add3A_253, %bitcast_convert_type3A_296 : vector<256x128xf32>
    %add3A_302 = arith.addf %add3A_254, %bitcast_convert_type3A_300 : vector<256x128xf32>
    %mul3A_303 = arith.mulf %bitcast_convert_type3A_296, %bitcast_convert_type3A_296 : vector<256x128xf32>
    %mul3A_304 = arith.mulf %bitcast_convert_type3A_300, %bitcast_convert_type3A_300 : vector<256x128xf32>
    %add3A_305 = arith.addf %mul3A_303, %mul3A_304 : vector<256x128xf32>
    %reduce_sum3A_306 = arith.constant dense<0.000000e+00> : vector<256xf32>
    %reduce_sum3A_307 = vector.multi_reduction <add>, %add3A_305, %reduce_sum3A_306 [1] : vector<256x128xf32> to vector<256xf32>
    %broadcast_in_dim3A_308 = vector.shape_cast %reduce_sum3A_307 : vector<256xf32> to vector<256x1xf32>
    %add3A_309 = arith.addf %add3A_261, %broadcast_in_dim3A_308 : vector<256x1xf32>
    %slice3A_310 = vector.extract_strided_slice %get3A_1 {offsets = [0, 6], sizes = [256, 1], strides = [1, 1]} : vector<256x26xi32> to vector<256x1xi32>
    %eq3A_311 = vector.broadcast %slice3A_310 : vector<256x1xi32> to vector<256x16xi32>
    %eq3A_312 = arith.cmpi eq, %eq3A_311, %iota3A : vector<256x16xi32>
    %convert_element_type3A_313 = arith.extui %eq3A_312 : vector<256x16xi1> to vector<256x16xi32>
    %convert_element_type3A_314 = arith.sitofp %convert_element_type3A_313 : vector<256x16xi32> to vector<256x16xf32>
    %get3A_315 = arith.constant 0 : index
    %get3A_316 = arith.constant 96 : index
    %get3A_317 = vector.load %arg3[%get3A_315, %get3A_316] : memref<256x416xf32, #tpu.memory_space<vmem>>, vector<256x16xf32>
    %mul3A_318 = arith.mulf %get3A_317, %convert_element_type3A_314 : vector<256x16xf32>
    %reduce_sum3A_319 = arith.constant dense<0.000000e+00> : vector<256xf32>
    %reduce_sum3A_320 = vector.multi_reduction <add>, %mul3A_318, %reduce_sum3A_319 [1] : vector<256x16xf32> to vector<256xf32>
    %broadcast_in_dim3A_321 = vector.shape_cast %reduce_sum3A_320 : vector<256xf32> to vector<256x1xf32>
    %add3A_322 = arith.addf %add3A_274, %broadcast_in_dim3A_321 : vector<256x1xf32>
    %convert_element_type3A_323 = arith.truncf %bitcast_convert_type3A_296 : vector<256x128xf32> to vector<256x128xbf16>
    %get3A_324 = arith.constant 768 : index
    %get3A_325 = arith.constant 0 : index
    %get3A_326 = vector.load %arg5[%get3A_324, %get3A_325] : memref<3328x200xbf16, #tpu.memory_space<vmem>>, vector<128x200xbf16>
    %dot_general3A_327 = arith.constant dense<0.000000e+00> : vector<256x200xf32>
    %dot_general3A_328 = tpu.matmul %convert_element_type3A_323, %get3A_326, %dot_general3A_327 {dimension_numbers = #tpu.dot_dimension_numbers<[1], [0], [0], [1], [0, 0, 1, 1], [], []>, transpose_lhs_hint = false} : vector<256x128xbf16>, vector<128x200xbf16>, vector<256x200xf32> -> vector<256x200xf32>
    %add3A_329 = arith.addf %add3A_288, %dot_general3A_328 : vector<256x200xf32>
    %convert_element_type3A_330 = arith.truncf %bitcast_convert_type3A_300 : vector<256x128xf32> to vector<256x128xbf16>
    %get3A_331 = arith.constant 768 : index
    %get3A_332 = arith.constant 0 : index
    %get3A_333 = vector.load %arg6[%get3A_331, %get3A_332] : memref<3328x200xbf16, #tpu.memory_space<vmem>>, vector<128x200xbf16>
    %dot_general3A_334 = arith.constant dense<0.000000e+00> : vector<256x200xf32>
    %dot_general3A_335 = tpu.matmul %convert_element_type3A_330, %get3A_333, %dot_general3A_334 {dimension_numbers = #tpu.dot_dimension_numbers<[1], [0], [0], [1], [0, 0, 1, 1], [], []>, transpose_lhs_hint = false} : vector<256x128xbf16>, vector<128x200xbf16>, vector<256x200xf32> -> vector<256x200xf32>
    %add3A_336 = arith.addf %add3A_329, %dot_general3A_335 : vector<256x200xf32>
    %get3A_337 = arith.constant 0 : index
    %get3A_338 = arith.constant 896 : index
    %get3A_339 = vector.load %arg1[%get3A_337, %get3A_338] : memref<256x1664xf32, #tpu.memory_space<vmem>>, vector<256x128xf32>
    %bitcast_convert_type3A_340 = tpu.bitcast %get3A_339 : vector<256x128xf32> -> vector<256x128xi32>
    %and3A_341 = arith.constant -65536 : i32
    %and3A_342 = vector.broadcast %and3A_341 : i32 to vector<256x128xi32>
    %and3A_343 = arith.andi %bitcast_convert_type3A_340, %and3A_342 : vector<256x128xi32>
    %bitcast_convert_type3A_344 = tpu.bitcast %and3A_343 : vector<256x128xi32> -> vector<256x128xf32>
    %shift_left3A_345 = arith.constant 16 : i32
    %shift_left3A_346 = vector.broadcast %shift_left3A_345 : i32 to vector<256x128xi32>
    %shift_left3A_347 = arith.shli %bitcast_convert_type3A_340, %shift_left3A_346 : vector<256x128xi32>
    %bitcast_convert_type3A_348 = tpu.bitcast %shift_left3A_347 : vector<256x128xi32> -> vector<256x128xf32>
    %add3A_349 = arith.addf %add3A_301, %bitcast_convert_type3A_344 : vector<256x128xf32>
    %add3A_350 = arith.addf %add3A_302, %bitcast_convert_type3A_348 : vector<256x128xf32>
    %mul3A_351 = arith.mulf %bitcast_convert_type3A_344, %bitcast_convert_type3A_344 : vector<256x128xf32>
    %mul3A_352 = arith.mulf %bitcast_convert_type3A_348, %bitcast_convert_type3A_348 : vector<256x128xf32>
    %add3A_353 = arith.addf %mul3A_351, %mul3A_352 : vector<256x128xf32>
    %reduce_sum3A_354 = arith.constant dense<0.000000e+00> : vector<256xf32>
    %reduce_sum3A_355 = vector.multi_reduction <add>, %add3A_353, %reduce_sum3A_354 [1] : vector<256x128xf32> to vector<256xf32>
    %broadcast_in_dim3A_356 = vector.shape_cast %reduce_sum3A_355 : vector<256xf32> to vector<256x1xf32>
    %add3A_357 = arith.addf %add3A_309, %broadcast_in_dim3A_356 : vector<256x1xf32>
    %slice3A_358 = vector.extract_strided_slice %get3A_1 {offsets = [0, 7], sizes = [256, 1], strides = [1, 1]} : vector<256x26xi32> to vector<256x1xi32>
    %eq3A_359 = vector.broadcast %slice3A_358 : vector<256x1xi32> to vector<256x16xi32>
    %eq3A_360 = arith.cmpi eq, %eq3A_359, %iota3A : vector<256x16xi32>
    %convert_element_type3A_361 = arith.extui %eq3A_360 : vector<256x16xi1> to vector<256x16xi32>
    %convert_element_type3A_362 = arith.sitofp %convert_element_type3A_361 : vector<256x16xi32> to vector<256x16xf32>
    %get3A_363 = arith.constant 0 : index
    %get3A_364 = arith.constant 112 : index
    %get3A_365 = vector.load %arg3[%get3A_363, %get3A_364] : memref<256x416xf32, #tpu.memory_space<vmem>>, vector<256x16xf32>
    %mul3A_366 = arith.mulf %get3A_365, %convert_element_type3A_362 : vector<256x16xf32>
    %reduce_sum3A_367 = arith.constant dense<0.000000e+00> : vector<256xf32>
    %reduce_sum3A_368 = vector.multi_reduction <add>, %mul3A_366, %reduce_sum3A_367 [1] : vector<256x16xf32> to vector<256xf32>
    %broadcast_in_dim3A_369 = vector.shape_cast %reduce_sum3A_368 : vector<256xf32> to vector<256x1xf32>
    %add3A_370 = arith.addf %add3A_322, %broadcast_in_dim3A_369 : vector<256x1xf32>
    %convert_element_type3A_371 = arith.truncf %bitcast_convert_type3A_344 : vector<256x128xf32> to vector<256x128xbf16>
    %get3A_372 = arith.constant 896 : index
    %get3A_373 = arith.constant 0 : index
    %get3A_374 = vector.load %arg5[%get3A_372, %get3A_373] : memref<3328x200xbf16, #tpu.memory_space<vmem>>, vector<128x200xbf16>
    %dot_general3A_375 = arith.constant dense<0.000000e+00> : vector<256x200xf32>
    %dot_general3A_376 = tpu.matmul %convert_element_type3A_371, %get3A_374, %dot_general3A_375 {dimension_numbers = #tpu.dot_dimension_numbers<[1], [0], [0], [1], [0, 0, 1, 1], [], []>, transpose_lhs_hint = false} : vector<256x128xbf16>, vector<128x200xbf16>, vector<256x200xf32> -> vector<256x200xf32>
    %add3A_377 = arith.addf %add3A_336, %dot_general3A_376 : vector<256x200xf32>
    %convert_element_type3A_378 = arith.truncf %bitcast_convert_type3A_348 : vector<256x128xf32> to vector<256x128xbf16>
    %get3A_379 = arith.constant 896 : index
    %get3A_380 = arith.constant 0 : index
    %get3A_381 = vector.load %arg6[%get3A_379, %get3A_380] : memref<3328x200xbf16, #tpu.memory_space<vmem>>, vector<128x200xbf16>
    %dot_general3A_382 = arith.constant dense<0.000000e+00> : vector<256x200xf32>
    %dot_general3A_383 = tpu.matmul %convert_element_type3A_378, %get3A_381, %dot_general3A_382 {dimension_numbers = #tpu.dot_dimension_numbers<[1], [0], [0], [1], [0, 0, 1, 1], [], []>, transpose_lhs_hint = false} : vector<256x128xbf16>, vector<128x200xbf16>, vector<256x200xf32> -> vector<256x200xf32>
    %add3A_384 = arith.addf %add3A_377, %dot_general3A_383 : vector<256x200xf32>
    %get3A_385 = arith.constant 0 : index
    %get3A_386 = arith.constant 1024 : index
    %get3A_387 = vector.load %arg1[%get3A_385, %get3A_386] : memref<256x1664xf32, #tpu.memory_space<vmem>>, vector<256x128xf32>
    %bitcast_convert_type3A_388 = tpu.bitcast %get3A_387 : vector<256x128xf32> -> vector<256x128xi32>
    %and3A_389 = arith.constant -65536 : i32
    %and3A_390 = vector.broadcast %and3A_389 : i32 to vector<256x128xi32>
    %and3A_391 = arith.andi %bitcast_convert_type3A_388, %and3A_390 : vector<256x128xi32>
    %bitcast_convert_type3A_392 = tpu.bitcast %and3A_391 : vector<256x128xi32> -> vector<256x128xf32>
    %shift_left3A_393 = arith.constant 16 : i32
    %shift_left3A_394 = vector.broadcast %shift_left3A_393 : i32 to vector<256x128xi32>
    %shift_left3A_395 = arith.shli %bitcast_convert_type3A_388, %shift_left3A_394 : vector<256x128xi32>
    %bitcast_convert_type3A_396 = tpu.bitcast %shift_left3A_395 : vector<256x128xi32> -> vector<256x128xf32>
    %add3A_397 = arith.addf %add3A_349, %bitcast_convert_type3A_392 : vector<256x128xf32>
    %add3A_398 = arith.addf %add3A_350, %bitcast_convert_type3A_396 : vector<256x128xf32>
    %mul3A_399 = arith.mulf %bitcast_convert_type3A_392, %bitcast_convert_type3A_392 : vector<256x128xf32>
    %mul3A_400 = arith.mulf %bitcast_convert_type3A_396, %bitcast_convert_type3A_396 : vector<256x128xf32>
    %add3A_401 = arith.addf %mul3A_399, %mul3A_400 : vector<256x128xf32>
    %reduce_sum3A_402 = arith.constant dense<0.000000e+00> : vector<256xf32>
    %reduce_sum3A_403 = vector.multi_reduction <add>, %add3A_401, %reduce_sum3A_402 [1] : vector<256x128xf32> to vector<256xf32>
    %broadcast_in_dim3A_404 = vector.shape_cast %reduce_sum3A_403 : vector<256xf32> to vector<256x1xf32>
    %add3A_405 = arith.addf %add3A_357, %broadcast_in_dim3A_404 : vector<256x1xf32>
    %slice3A_406 = vector.extract_strided_slice %get3A_1 {offsets = [0, 8], sizes = [256, 1], strides = [1, 1]} : vector<256x26xi32> to vector<256x1xi32>
    %eq3A_407 = vector.broadcast %slice3A_406 : vector<256x1xi32> to vector<256x16xi32>
    %eq3A_408 = arith.cmpi eq, %eq3A_407, %iota3A : vector<256x16xi32>
    %convert_element_type3A_409 = arith.extui %eq3A_408 : vector<256x16xi1> to vector<256x16xi32>
    %convert_element_type3A_410 = arith.sitofp %convert_element_type3A_409 : vector<256x16xi32> to vector<256x16xf32>
    %get3A_411 = arith.constant 0 : index
    %get3A_412 = arith.constant 128 : index
    %get3A_413 = vector.load %arg3[%get3A_411, %get3A_412] : memref<256x416xf32, #tpu.memory_space<vmem>>, vector<256x16xf32>
    %mul3A_414 = arith.mulf %get3A_413, %convert_element_type3A_410 : vector<256x16xf32>
    %reduce_sum3A_415 = arith.constant dense<0.000000e+00> : vector<256xf32>
    %reduce_sum3A_416 = vector.multi_reduction <add>, %mul3A_414, %reduce_sum3A_415 [1] : vector<256x16xf32> to vector<256xf32>
    %broadcast_in_dim3A_417 = vector.shape_cast %reduce_sum3A_416 : vector<256xf32> to vector<256x1xf32>
    %add3A_418 = arith.addf %add3A_370, %broadcast_in_dim3A_417 : vector<256x1xf32>
    %convert_element_type3A_419 = arith.truncf %bitcast_convert_type3A_392 : vector<256x128xf32> to vector<256x128xbf16>
    %get3A_420 = arith.constant 1024 : index
    %get3A_421 = arith.constant 0 : index
    %get3A_422 = vector.load %arg5[%get3A_420, %get3A_421] : memref<3328x200xbf16, #tpu.memory_space<vmem>>, vector<128x200xbf16>
    %dot_general3A_423 = arith.constant dense<0.000000e+00> : vector<256x200xf32>
    %dot_general3A_424 = tpu.matmul %convert_element_type3A_419, %get3A_422, %dot_general3A_423 {dimension_numbers = #tpu.dot_dimension_numbers<[1], [0], [0], [1], [0, 0, 1, 1], [], []>, transpose_lhs_hint = false} : vector<256x128xbf16>, vector<128x200xbf16>, vector<256x200xf32> -> vector<256x200xf32>
    %add3A_425 = arith.addf %add3A_384, %dot_general3A_424 : vector<256x200xf32>
    %convert_element_type3A_426 = arith.truncf %bitcast_convert_type3A_396 : vector<256x128xf32> to vector<256x128xbf16>
    %get3A_427 = arith.constant 1024 : index
    %get3A_428 = arith.constant 0 : index
    %get3A_429 = vector.load %arg6[%get3A_427, %get3A_428] : memref<3328x200xbf16, #tpu.memory_space<vmem>>, vector<128x200xbf16>
    %dot_general3A_430 = arith.constant dense<0.000000e+00> : vector<256x200xf32>
    %dot_general3A_431 = tpu.matmul %convert_element_type3A_426, %get3A_429, %dot_general3A_430 {dimension_numbers = #tpu.dot_dimension_numbers<[1], [0], [0], [1], [0, 0, 1, 1], [], []>, transpose_lhs_hint = false} : vector<256x128xbf16>, vector<128x200xbf16>, vector<256x200xf32> -> vector<256x200xf32>
    %add3A_432 = arith.addf %add3A_425, %dot_general3A_431 : vector<256x200xf32>
    %get3A_433 = arith.constant 0 : index
    %get3A_434 = arith.constant 1152 : index
    %get3A_435 = vector.load %arg1[%get3A_433, %get3A_434] : memref<256x1664xf32, #tpu.memory_space<vmem>>, vector<256x128xf32>
    %bitcast_convert_type3A_436 = tpu.bitcast %get3A_435 : vector<256x128xf32> -> vector<256x128xi32>
    %and3A_437 = arith.constant -65536 : i32
    %and3A_438 = vector.broadcast %and3A_437 : i32 to vector<256x128xi32>
    %and3A_439 = arith.andi %bitcast_convert_type3A_436, %and3A_438 : vector<256x128xi32>
    %bitcast_convert_type3A_440 = tpu.bitcast %and3A_439 : vector<256x128xi32> -> vector<256x128xf32>
    %shift_left3A_441 = arith.constant 16 : i32
    %shift_left3A_442 = vector.broadcast %shift_left3A_441 : i32 to vector<256x128xi32>
    %shift_left3A_443 = arith.shli %bitcast_convert_type3A_436, %shift_left3A_442 : vector<256x128xi32>
    %bitcast_convert_type3A_444 = tpu.bitcast %shift_left3A_443 : vector<256x128xi32> -> vector<256x128xf32>
    %add3A_445 = arith.addf %add3A_397, %bitcast_convert_type3A_440 : vector<256x128xf32>
    %add3A_446 = arith.addf %add3A_398, %bitcast_convert_type3A_444 : vector<256x128xf32>
    %mul3A_447 = arith.mulf %bitcast_convert_type3A_440, %bitcast_convert_type3A_440 : vector<256x128xf32>
    %mul3A_448 = arith.mulf %bitcast_convert_type3A_444, %bitcast_convert_type3A_444 : vector<256x128xf32>
    %add3A_449 = arith.addf %mul3A_447, %mul3A_448 : vector<256x128xf32>
    %reduce_sum3A_450 = arith.constant dense<0.000000e+00> : vector<256xf32>
    %reduce_sum3A_451 = vector.multi_reduction <add>, %add3A_449, %reduce_sum3A_450 [1] : vector<256x128xf32> to vector<256xf32>
    %broadcast_in_dim3A_452 = vector.shape_cast %reduce_sum3A_451 : vector<256xf32> to vector<256x1xf32>
    %add3A_453 = arith.addf %add3A_405, %broadcast_in_dim3A_452 : vector<256x1xf32>
    %slice3A_454 = vector.extract_strided_slice %get3A_1 {offsets = [0, 9], sizes = [256, 1], strides = [1, 1]} : vector<256x26xi32> to vector<256x1xi32>
    %eq3A_455 = vector.broadcast %slice3A_454 : vector<256x1xi32> to vector<256x16xi32>
    %eq3A_456 = arith.cmpi eq, %eq3A_455, %iota3A : vector<256x16xi32>
    %convert_element_type3A_457 = arith.extui %eq3A_456 : vector<256x16xi1> to vector<256x16xi32>
    %convert_element_type3A_458 = arith.sitofp %convert_element_type3A_457 : vector<256x16xi32> to vector<256x16xf32>
    %get3A_459 = arith.constant 0 : index
    %get3A_460 = arith.constant 144 : index
    %get3A_461 = vector.load %arg3[%get3A_459, %get3A_460] : memref<256x416xf32, #tpu.memory_space<vmem>>, vector<256x16xf32>
    %mul3A_462 = arith.mulf %get3A_461, %convert_element_type3A_458 : vector<256x16xf32>
    %reduce_sum3A_463 = arith.constant dense<0.000000e+00> : vector<256xf32>
    %reduce_sum3A_464 = vector.multi_reduction <add>, %mul3A_462, %reduce_sum3A_463 [1] : vector<256x16xf32> to vector<256xf32>
    %broadcast_in_dim3A_465 = vector.shape_cast %reduce_sum3A_464 : vector<256xf32> to vector<256x1xf32>
    %add3A_466 = arith.addf %add3A_418, %broadcast_in_dim3A_465 : vector<256x1xf32>
    %convert_element_type3A_467 = arith.truncf %bitcast_convert_type3A_440 : vector<256x128xf32> to vector<256x128xbf16>
    %get3A_468 = arith.constant 1152 : index
    %get3A_469 = arith.constant 0 : index
    %get3A_470 = vector.load %arg5[%get3A_468, %get3A_469] : memref<3328x200xbf16, #tpu.memory_space<vmem>>, vector<128x200xbf16>
    %dot_general3A_471 = arith.constant dense<0.000000e+00> : vector<256x200xf32>
    %dot_general3A_472 = tpu.matmul %convert_element_type3A_467, %get3A_470, %dot_general3A_471 {dimension_numbers = #tpu.dot_dimension_numbers<[1], [0], [0], [1], [0, 0, 1, 1], [], []>, transpose_lhs_hint = false} : vector<256x128xbf16>, vector<128x200xbf16>, vector<256x200xf32> -> vector<256x200xf32>
    %add3A_473 = arith.addf %add3A_432, %dot_general3A_472 : vector<256x200xf32>
    %convert_element_type3A_474 = arith.truncf %bitcast_convert_type3A_444 : vector<256x128xf32> to vector<256x128xbf16>
    %get3A_475 = arith.constant 1152 : index
    %get3A_476 = arith.constant 0 : index
    %get3A_477 = vector.load %arg6[%get3A_475, %get3A_476] : memref<3328x200xbf16, #tpu.memory_space<vmem>>, vector<128x200xbf16>
    %dot_general3A_478 = arith.constant dense<0.000000e+00> : vector<256x200xf32>
    %dot_general3A_479 = tpu.matmul %convert_element_type3A_474, %get3A_477, %dot_general3A_478 {dimension_numbers = #tpu.dot_dimension_numbers<[1], [0], [0], [1], [0, 0, 1, 1], [], []>, transpose_lhs_hint = false} : vector<256x128xbf16>, vector<128x200xbf16>, vector<256x200xf32> -> vector<256x200xf32>
    %add3A_480 = arith.addf %add3A_473, %dot_general3A_479 : vector<256x200xf32>
    %get3A_481 = arith.constant 0 : index
    %get3A_482 = arith.constant 1280 : index
    %get3A_483 = vector.load %arg1[%get3A_481, %get3A_482] : memref<256x1664xf32, #tpu.memory_space<vmem>>, vector<256x128xf32>
    %bitcast_convert_type3A_484 = tpu.bitcast %get3A_483 : vector<256x128xf32> -> vector<256x128xi32>
    %and3A_485 = arith.constant -65536 : i32
    %and3A_486 = vector.broadcast %and3A_485 : i32 to vector<256x128xi32>
    %and3A_487 = arith.andi %bitcast_convert_type3A_484, %and3A_486 : vector<256x128xi32>
    %bitcast_convert_type3A_488 = tpu.bitcast %and3A_487 : vector<256x128xi32> -> vector<256x128xf32>
    %shift_left3A_489 = arith.constant 16 : i32
    %shift_left3A_490 = vector.broadcast %shift_left3A_489 : i32 to vector<256x128xi32>
    %shift_left3A_491 = arith.shli %bitcast_convert_type3A_484, %shift_left3A_490 : vector<256x128xi32>
    %bitcast_convert_type3A_492 = tpu.bitcast %shift_left3A_491 : vector<256x128xi32> -> vector<256x128xf32>
    %add3A_493 = arith.addf %add3A_445, %bitcast_convert_type3A_488 : vector<256x128xf32>
    %add3A_494 = arith.addf %add3A_446, %bitcast_convert_type3A_492 : vector<256x128xf32>
    %mul3A_495 = arith.mulf %bitcast_convert_type3A_488, %bitcast_convert_type3A_488 : vector<256x128xf32>
    %mul3A_496 = arith.mulf %bitcast_convert_type3A_492, %bitcast_convert_type3A_492 : vector<256x128xf32>
    %add3A_497 = arith.addf %mul3A_495, %mul3A_496 : vector<256x128xf32>
    %reduce_sum3A_498 = arith.constant dense<0.000000e+00> : vector<256xf32>
    %reduce_sum3A_499 = vector.multi_reduction <add>, %add3A_497, %reduce_sum3A_498 [1] : vector<256x128xf32> to vector<256xf32>
    %broadcast_in_dim3A_500 = vector.shape_cast %reduce_sum3A_499 : vector<256xf32> to vector<256x1xf32>
    %add3A_501 = arith.addf %add3A_453, %broadcast_in_dim3A_500 : vector<256x1xf32>
    %slice3A_502 = vector.extract_strided_slice %get3A_1 {offsets = [0, 10], sizes = [256, 1], strides = [1, 1]} : vector<256x26xi32> to vector<256x1xi32>
    %eq3A_503 = vector.broadcast %slice3A_502 : vector<256x1xi32> to vector<256x16xi32>
    %eq3A_504 = arith.cmpi eq, %eq3A_503, %iota3A : vector<256x16xi32>
    %convert_element_type3A_505 = arith.extui %eq3A_504 : vector<256x16xi1> to vector<256x16xi32>
    %convert_element_type3A_506 = arith.sitofp %convert_element_type3A_505 : vector<256x16xi32> to vector<256x16xf32>
    %get3A_507 = arith.constant 0 : index
    %get3A_508 = arith.constant 160 : index
    %get3A_509 = vector.load %arg3[%get3A_507, %get3A_508] : memref<256x416xf32, #tpu.memory_space<vmem>>, vector<256x16xf32>
    %mul3A_510 = arith.mulf %get3A_509, %convert_element_type3A_506 : vector<256x16xf32>
    %reduce_sum3A_511 = arith.constant dense<0.000000e+00> : vector<256xf32>
    %reduce_sum3A_512 = vector.multi_reduction <add>, %mul3A_510, %reduce_sum3A_511 [1] : vector<256x16xf32> to vector<256xf32>
    %broadcast_in_dim3A_513 = vector.shape_cast %reduce_sum3A_512 : vector<256xf32> to vector<256x1xf32>
    %add3A_514 = arith.addf %add3A_466, %broadcast_in_dim3A_513 : vector<256x1xf32>
    %convert_element_type3A_515 = arith.truncf %bitcast_convert_type3A_488 : vector<256x128xf32> to vector<256x128xbf16>
    %get3A_516 = arith.constant 1280 : index
    %get3A_517 = arith.constant 0 : index
    %get3A_518 = vector.load %arg5[%get3A_516, %get3A_517] : memref<3328x200xbf16, #tpu.memory_space<vmem>>, vector<128x200xbf16>
    %dot_general3A_519 = arith.constant dense<0.000000e+00> : vector<256x200xf32>
    %dot_general3A_520 = tpu.matmul %convert_element_type3A_515, %get3A_518, %dot_general3A_519 {dimension_numbers = #tpu.dot_dimension_numbers<[1], [0], [0], [1], [0, 0, 1, 1], [], []>, transpose_lhs_hint = false} : vector<256x128xbf16>, vector<128x200xbf16>, vector<256x200xf32> -> vector<256x200xf32>
    %add3A_521 = arith.addf %add3A_480, %dot_general3A_520 : vector<256x200xf32>
    %convert_element_type3A_522 = arith.truncf %bitcast_convert_type3A_492 : vector<256x128xf32> to vector<256x128xbf16>
    %get3A_523 = arith.constant 1280 : index
    %get3A_524 = arith.constant 0 : index
    %get3A_525 = vector.load %arg6[%get3A_523, %get3A_524] : memref<3328x200xbf16, #tpu.memory_space<vmem>>, vector<128x200xbf16>
    %dot_general3A_526 = arith.constant dense<0.000000e+00> : vector<256x200xf32>
    %dot_general3A_527 = tpu.matmul %convert_element_type3A_522, %get3A_525, %dot_general3A_526 {dimension_numbers = #tpu.dot_dimension_numbers<[1], [0], [0], [1], [0, 0, 1, 1], [], []>, transpose_lhs_hint = false} : vector<256x128xbf16>, vector<128x200xbf16>, vector<256x200xf32> -> vector<256x200xf32>
    %add3A_528 = arith.addf %add3A_521, %dot_general3A_527 : vector<256x200xf32>
    %get3A_529 = arith.constant 0 : index
    %get3A_530 = arith.constant 1408 : index
    %get3A_531 = vector.load %arg1[%get3A_529, %get3A_530] : memref<256x1664xf32, #tpu.memory_space<vmem>>, vector<256x128xf32>
    %bitcast_convert_type3A_532 = tpu.bitcast %get3A_531 : vector<256x128xf32> -> vector<256x128xi32>
    %and3A_533 = arith.constant -65536 : i32
    %and3A_534 = vector.broadcast %and3A_533 : i32 to vector<256x128xi32>
    %and3A_535 = arith.andi %bitcast_convert_type3A_532, %and3A_534 : vector<256x128xi32>
    %bitcast_convert_type3A_536 = tpu.bitcast %and3A_535 : vector<256x128xi32> -> vector<256x128xf32>
    %shift_left3A_537 = arith.constant 16 : i32
    %shift_left3A_538 = vector.broadcast %shift_left3A_537 : i32 to vector<256x128xi32>
    %shift_left3A_539 = arith.shli %bitcast_convert_type3A_532, %shift_left3A_538 : vector<256x128xi32>
    %bitcast_convert_type3A_540 = tpu.bitcast %shift_left3A_539 : vector<256x128xi32> -> vector<256x128xf32>
    %add3A_541 = arith.addf %add3A_493, %bitcast_convert_type3A_536 : vector<256x128xf32>
    %add3A_542 = arith.addf %add3A_494, %bitcast_convert_type3A_540 : vector<256x128xf32>
    %mul3A_543 = arith.mulf %bitcast_convert_type3A_536, %bitcast_convert_type3A_536 : vector<256x128xf32>
    %mul3A_544 = arith.mulf %bitcast_convert_type3A_540, %bitcast_convert_type3A_540 : vector<256x128xf32>
    %add3A_545 = arith.addf %mul3A_543, %mul3A_544 : vector<256x128xf32>
    %reduce_sum3A_546 = arith.constant dense<0.000000e+00> : vector<256xf32>
    %reduce_sum3A_547 = vector.multi_reduction <add>, %add3A_545, %reduce_sum3A_546 [1] : vector<256x128xf32> to vector<256xf32>
    %broadcast_in_dim3A_548 = vector.shape_cast %reduce_sum3A_547 : vector<256xf32> to vector<256x1xf32>
    %add3A_549 = arith.addf %add3A_501, %broadcast_in_dim3A_548 : vector<256x1xf32>
    %slice3A_550 = vector.extract_strided_slice %get3A_1 {offsets = [0, 11], sizes = [256, 1], strides = [1, 1]} : vector<256x26xi32> to vector<256x1xi32>
    %eq3A_551 = vector.broadcast %slice3A_550 : vector<256x1xi32> to vector<256x16xi32>
    %eq3A_552 = arith.cmpi eq, %eq3A_551, %iota3A : vector<256x16xi32>
    %convert_element_type3A_553 = arith.extui %eq3A_552 : vector<256x16xi1> to vector<256x16xi32>
    %convert_element_type3A_554 = arith.sitofp %convert_element_type3A_553 : vector<256x16xi32> to vector<256x16xf32>
    %get3A_555 = arith.constant 0 : index
    %get3A_556 = arith.constant 176 : index
    %get3A_557 = vector.load %arg3[%get3A_555, %get3A_556] : memref<256x416xf32, #tpu.memory_space<vmem>>, vector<256x16xf32>
    %mul3A_558 = arith.mulf %get3A_557, %convert_element_type3A_554 : vector<256x16xf32>
    %reduce_sum3A_559 = arith.constant dense<0.000000e+00> : vector<256xf32>
    %reduce_sum3A_560 = vector.multi_reduction <add>, %mul3A_558, %reduce_sum3A_559 [1] : vector<256x16xf32> to vector<256xf32>
    %broadcast_in_dim3A_561 = vector.shape_cast %reduce_sum3A_560 : vector<256xf32> to vector<256x1xf32>
    %add3A_562 = arith.addf %add3A_514, %broadcast_in_dim3A_561 : vector<256x1xf32>
    %convert_element_type3A_563 = arith.truncf %bitcast_convert_type3A_536 : vector<256x128xf32> to vector<256x128xbf16>
    %get3A_564 = arith.constant 1408 : index
    %get3A_565 = arith.constant 0 : index
    %get3A_566 = vector.load %arg5[%get3A_564, %get3A_565] : memref<3328x200xbf16, #tpu.memory_space<vmem>>, vector<128x200xbf16>
    %dot_general3A_567 = arith.constant dense<0.000000e+00> : vector<256x200xf32>
    %dot_general3A_568 = tpu.matmul %convert_element_type3A_563, %get3A_566, %dot_general3A_567 {dimension_numbers = #tpu.dot_dimension_numbers<[1], [0], [0], [1], [0, 0, 1, 1], [], []>, transpose_lhs_hint = false} : vector<256x128xbf16>, vector<128x200xbf16>, vector<256x200xf32> -> vector<256x200xf32>
    %add3A_569 = arith.addf %add3A_528, %dot_general3A_568 : vector<256x200xf32>
    %convert_element_type3A_570 = arith.truncf %bitcast_convert_type3A_540 : vector<256x128xf32> to vector<256x128xbf16>
    %get3A_571 = arith.constant 1408 : index
    %get3A_572 = arith.constant 0 : index
    %get3A_573 = vector.load %arg6[%get3A_571, %get3A_572] : memref<3328x200xbf16, #tpu.memory_space<vmem>>, vector<128x200xbf16>
    %dot_general3A_574 = arith.constant dense<0.000000e+00> : vector<256x200xf32>
    %dot_general3A_575 = tpu.matmul %convert_element_type3A_570, %get3A_573, %dot_general3A_574 {dimension_numbers = #tpu.dot_dimension_numbers<[1], [0], [0], [1], [0, 0, 1, 1], [], []>, transpose_lhs_hint = false} : vector<256x128xbf16>, vector<128x200xbf16>, vector<256x200xf32> -> vector<256x200xf32>
    %add3A_576 = arith.addf %add3A_569, %dot_general3A_575 : vector<256x200xf32>
    %get3A_577 = arith.constant 0 : index
    %get3A_578 = arith.constant 1536 : index
    %get3A_579 = vector.load %arg1[%get3A_577, %get3A_578] : memref<256x1664xf32, #tpu.memory_space<vmem>>, vector<256x128xf32>
    %bitcast_convert_type3A_580 = tpu.bitcast %get3A_579 : vector<256x128xf32> -> vector<256x128xi32>
    %and3A_581 = arith.constant -65536 : i32
    %and3A_582 = vector.broadcast %and3A_581 : i32 to vector<256x128xi32>
    %and3A_583 = arith.andi %bitcast_convert_type3A_580, %and3A_582 : vector<256x128xi32>
    %bitcast_convert_type3A_584 = tpu.bitcast %and3A_583 : vector<256x128xi32> -> vector<256x128xf32>
    %shift_left3A_585 = arith.constant 16 : i32
    %shift_left3A_586 = vector.broadcast %shift_left3A_585 : i32 to vector<256x128xi32>
    %shift_left3A_587 = arith.shli %bitcast_convert_type3A_580, %shift_left3A_586 : vector<256x128xi32>
    %bitcast_convert_type3A_588 = tpu.bitcast %shift_left3A_587 : vector<256x128xi32> -> vector<256x128xf32>
    %add3A_589 = arith.addf %add3A_541, %bitcast_convert_type3A_584 : vector<256x128xf32>
    %add3A_590 = arith.addf %add3A_542, %bitcast_convert_type3A_588 : vector<256x128xf32>
    %mul3A_591 = arith.mulf %bitcast_convert_type3A_584, %bitcast_convert_type3A_584 : vector<256x128xf32>
    %mul3A_592 = arith.mulf %bitcast_convert_type3A_588, %bitcast_convert_type3A_588 : vector<256x128xf32>
    %add3A_593 = arith.addf %mul3A_591, %mul3A_592 : vector<256x128xf32>
    %reduce_sum3A_594 = arith.constant dense<0.000000e+00> : vector<256xf32>
    %reduce_sum3A_595 = vector.multi_reduction <add>, %add3A_593, %reduce_sum3A_594 [1] : vector<256x128xf32> to vector<256xf32>
    %broadcast_in_dim3A_596 = vector.shape_cast %reduce_sum3A_595 : vector<256xf32> to vector<256x1xf32>
    %add3A_597 = arith.addf %add3A_549, %broadcast_in_dim3A_596 : vector<256x1xf32>
    %slice3A_598 = vector.extract_strided_slice %get3A_1 {offsets = [0, 12], sizes = [256, 1], strides = [1, 1]} : vector<256x26xi32> to vector<256x1xi32>
    %eq3A_599 = vector.broadcast %slice3A_598 : vector<256x1xi32> to vector<256x16xi32>
    %eq3A_600 = arith.cmpi eq, %eq3A_599, %iota3A : vector<256x16xi32>
    %convert_element_type3A_601 = arith.extui %eq3A_600 : vector<256x16xi1> to vector<256x16xi32>
    %convert_element_type3A_602 = arith.sitofp %convert_element_type3A_601 : vector<256x16xi32> to vector<256x16xf32>
    %get3A_603 = arith.constant 0 : index
    %get3A_604 = arith.constant 192 : index
    %get3A_605 = vector.load %arg3[%get3A_603, %get3A_604] : memref<256x416xf32, #tpu.memory_space<vmem>>, vector<256x16xf32>
    %mul3A_606 = arith.mulf %get3A_605, %convert_element_type3A_602 : vector<256x16xf32>
    %reduce_sum3A_607 = arith.constant dense<0.000000e+00> : vector<256xf32>
    %reduce_sum3A_608 = vector.multi_reduction <add>, %mul3A_606, %reduce_sum3A_607 [1] : vector<256x16xf32> to vector<256xf32>
    %broadcast_in_dim3A_609 = vector.shape_cast %reduce_sum3A_608 : vector<256xf32> to vector<256x1xf32>
    %add3A_610 = arith.addf %add3A_562, %broadcast_in_dim3A_609 : vector<256x1xf32>
    %convert_element_type3A_611 = arith.truncf %bitcast_convert_type3A_584 : vector<256x128xf32> to vector<256x128xbf16>
    %get3A_612 = arith.constant 1536 : index
    %get3A_613 = arith.constant 0 : index
    %get3A_614 = vector.load %arg5[%get3A_612, %get3A_613] : memref<3328x200xbf16, #tpu.memory_space<vmem>>, vector<128x200xbf16>
    %dot_general3A_615 = arith.constant dense<0.000000e+00> : vector<256x200xf32>
    %dot_general3A_616 = tpu.matmul %convert_element_type3A_611, %get3A_614, %dot_general3A_615 {dimension_numbers = #tpu.dot_dimension_numbers<[1], [0], [0], [1], [0, 0, 1, 1], [], []>, transpose_lhs_hint = false} : vector<256x128xbf16>, vector<128x200xbf16>, vector<256x200xf32> -> vector<256x200xf32>
    %add3A_617 = arith.addf %add3A_576, %dot_general3A_616 : vector<256x200xf32>
    %convert_element_type3A_618 = arith.truncf %bitcast_convert_type3A_588 : vector<256x128xf32> to vector<256x128xbf16>
    %get3A_619 = arith.constant 1536 : index
    %get3A_620 = arith.constant 0 : index
    %get3A_621 = vector.load %arg6[%get3A_619, %get3A_620] : memref<3328x200xbf16, #tpu.memory_space<vmem>>, vector<128x200xbf16>
    %dot_general3A_622 = arith.constant dense<0.000000e+00> : vector<256x200xf32>
    %dot_general3A_623 = tpu.matmul %convert_element_type3A_618, %get3A_621, %dot_general3A_622 {dimension_numbers = #tpu.dot_dimension_numbers<[1], [0], [0], [1], [0, 0, 1, 1], [], []>, transpose_lhs_hint = false} : vector<256x128xbf16>, vector<128x200xbf16>, vector<256x200xf32> -> vector<256x200xf32>
    %add3A_624 = arith.addf %add3A_617, %dot_general3A_623 : vector<256x200xf32>
    %get3A_625 = arith.constant 0 : index
    %get3A_626 = arith.constant 0 : index
    %get3A_627 = vector.load %arg2[%get3A_625, %get3A_626] : memref<256x1664xf32, #tpu.memory_space<vmem>>, vector<256x128xf32>
    %bitcast_convert_type3A_628 = tpu.bitcast %get3A_627 : vector<256x128xf32> -> vector<256x128xi32>
    %and3A_629 = arith.constant -65536 : i32
    %and3A_630 = vector.broadcast %and3A_629 : i32 to vector<256x128xi32>
    %and3A_631 = arith.andi %bitcast_convert_type3A_628, %and3A_630 : vector<256x128xi32>
    %bitcast_convert_type3A_632 = tpu.bitcast %and3A_631 : vector<256x128xi32> -> vector<256x128xf32>
    %shift_left3A_633 = arith.constant 16 : i32
    %shift_left3A_634 = vector.broadcast %shift_left3A_633 : i32 to vector<256x128xi32>
    %shift_left3A_635 = arith.shli %bitcast_convert_type3A_628, %shift_left3A_634 : vector<256x128xi32>
    %bitcast_convert_type3A_636 = tpu.bitcast %shift_left3A_635 : vector<256x128xi32> -> vector<256x128xf32>
    %add3A_637 = arith.addf %add3A_589, %bitcast_convert_type3A_632 : vector<256x128xf32>
    %add3A_638 = arith.addf %add3A_590, %bitcast_convert_type3A_636 : vector<256x128xf32>
    %mul3A_639 = arith.mulf %bitcast_convert_type3A_632, %bitcast_convert_type3A_632 : vector<256x128xf32>
    %mul3A_640 = arith.mulf %bitcast_convert_type3A_636, %bitcast_convert_type3A_636 : vector<256x128xf32>
    %add3A_641 = arith.addf %mul3A_639, %mul3A_640 : vector<256x128xf32>
    %reduce_sum3A_642 = arith.constant dense<0.000000e+00> : vector<256xf32>
    %reduce_sum3A_643 = vector.multi_reduction <add>, %add3A_641, %reduce_sum3A_642 [1] : vector<256x128xf32> to vector<256xf32>
    %broadcast_in_dim3A_644 = vector.shape_cast %reduce_sum3A_643 : vector<256xf32> to vector<256x1xf32>
    %add3A_645 = arith.addf %add3A_597, %broadcast_in_dim3A_644 : vector<256x1xf32>
    %slice3A_646 = vector.extract_strided_slice %get3A_1 {offsets = [0, 13], sizes = [256, 1], strides = [1, 1]} : vector<256x26xi32> to vector<256x1xi32>
    %eq3A_647 = vector.broadcast %slice3A_646 : vector<256x1xi32> to vector<256x16xi32>
    %eq3A_648 = arith.cmpi eq, %eq3A_647, %iota3A : vector<256x16xi32>
    %convert_element_type3A_649 = arith.extui %eq3A_648 : vector<256x16xi1> to vector<256x16xi32>
    %convert_element_type3A_650 = arith.sitofp %convert_element_type3A_649 : vector<256x16xi32> to vector<256x16xf32>
    %get3A_651 = arith.constant 0 : index
    %get3A_652 = arith.constant 208 : index
    %get3A_653 = vector.load %arg3[%get3A_651, %get3A_652] : memref<256x416xf32, #tpu.memory_space<vmem>>, vector<256x16xf32>
    %mul3A_654 = arith.mulf %get3A_653, %convert_element_type3A_650 : vector<256x16xf32>
    %reduce_sum3A_655 = arith.constant dense<0.000000e+00> : vector<256xf32>
    %reduce_sum3A_656 = vector.multi_reduction <add>, %mul3A_654, %reduce_sum3A_655 [1] : vector<256x16xf32> to vector<256xf32>
    %broadcast_in_dim3A_657 = vector.shape_cast %reduce_sum3A_656 : vector<256xf32> to vector<256x1xf32>
    %add3A_658 = arith.addf %add3A_610, %broadcast_in_dim3A_657 : vector<256x1xf32>
    %convert_element_type3A_659 = arith.truncf %bitcast_convert_type3A_632 : vector<256x128xf32> to vector<256x128xbf16>
    %get3A_660 = arith.constant 1664 : index
    %get3A_661 = arith.constant 0 : index
    %get3A_662 = vector.load %arg5[%get3A_660, %get3A_661] : memref<3328x200xbf16, #tpu.memory_space<vmem>>, vector<128x200xbf16>
    %dot_general3A_663 = arith.constant dense<0.000000e+00> : vector<256x200xf32>
    %dot_general3A_664 = tpu.matmul %convert_element_type3A_659, %get3A_662, %dot_general3A_663 {dimension_numbers = #tpu.dot_dimension_numbers<[1], [0], [0], [1], [0, 0, 1, 1], [], []>, transpose_lhs_hint = false} : vector<256x128xbf16>, vector<128x200xbf16>, vector<256x200xf32> -> vector<256x200xf32>
    %add3A_665 = arith.addf %add3A_624, %dot_general3A_664 : vector<256x200xf32>
    %convert_element_type3A_666 = arith.truncf %bitcast_convert_type3A_636 : vector<256x128xf32> to vector<256x128xbf16>
    %get3A_667 = arith.constant 1664 : index
    %get3A_668 = arith.constant 0 : index
    %get3A_669 = vector.load %arg6[%get3A_667, %get3A_668] : memref<3328x200xbf16, #tpu.memory_space<vmem>>, vector<128x200xbf16>
    %dot_general3A_670 = arith.constant dense<0.000000e+00> : vector<256x200xf32>
    %dot_general3A_671 = tpu.matmul %convert_element_type3A_666, %get3A_669, %dot_general3A_670 {dimension_numbers = #tpu.dot_dimension_numbers<[1], [0], [0], [1], [0, 0, 1, 1], [], []>, transpose_lhs_hint = false} : vector<256x128xbf16>, vector<128x200xbf16>, vector<256x200xf32> -> vector<256x200xf32>
    %add3A_672 = arith.addf %add3A_665, %dot_general3A_671 : vector<256x200xf32>
    %get3A_673 = arith.constant 0 : index
    %get3A_674 = arith.constant 128 : index
    %get3A_675 = vector.load %arg2[%get3A_673, %get3A_674] : memref<256x1664xf32, #tpu.memory_space<vmem>>, vector<256x128xf32>
    %bitcast_convert_type3A_676 = tpu.bitcast %get3A_675 : vector<256x128xf32> -> vector<256x128xi32>
    %and3A_677 = arith.constant -65536 : i32
    %and3A_678 = vector.broadcast %and3A_677 : i32 to vector<256x128xi32>
    %and3A_679 = arith.andi %bitcast_convert_type3A_676, %and3A_678 : vector<256x128xi32>
    %bitcast_convert_type3A_680 = tpu.bitcast %and3A_679 : vector<256x128xi32> -> vector<256x128xf32>
    %shift_left3A_681 = arith.constant 16 : i32
    %shift_left3A_682 = vector.broadcast %shift_left3A_681 : i32 to vector<256x128xi32>
    %shift_left3A_683 = arith.shli %bitcast_convert_type3A_676, %shift_left3A_682 : vector<256x128xi32>
    %bitcast_convert_type3A_684 = tpu.bitcast %shift_left3A_683 : vector<256x128xi32> -> vector<256x128xf32>
    %add3A_685 = arith.addf %add3A_637, %bitcast_convert_type3A_680 : vector<256x128xf32>
    %add3A_686 = arith.addf %add3A_638, %bitcast_convert_type3A_684 : vector<256x128xf32>
    %mul3A_687 = arith.mulf %bitcast_convert_type3A_680, %bitcast_convert_type3A_680 : vector<256x128xf32>
    %mul3A_688 = arith.mulf %bitcast_convert_type3A_684, %bitcast_convert_type3A_684 : vector<256x128xf32>
    %add3A_689 = arith.addf %mul3A_687, %mul3A_688 : vector<256x128xf32>
    %reduce_sum3A_690 = arith.constant dense<0.000000e+00> : vector<256xf32>
    %reduce_sum3A_691 = vector.multi_reduction <add>, %add3A_689, %reduce_sum3A_690 [1] : vector<256x128xf32> to vector<256xf32>
    %broadcast_in_dim3A_692 = vector.shape_cast %reduce_sum3A_691 : vector<256xf32> to vector<256x1xf32>
    %add3A_693 = arith.addf %add3A_645, %broadcast_in_dim3A_692 : vector<256x1xf32>
    %slice3A_694 = vector.extract_strided_slice %get3A_1 {offsets = [0, 14], sizes = [256, 1], strides = [1, 1]} : vector<256x26xi32> to vector<256x1xi32>
    %eq3A_695 = vector.broadcast %slice3A_694 : vector<256x1xi32> to vector<256x16xi32>
    %eq3A_696 = arith.cmpi eq, %eq3A_695, %iota3A : vector<256x16xi32>
    %convert_element_type3A_697 = arith.extui %eq3A_696 : vector<256x16xi1> to vector<256x16xi32>
    %convert_element_type3A_698 = arith.sitofp %convert_element_type3A_697 : vector<256x16xi32> to vector<256x16xf32>
    %get3A_699 = arith.constant 0 : index
    %get3A_700 = arith.constant 224 : index
    %get3A_701 = vector.load %arg3[%get3A_699, %get3A_700] : memref<256x416xf32, #tpu.memory_space<vmem>>, vector<256x16xf32>
    %mul3A_702 = arith.mulf %get3A_701, %convert_element_type3A_698 : vector<256x16xf32>
    %reduce_sum3A_703 = arith.constant dense<0.000000e+00> : vector<256xf32>
    %reduce_sum3A_704 = vector.multi_reduction <add>, %mul3A_702, %reduce_sum3A_703 [1] : vector<256x16xf32> to vector<256xf32>
    %broadcast_in_dim3A_705 = vector.shape_cast %reduce_sum3A_704 : vector<256xf32> to vector<256x1xf32>
    %add3A_706 = arith.addf %add3A_658, %broadcast_in_dim3A_705 : vector<256x1xf32>
    %convert_element_type3A_707 = arith.truncf %bitcast_convert_type3A_680 : vector<256x128xf32> to vector<256x128xbf16>
    %get3A_708 = arith.constant 1792 : index
    %get3A_709 = arith.constant 0 : index
    %get3A_710 = vector.load %arg5[%get3A_708, %get3A_709] : memref<3328x200xbf16, #tpu.memory_space<vmem>>, vector<128x200xbf16>
    %dot_general3A_711 = arith.constant dense<0.000000e+00> : vector<256x200xf32>
    %dot_general3A_712 = tpu.matmul %convert_element_type3A_707, %get3A_710, %dot_general3A_711 {dimension_numbers = #tpu.dot_dimension_numbers<[1], [0], [0], [1], [0, 0, 1, 1], [], []>, transpose_lhs_hint = false} : vector<256x128xbf16>, vector<128x200xbf16>, vector<256x200xf32> -> vector<256x200xf32>
    %add3A_713 = arith.addf %add3A_672, %dot_general3A_712 : vector<256x200xf32>
    %convert_element_type3A_714 = arith.truncf %bitcast_convert_type3A_684 : vector<256x128xf32> to vector<256x128xbf16>
    %get3A_715 = arith.constant 1792 : index
    %get3A_716 = arith.constant 0 : index
    %get3A_717 = vector.load %arg6[%get3A_715, %get3A_716] : memref<3328x200xbf16, #tpu.memory_space<vmem>>, vector<128x200xbf16>
    %dot_general3A_718 = arith.constant dense<0.000000e+00> : vector<256x200xf32>
    %dot_general3A_719 = tpu.matmul %convert_element_type3A_714, %get3A_717, %dot_general3A_718 {dimension_numbers = #tpu.dot_dimension_numbers<[1], [0], [0], [1], [0, 0, 1, 1], [], []>, transpose_lhs_hint = false} : vector<256x128xbf16>, vector<128x200xbf16>, vector<256x200xf32> -> vector<256x200xf32>
    %add3A_720 = arith.addf %add3A_713, %dot_general3A_719 : vector<256x200xf32>
    %get3A_721 = arith.constant 0 : index
    %get3A_722 = arith.constant 256 : index
    %get3A_723 = vector.load %arg2[%get3A_721, %get3A_722] : memref<256x1664xf32, #tpu.memory_space<vmem>>, vector<256x128xf32>
    %bitcast_convert_type3A_724 = tpu.bitcast %get3A_723 : vector<256x128xf32> -> vector<256x128xi32>
    %and3A_725 = arith.constant -65536 : i32
    %and3A_726 = vector.broadcast %and3A_725 : i32 to vector<256x128xi32>
    %and3A_727 = arith.andi %bitcast_convert_type3A_724, %and3A_726 : vector<256x128xi32>
    %bitcast_convert_type3A_728 = tpu.bitcast %and3A_727 : vector<256x128xi32> -> vector<256x128xf32>
    %shift_left3A_729 = arith.constant 16 : i32
    %shift_left3A_730 = vector.broadcast %shift_left3A_729 : i32 to vector<256x128xi32>
    %shift_left3A_731 = arith.shli %bitcast_convert_type3A_724, %shift_left3A_730 : vector<256x128xi32>
    %bitcast_convert_type3A_732 = tpu.bitcast %shift_left3A_731 : vector<256x128xi32> -> vector<256x128xf32>
    %add3A_733 = arith.addf %add3A_685, %bitcast_convert_type3A_728 : vector<256x128xf32>
    %add3A_734 = arith.addf %add3A_686, %bitcast_convert_type3A_732 : vector<256x128xf32>
    %mul3A_735 = arith.mulf %bitcast_convert_type3A_728, %bitcast_convert_type3A_728 : vector<256x128xf32>
    %mul3A_736 = arith.mulf %bitcast_convert_type3A_732, %bitcast_convert_type3A_732 : vector<256x128xf32>
    %add3A_737 = arith.addf %mul3A_735, %mul3A_736 : vector<256x128xf32>
    %reduce_sum3A_738 = arith.constant dense<0.000000e+00> : vector<256xf32>
    %reduce_sum3A_739 = vector.multi_reduction <add>, %add3A_737, %reduce_sum3A_738 [1] : vector<256x128xf32> to vector<256xf32>
    %broadcast_in_dim3A_740 = vector.shape_cast %reduce_sum3A_739 : vector<256xf32> to vector<256x1xf32>
    %add3A_741 = arith.addf %add3A_693, %broadcast_in_dim3A_740 : vector<256x1xf32>
    %slice3A_742 = vector.extract_strided_slice %get3A_1 {offsets = [0, 15], sizes = [256, 1], strides = [1, 1]} : vector<256x26xi32> to vector<256x1xi32>
    %eq3A_743 = vector.broadcast %slice3A_742 : vector<256x1xi32> to vector<256x16xi32>
    %eq3A_744 = arith.cmpi eq, %eq3A_743, %iota3A : vector<256x16xi32>
    %convert_element_type3A_745 = arith.extui %eq3A_744 : vector<256x16xi1> to vector<256x16xi32>
    %convert_element_type3A_746 = arith.sitofp %convert_element_type3A_745 : vector<256x16xi32> to vector<256x16xf32>
    %get3A_747 = arith.constant 0 : index
    %get3A_748 = arith.constant 240 : index
    %get3A_749 = vector.load %arg3[%get3A_747, %get3A_748] : memref<256x416xf32, #tpu.memory_space<vmem>>, vector<256x16xf32>
    %mul3A_750 = arith.mulf %get3A_749, %convert_element_type3A_746 : vector<256x16xf32>
    %reduce_sum3A_751 = arith.constant dense<0.000000e+00> : vector<256xf32>
    %reduce_sum3A_752 = vector.multi_reduction <add>, %mul3A_750, %reduce_sum3A_751 [1] : vector<256x16xf32> to vector<256xf32>
    %broadcast_in_dim3A_753 = vector.shape_cast %reduce_sum3A_752 : vector<256xf32> to vector<256x1xf32>
    %add3A_754 = arith.addf %add3A_706, %broadcast_in_dim3A_753 : vector<256x1xf32>
    %convert_element_type3A_755 = arith.truncf %bitcast_convert_type3A_728 : vector<256x128xf32> to vector<256x128xbf16>
    %get3A_756 = arith.constant 1920 : index
    %get3A_757 = arith.constant 0 : index
    %get3A_758 = vector.load %arg5[%get3A_756, %get3A_757] : memref<3328x200xbf16, #tpu.memory_space<vmem>>, vector<128x200xbf16>
    %dot_general3A_759 = arith.constant dense<0.000000e+00> : vector<256x200xf32>
    %dot_general3A_760 = tpu.matmul %convert_element_type3A_755, %get3A_758, %dot_general3A_759 {dimension_numbers = #tpu.dot_dimension_numbers<[1], [0], [0], [1], [0, 0, 1, 1], [], []>, transpose_lhs_hint = false} : vector<256x128xbf16>, vector<128x200xbf16>, vector<256x200xf32> -> vector<256x200xf32>
    %add3A_761 = arith.addf %add3A_720, %dot_general3A_760 : vector<256x200xf32>
    %convert_element_type3A_762 = arith.truncf %bitcast_convert_type3A_732 : vector<256x128xf32> to vector<256x128xbf16>
    %get3A_763 = arith.constant 1920 : index
    %get3A_764 = arith.constant 0 : index
    %get3A_765 = vector.load %arg6[%get3A_763, %get3A_764] : memref<3328x200xbf16, #tpu.memory_space<vmem>>, vector<128x200xbf16>
    %dot_general3A_766 = arith.constant dense<0.000000e+00> : vector<256x200xf32>
    %dot_general3A_767 = tpu.matmul %convert_element_type3A_762, %get3A_765, %dot_general3A_766 {dimension_numbers = #tpu.dot_dimension_numbers<[1], [0], [0], [1], [0, 0, 1, 1], [], []>, transpose_lhs_hint = false} : vector<256x128xbf16>, vector<128x200xbf16>, vector<256x200xf32> -> vector<256x200xf32>
    %add3A_768 = arith.addf %add3A_761, %dot_general3A_767 : vector<256x200xf32>
    %get3A_769 = arith.constant 0 : index
    %get3A_770 = arith.constant 384 : index
    %get3A_771 = vector.load %arg2[%get3A_769, %get3A_770] : memref<256x1664xf32, #tpu.memory_space<vmem>>, vector<256x128xf32>
    %bitcast_convert_type3A_772 = tpu.bitcast %get3A_771 : vector<256x128xf32> -> vector<256x128xi32>
    %and3A_773 = arith.constant -65536 : i32
    %and3A_774 = vector.broadcast %and3A_773 : i32 to vector<256x128xi32>
    %and3A_775 = arith.andi %bitcast_convert_type3A_772, %and3A_774 : vector<256x128xi32>
    %bitcast_convert_type3A_776 = tpu.bitcast %and3A_775 : vector<256x128xi32> -> vector<256x128xf32>
    %shift_left3A_777 = arith.constant 16 : i32
    %shift_left3A_778 = vector.broadcast %shift_left3A_777 : i32 to vector<256x128xi32>
    %shift_left3A_779 = arith.shli %bitcast_convert_type3A_772, %shift_left3A_778 : vector<256x128xi32>
    %bitcast_convert_type3A_780 = tpu.bitcast %shift_left3A_779 : vector<256x128xi32> -> vector<256x128xf32>
    %add3A_781 = arith.addf %add3A_733, %bitcast_convert_type3A_776 : vector<256x128xf32>
    %add3A_782 = arith.addf %add3A_734, %bitcast_convert_type3A_780 : vector<256x128xf32>
    %mul3A_783 = arith.mulf %bitcast_convert_type3A_776, %bitcast_convert_type3A_776 : vector<256x128xf32>
    %mul3A_784 = arith.mulf %bitcast_convert_type3A_780, %bitcast_convert_type3A_780 : vector<256x128xf32>
    %add3A_785 = arith.addf %mul3A_783, %mul3A_784 : vector<256x128xf32>
    %reduce_sum3A_786 = arith.constant dense<0.000000e+00> : vector<256xf32>
    %reduce_sum3A_787 = vector.multi_reduction <add>, %add3A_785, %reduce_sum3A_786 [1] : vector<256x128xf32> to vector<256xf32>
    %broadcast_in_dim3A_788 = vector.shape_cast %reduce_sum3A_787 : vector<256xf32> to vector<256x1xf32>
    %add3A_789 = arith.addf %add3A_741, %broadcast_in_dim3A_788 : vector<256x1xf32>
    %slice3A_790 = vector.extract_strided_slice %get3A_1 {offsets = [0, 16], sizes = [256, 1], strides = [1, 1]} : vector<256x26xi32> to vector<256x1xi32>
    %eq3A_791 = vector.broadcast %slice3A_790 : vector<256x1xi32> to vector<256x16xi32>
    %eq3A_792 = arith.cmpi eq, %eq3A_791, %iota3A : vector<256x16xi32>
    %convert_element_type3A_793 = arith.extui %eq3A_792 : vector<256x16xi1> to vector<256x16xi32>
    %convert_element_type3A_794 = arith.sitofp %convert_element_type3A_793 : vector<256x16xi32> to vector<256x16xf32>
    %get3A_795 = arith.constant 0 : index
    %get3A_796 = arith.constant 256 : index
    %get3A_797 = vector.load %arg3[%get3A_795, %get3A_796] : memref<256x416xf32, #tpu.memory_space<vmem>>, vector<256x16xf32>
    %mul3A_798 = arith.mulf %get3A_797, %convert_element_type3A_794 : vector<256x16xf32>
    %reduce_sum3A_799 = arith.constant dense<0.000000e+00> : vector<256xf32>
    %reduce_sum3A_800 = vector.multi_reduction <add>, %mul3A_798, %reduce_sum3A_799 [1] : vector<256x16xf32> to vector<256xf32>
    %broadcast_in_dim3A_801 = vector.shape_cast %reduce_sum3A_800 : vector<256xf32> to vector<256x1xf32>
    %add3A_802 = arith.addf %add3A_754, %broadcast_in_dim3A_801 : vector<256x1xf32>
    %convert_element_type3A_803 = arith.truncf %bitcast_convert_type3A_776 : vector<256x128xf32> to vector<256x128xbf16>
    %get3A_804 = arith.constant 2048 : index
    %get3A_805 = arith.constant 0 : index
    %get3A_806 = vector.load %arg5[%get3A_804, %get3A_805] : memref<3328x200xbf16, #tpu.memory_space<vmem>>, vector<128x200xbf16>
    %dot_general3A_807 = arith.constant dense<0.000000e+00> : vector<256x200xf32>
    %dot_general3A_808 = tpu.matmul %convert_element_type3A_803, %get3A_806, %dot_general3A_807 {dimension_numbers = #tpu.dot_dimension_numbers<[1], [0], [0], [1], [0, 0, 1, 1], [], []>, transpose_lhs_hint = false} : vector<256x128xbf16>, vector<128x200xbf16>, vector<256x200xf32> -> vector<256x200xf32>
    %add3A_809 = arith.addf %add3A_768, %dot_general3A_808 : vector<256x200xf32>
    %convert_element_type3A_810 = arith.truncf %bitcast_convert_type3A_780 : vector<256x128xf32> to vector<256x128xbf16>
    %get3A_811 = arith.constant 2048 : index
    %get3A_812 = arith.constant 0 : index
    %get3A_813 = vector.load %arg6[%get3A_811, %get3A_812] : memref<3328x200xbf16, #tpu.memory_space<vmem>>, vector<128x200xbf16>
    %dot_general3A_814 = arith.constant dense<0.000000e+00> : vector<256x200xf32>
    %dot_general3A_815 = tpu.matmul %convert_element_type3A_810, %get3A_813, %dot_general3A_814 {dimension_numbers = #tpu.dot_dimension_numbers<[1], [0], [0], [1], [0, 0, 1, 1], [], []>, transpose_lhs_hint = false} : vector<256x128xbf16>, vector<128x200xbf16>, vector<256x200xf32> -> vector<256x200xf32>
    %add3A_816 = arith.addf %add3A_809, %dot_general3A_815 : vector<256x200xf32>
    %get3A_817 = arith.constant 0 : index
    %get3A_818 = arith.constant 512 : index
    %get3A_819 = vector.load %arg2[%get3A_817, %get3A_818] : memref<256x1664xf32, #tpu.memory_space<vmem>>, vector<256x128xf32>
    %bitcast_convert_type3A_820 = tpu.bitcast %get3A_819 : vector<256x128xf32> -> vector<256x128xi32>
    %and3A_821 = arith.constant -65536 : i32
    %and3A_822 = vector.broadcast %and3A_821 : i32 to vector<256x128xi32>
    %and3A_823 = arith.andi %bitcast_convert_type3A_820, %and3A_822 : vector<256x128xi32>
    %bitcast_convert_type3A_824 = tpu.bitcast %and3A_823 : vector<256x128xi32> -> vector<256x128xf32>
    %shift_left3A_825 = arith.constant 16 : i32
    %shift_left3A_826 = vector.broadcast %shift_left3A_825 : i32 to vector<256x128xi32>
    %shift_left3A_827 = arith.shli %bitcast_convert_type3A_820, %shift_left3A_826 : vector<256x128xi32>
    %bitcast_convert_type3A_828 = tpu.bitcast %shift_left3A_827 : vector<256x128xi32> -> vector<256x128xf32>
    %add3A_829 = arith.addf %add3A_781, %bitcast_convert_type3A_824 : vector<256x128xf32>
    %add3A_830 = arith.addf %add3A_782, %bitcast_convert_type3A_828 : vector<256x128xf32>
    %mul3A_831 = arith.mulf %bitcast_convert_type3A_824, %bitcast_convert_type3A_824 : vector<256x128xf32>
    %mul3A_832 = arith.mulf %bitcast_convert_type3A_828, %bitcast_convert_type3A_828 : vector<256x128xf32>
    %add3A_833 = arith.addf %mul3A_831, %mul3A_832 : vector<256x128xf32>
    %reduce_sum3A_834 = arith.constant dense<0.000000e+00> : vector<256xf32>
    %reduce_sum3A_835 = vector.multi_reduction <add>, %add3A_833, %reduce_sum3A_834 [1] : vector<256x128xf32> to vector<256xf32>
    %broadcast_in_dim3A_836 = vector.shape_cast %reduce_sum3A_835 : vector<256xf32> to vector<256x1xf32>
    %add3A_837 = arith.addf %add3A_789, %broadcast_in_dim3A_836 : vector<256x1xf32>
    %slice3A_838 = vector.extract_strided_slice %get3A_1 {offsets = [0, 17], sizes = [256, 1], strides = [1, 1]} : vector<256x26xi32> to vector<256x1xi32>
    %eq3A_839 = vector.broadcast %slice3A_838 : vector<256x1xi32> to vector<256x16xi32>
    %eq3A_840 = arith.cmpi eq, %eq3A_839, %iota3A : vector<256x16xi32>
    %convert_element_type3A_841 = arith.extui %eq3A_840 : vector<256x16xi1> to vector<256x16xi32>
    %convert_element_type3A_842 = arith.sitofp %convert_element_type3A_841 : vector<256x16xi32> to vector<256x16xf32>
    %get3A_843 = arith.constant 0 : index
    %get3A_844 = arith.constant 272 : index
    %get3A_845 = vector.load %arg3[%get3A_843, %get3A_844] : memref<256x416xf32, #tpu.memory_space<vmem>>, vector<256x16xf32>
    %mul3A_846 = arith.mulf %get3A_845, %convert_element_type3A_842 : vector<256x16xf32>
    %reduce_sum3A_847 = arith.constant dense<0.000000e+00> : vector<256xf32>
    %reduce_sum3A_848 = vector.multi_reduction <add>, %mul3A_846, %reduce_sum3A_847 [1] : vector<256x16xf32> to vector<256xf32>
    %broadcast_in_dim3A_849 = vector.shape_cast %reduce_sum3A_848 : vector<256xf32> to vector<256x1xf32>
    %add3A_850 = arith.addf %add3A_802, %broadcast_in_dim3A_849 : vector<256x1xf32>
    %convert_element_type3A_851 = arith.truncf %bitcast_convert_type3A_824 : vector<256x128xf32> to vector<256x128xbf16>
    %get3A_852 = arith.constant 2176 : index
    %get3A_853 = arith.constant 0 : index
    %get3A_854 = vector.load %arg5[%get3A_852, %get3A_853] : memref<3328x200xbf16, #tpu.memory_space<vmem>>, vector<128x200xbf16>
    %dot_general3A_855 = arith.constant dense<0.000000e+00> : vector<256x200xf32>
    %dot_general3A_856 = tpu.matmul %convert_element_type3A_851, %get3A_854, %dot_general3A_855 {dimension_numbers = #tpu.dot_dimension_numbers<[1], [0], [0], [1], [0, 0, 1, 1], [], []>, transpose_lhs_hint = false} : vector<256x128xbf16>, vector<128x200xbf16>, vector<256x200xf32> -> vector<256x200xf32>
    %add3A_857 = arith.addf %add3A_816, %dot_general3A_856 : vector<256x200xf32>
    %convert_element_type3A_858 = arith.truncf %bitcast_convert_type3A_828 : vector<256x128xf32> to vector<256x128xbf16>
    %get3A_859 = arith.constant 2176 : index
    %get3A_860 = arith.constant 0 : index
    %get3A_861 = vector.load %arg6[%get3A_859, %get3A_860] : memref<3328x200xbf16, #tpu.memory_space<vmem>>, vector<128x200xbf16>
    %dot_general3A_862 = arith.constant dense<0.000000e+00> : vector<256x200xf32>
    %dot_general3A_863 = tpu.matmul %convert_element_type3A_858, %get3A_861, %dot_general3A_862 {dimension_numbers = #tpu.dot_dimension_numbers<[1], [0], [0], [1], [0, 0, 1, 1], [], []>, transpose_lhs_hint = false} : vector<256x128xbf16>, vector<128x200xbf16>, vector<256x200xf32> -> vector<256x200xf32>
    %add3A_864 = arith.addf %add3A_857, %dot_general3A_863 : vector<256x200xf32>
    %get3A_865 = arith.constant 0 : index
    %get3A_866 = arith.constant 640 : index
    %get3A_867 = vector.load %arg2[%get3A_865, %get3A_866] : memref<256x1664xf32, #tpu.memory_space<vmem>>, vector<256x128xf32>
    %bitcast_convert_type3A_868 = tpu.bitcast %get3A_867 : vector<256x128xf32> -> vector<256x128xi32>
    %and3A_869 = arith.constant -65536 : i32
    %and3A_870 = vector.broadcast %and3A_869 : i32 to vector<256x128xi32>
    %and3A_871 = arith.andi %bitcast_convert_type3A_868, %and3A_870 : vector<256x128xi32>
    %bitcast_convert_type3A_872 = tpu.bitcast %and3A_871 : vector<256x128xi32> -> vector<256x128xf32>
    %shift_left3A_873 = arith.constant 16 : i32
    %shift_left3A_874 = vector.broadcast %shift_left3A_873 : i32 to vector<256x128xi32>
    %shift_left3A_875 = arith.shli %bitcast_convert_type3A_868, %shift_left3A_874 : vector<256x128xi32>
    %bitcast_convert_type3A_876 = tpu.bitcast %shift_left3A_875 : vector<256x128xi32> -> vector<256x128xf32>
    %add3A_877 = arith.addf %add3A_829, %bitcast_convert_type3A_872 : vector<256x128xf32>
    %add3A_878 = arith.addf %add3A_830, %bitcast_convert_type3A_876 : vector<256x128xf32>
    %mul3A_879 = arith.mulf %bitcast_convert_type3A_872, %bitcast_convert_type3A_872 : vector<256x128xf32>
    %mul3A_880 = arith.mulf %bitcast_convert_type3A_876, %bitcast_convert_type3A_876 : vector<256x128xf32>
    %add3A_881 = arith.addf %mul3A_879, %mul3A_880 : vector<256x128xf32>
    %reduce_sum3A_882 = arith.constant dense<0.000000e+00> : vector<256xf32>
    %reduce_sum3A_883 = vector.multi_reduction <add>, %add3A_881, %reduce_sum3A_882 [1] : vector<256x128xf32> to vector<256xf32>
    %broadcast_in_dim3A_884 = vector.shape_cast %reduce_sum3A_883 : vector<256xf32> to vector<256x1xf32>
    %add3A_885 = arith.addf %add3A_837, %broadcast_in_dim3A_884 : vector<256x1xf32>
    %slice3A_886 = vector.extract_strided_slice %get3A_1 {offsets = [0, 18], sizes = [256, 1], strides = [1, 1]} : vector<256x26xi32> to vector<256x1xi32>
    %eq3A_887 = vector.broadcast %slice3A_886 : vector<256x1xi32> to vector<256x16xi32>
    %eq3A_888 = arith.cmpi eq, %eq3A_887, %iota3A : vector<256x16xi32>
    %convert_element_type3A_889 = arith.extui %eq3A_888 : vector<256x16xi1> to vector<256x16xi32>
    %convert_element_type3A_890 = arith.sitofp %convert_element_type3A_889 : vector<256x16xi32> to vector<256x16xf32>
    %get3A_891 = arith.constant 0 : index
    %get3A_892 = arith.constant 288 : index
    %get3A_893 = vector.load %arg3[%get3A_891, %get3A_892] : memref<256x416xf32, #tpu.memory_space<vmem>>, vector<256x16xf32>
    %mul3A_894 = arith.mulf %get3A_893, %convert_element_type3A_890 : vector<256x16xf32>
    %reduce_sum3A_895 = arith.constant dense<0.000000e+00> : vector<256xf32>
    %reduce_sum3A_896 = vector.multi_reduction <add>, %mul3A_894, %reduce_sum3A_895 [1] : vector<256x16xf32> to vector<256xf32>
    %broadcast_in_dim3A_897 = vector.shape_cast %reduce_sum3A_896 : vector<256xf32> to vector<256x1xf32>
    %add3A_898 = arith.addf %add3A_850, %broadcast_in_dim3A_897 : vector<256x1xf32>
    %convert_element_type3A_899 = arith.truncf %bitcast_convert_type3A_872 : vector<256x128xf32> to vector<256x128xbf16>
    %get3A_900 = arith.constant 2304 : index
    %get3A_901 = arith.constant 0 : index
    %get3A_902 = vector.load %arg5[%get3A_900, %get3A_901] : memref<3328x200xbf16, #tpu.memory_space<vmem>>, vector<128x200xbf16>
    %dot_general3A_903 = arith.constant dense<0.000000e+00> : vector<256x200xf32>
    %dot_general3A_904 = tpu.matmul %convert_element_type3A_899, %get3A_902, %dot_general3A_903 {dimension_numbers = #tpu.dot_dimension_numbers<[1], [0], [0], [1], [0, 0, 1, 1], [], []>, transpose_lhs_hint = false} : vector<256x128xbf16>, vector<128x200xbf16>, vector<256x200xf32> -> vector<256x200xf32>
    %add3A_905 = arith.addf %add3A_864, %dot_general3A_904 : vector<256x200xf32>
    %convert_element_type3A_906 = arith.truncf %bitcast_convert_type3A_876 : vector<256x128xf32> to vector<256x128xbf16>
    %get3A_907 = arith.constant 2304 : index
    %get3A_908 = arith.constant 0 : index
    %get3A_909 = vector.load %arg6[%get3A_907, %get3A_908] : memref<3328x200xbf16, #tpu.memory_space<vmem>>, vector<128x200xbf16>
    %dot_general3A_910 = arith.constant dense<0.000000e+00> : vector<256x200xf32>
    %dot_general3A_911 = tpu.matmul %convert_element_type3A_906, %get3A_909, %dot_general3A_910 {dimension_numbers = #tpu.dot_dimension_numbers<[1], [0], [0], [1], [0, 0, 1, 1], [], []>, transpose_lhs_hint = false} : vector<256x128xbf16>, vector<128x200xbf16>, vector<256x200xf32> -> vector<256x200xf32>
    %add3A_912 = arith.addf %add3A_905, %dot_general3A_911 : vector<256x200xf32>
    %get3A_913 = arith.constant 0 : index
    %get3A_914 = arith.constant 768 : index
    %get3A_915 = vector.load %arg2[%get3A_913, %get3A_914] : memref<256x1664xf32, #tpu.memory_space<vmem>>, vector<256x128xf32>
    %bitcast_convert_type3A_916 = tpu.bitcast %get3A_915 : vector<256x128xf32> -> vector<256x128xi32>
    %and3A_917 = arith.constant -65536 : i32
    %and3A_918 = vector.broadcast %and3A_917 : i32 to vector<256x128xi32>
    %and3A_919 = arith.andi %bitcast_convert_type3A_916, %and3A_918 : vector<256x128xi32>
    %bitcast_convert_type3A_920 = tpu.bitcast %and3A_919 : vector<256x128xi32> -> vector<256x128xf32>
    %shift_left3A_921 = arith.constant 16 : i32
    %shift_left3A_922 = vector.broadcast %shift_left3A_921 : i32 to vector<256x128xi32>
    %shift_left3A_923 = arith.shli %bitcast_convert_type3A_916, %shift_left3A_922 : vector<256x128xi32>
    %bitcast_convert_type3A_924 = tpu.bitcast %shift_left3A_923 : vector<256x128xi32> -> vector<256x128xf32>
    %add3A_925 = arith.addf %add3A_877, %bitcast_convert_type3A_920 : vector<256x128xf32>
    %add3A_926 = arith.addf %add3A_878, %bitcast_convert_type3A_924 : vector<256x128xf32>
    %mul3A_927 = arith.mulf %bitcast_convert_type3A_920, %bitcast_convert_type3A_920 : vector<256x128xf32>
    %mul3A_928 = arith.mulf %bitcast_convert_type3A_924, %bitcast_convert_type3A_924 : vector<256x128xf32>
    %add3A_929 = arith.addf %mul3A_927, %mul3A_928 : vector<256x128xf32>
    %reduce_sum3A_930 = arith.constant dense<0.000000e+00> : vector<256xf32>
    %reduce_sum3A_931 = vector.multi_reduction <add>, %add3A_929, %reduce_sum3A_930 [1] : vector<256x128xf32> to vector<256xf32>
    %broadcast_in_dim3A_932 = vector.shape_cast %reduce_sum3A_931 : vector<256xf32> to vector<256x1xf32>
    %add3A_933 = arith.addf %add3A_885, %broadcast_in_dim3A_932 : vector<256x1xf32>
    %slice3A_934 = vector.extract_strided_slice %get3A_1 {offsets = [0, 19], sizes = [256, 1], strides = [1, 1]} : vector<256x26xi32> to vector<256x1xi32>
    %eq3A_935 = vector.broadcast %slice3A_934 : vector<256x1xi32> to vector<256x16xi32>
    %eq3A_936 = arith.cmpi eq, %eq3A_935, %iota3A : vector<256x16xi32>
    %convert_element_type3A_937 = arith.extui %eq3A_936 : vector<256x16xi1> to vector<256x16xi32>
    %convert_element_type3A_938 = arith.sitofp %convert_element_type3A_937 : vector<256x16xi32> to vector<256x16xf32>
    %get3A_939 = arith.constant 0 : index
    %get3A_940 = arith.constant 304 : index
    %get3A_941 = vector.load %arg3[%get3A_939, %get3A_940] : memref<256x416xf32, #tpu.memory_space<vmem>>, vector<256x16xf32>
    %mul3A_942 = arith.mulf %get3A_941, %convert_element_type3A_938 : vector<256x16xf32>
    %reduce_sum3A_943 = arith.constant dense<0.000000e+00> : vector<256xf32>
    %reduce_sum3A_944 = vector.multi_reduction <add>, %mul3A_942, %reduce_sum3A_943 [1] : vector<256x16xf32> to vector<256xf32>
    %broadcast_in_dim3A_945 = vector.shape_cast %reduce_sum3A_944 : vector<256xf32> to vector<256x1xf32>
    %add3A_946 = arith.addf %add3A_898, %broadcast_in_dim3A_945 : vector<256x1xf32>
    %convert_element_type3A_947 = arith.truncf %bitcast_convert_type3A_920 : vector<256x128xf32> to vector<256x128xbf16>
    %get3A_948 = arith.constant 2432 : index
    %get3A_949 = arith.constant 0 : index
    %get3A_950 = vector.load %arg5[%get3A_948, %get3A_949] : memref<3328x200xbf16, #tpu.memory_space<vmem>>, vector<128x200xbf16>
    %dot_general3A_951 = arith.constant dense<0.000000e+00> : vector<256x200xf32>
    %dot_general3A_952 = tpu.matmul %convert_element_type3A_947, %get3A_950, %dot_general3A_951 {dimension_numbers = #tpu.dot_dimension_numbers<[1], [0], [0], [1], [0, 0, 1, 1], [], []>, transpose_lhs_hint = false} : vector<256x128xbf16>, vector<128x200xbf16>, vector<256x200xf32> -> vector<256x200xf32>
    %add3A_953 = arith.addf %add3A_912, %dot_general3A_952 : vector<256x200xf32>
    %convert_element_type3A_954 = arith.truncf %bitcast_convert_type3A_924 : vector<256x128xf32> to vector<256x128xbf16>
    %get3A_955 = arith.constant 2432 : index
    %get3A_956 = arith.constant 0 : index
    %get3A_957 = vector.load %arg6[%get3A_955, %get3A_956] : memref<3328x200xbf16, #tpu.memory_space<vmem>>, vector<128x200xbf16>
    %dot_general3A_958 = arith.constant dense<0.000000e+00> : vector<256x200xf32>
    %dot_general3A_959 = tpu.matmul %convert_element_type3A_954, %get3A_957, %dot_general3A_958 {dimension_numbers = #tpu.dot_dimension_numbers<[1], [0], [0], [1], [0, 0, 1, 1], [], []>, transpose_lhs_hint = false} : vector<256x128xbf16>, vector<128x200xbf16>, vector<256x200xf32> -> vector<256x200xf32>
    %add3A_960 = arith.addf %add3A_953, %dot_general3A_959 : vector<256x200xf32>
    %get3A_961 = arith.constant 0 : index
    %get3A_962 = arith.constant 896 : index
    %get3A_963 = vector.load %arg2[%get3A_961, %get3A_962] : memref<256x1664xf32, #tpu.memory_space<vmem>>, vector<256x128xf32>
    %bitcast_convert_type3A_964 = tpu.bitcast %get3A_963 : vector<256x128xf32> -> vector<256x128xi32>
    %and3A_965 = arith.constant -65536 : i32
    %and3A_966 = vector.broadcast %and3A_965 : i32 to vector<256x128xi32>
    %and3A_967 = arith.andi %bitcast_convert_type3A_964, %and3A_966 : vector<256x128xi32>
    %bitcast_convert_type3A_968 = tpu.bitcast %and3A_967 : vector<256x128xi32> -> vector<256x128xf32>
    %shift_left3A_969 = arith.constant 16 : i32
    %shift_left3A_970 = vector.broadcast %shift_left3A_969 : i32 to vector<256x128xi32>
    %shift_left3A_971 = arith.shli %bitcast_convert_type3A_964, %shift_left3A_970 : vector<256x128xi32>
    %bitcast_convert_type3A_972 = tpu.bitcast %shift_left3A_971 : vector<256x128xi32> -> vector<256x128xf32>
    %add3A_973 = arith.addf %add3A_925, %bitcast_convert_type3A_968 : vector<256x128xf32>
    %add3A_974 = arith.addf %add3A_926, %bitcast_convert_type3A_972 : vector<256x128xf32>
    %mul3A_975 = arith.mulf %bitcast_convert_type3A_968, %bitcast_convert_type3A_968 : vector<256x128xf32>
    %mul3A_976 = arith.mulf %bitcast_convert_type3A_972, %bitcast_convert_type3A_972 : vector<256x128xf32>
    %add3A_977 = arith.addf %mul3A_975, %mul3A_976 : vector<256x128xf32>
    %reduce_sum3A_978 = arith.constant dense<0.000000e+00> : vector<256xf32>
    %reduce_sum3A_979 = vector.multi_reduction <add>, %add3A_977, %reduce_sum3A_978 [1] : vector<256x128xf32> to vector<256xf32>
    %broadcast_in_dim3A_980 = vector.shape_cast %reduce_sum3A_979 : vector<256xf32> to vector<256x1xf32>
    %add3A_981 = arith.addf %add3A_933, %broadcast_in_dim3A_980 : vector<256x1xf32>
    %slice3A_982 = vector.extract_strided_slice %get3A_1 {offsets = [0, 20], sizes = [256, 1], strides = [1, 1]} : vector<256x26xi32> to vector<256x1xi32>
    %eq3A_983 = vector.broadcast %slice3A_982 : vector<256x1xi32> to vector<256x16xi32>
    %eq3A_984 = arith.cmpi eq, %eq3A_983, %iota3A : vector<256x16xi32>
    %convert_element_type3A_985 = arith.extui %eq3A_984 : vector<256x16xi1> to vector<256x16xi32>
    %convert_element_type3A_986 = arith.sitofp %convert_element_type3A_985 : vector<256x16xi32> to vector<256x16xf32>
    %get3A_987 = arith.constant 0 : index
    %get3A_988 = arith.constant 320 : index
    %get3A_989 = vector.load %arg3[%get3A_987, %get3A_988] : memref<256x416xf32, #tpu.memory_space<vmem>>, vector<256x16xf32>
    %mul3A_990 = arith.mulf %get3A_989, %convert_element_type3A_986 : vector<256x16xf32>
    %reduce_sum3A_991 = arith.constant dense<0.000000e+00> : vector<256xf32>
    %reduce_sum3A_992 = vector.multi_reduction <add>, %mul3A_990, %reduce_sum3A_991 [1] : vector<256x16xf32> to vector<256xf32>
    %broadcast_in_dim3A_993 = vector.shape_cast %reduce_sum3A_992 : vector<256xf32> to vector<256x1xf32>
    %add3A_994 = arith.addf %add3A_946, %broadcast_in_dim3A_993 : vector<256x1xf32>
    %convert_element_type3A_995 = arith.truncf %bitcast_convert_type3A_968 : vector<256x128xf32> to vector<256x128xbf16>
    %get3A_996 = arith.constant 2560 : index
    %get3A_997 = arith.constant 0 : index
    %get3A_998 = vector.load %arg5[%get3A_996, %get3A_997] : memref<3328x200xbf16, #tpu.memory_space<vmem>>, vector<128x200xbf16>
    %dot_general3A_999 = arith.constant dense<0.000000e+00> : vector<256x200xf32>
    %dot_general3A_1000 = tpu.matmul %convert_element_type3A_995, %get3A_998, %dot_general3A_999 {dimension_numbers = #tpu.dot_dimension_numbers<[1], [0], [0], [1], [0, 0, 1, 1], [], []>, transpose_lhs_hint = false} : vector<256x128xbf16>, vector<128x200xbf16>, vector<256x200xf32> -> vector<256x200xf32>
    %add3A_1001 = arith.addf %add3A_960, %dot_general3A_1000 : vector<256x200xf32>
    %convert_element_type3A_1002 = arith.truncf %bitcast_convert_type3A_972 : vector<256x128xf32> to vector<256x128xbf16>
    %get3A_1003 = arith.constant 2560 : index
    %get3A_1004 = arith.constant 0 : index
    %get3A_1005 = vector.load %arg6[%get3A_1003, %get3A_1004] : memref<3328x200xbf16, #tpu.memory_space<vmem>>, vector<128x200xbf16>
    %dot_general3A_1006 = arith.constant dense<0.000000e+00> : vector<256x200xf32>
    %dot_general3A_1007 = tpu.matmul %convert_element_type3A_1002, %get3A_1005, %dot_general3A_1006 {dimension_numbers = #tpu.dot_dimension_numbers<[1], [0], [0], [1], [0, 0, 1, 1], [], []>, transpose_lhs_hint = false} : vector<256x128xbf16>, vector<128x200xbf16>, vector<256x200xf32> -> vector<256x200xf32>
    %add3A_1008 = arith.addf %add3A_1001, %dot_general3A_1007 : vector<256x200xf32>
    %get3A_1009 = arith.constant 0 : index
    %get3A_1010 = arith.constant 1024 : index
    %get3A_1011 = vector.load %arg2[%get3A_1009, %get3A_1010] : memref<256x1664xf32, #tpu.memory_space<vmem>>, vector<256x128xf32>
    %bitcast_convert_type3A_1012 = tpu.bitcast %get3A_1011 : vector<256x128xf32> -> vector<256x128xi32>
    %and3A_1013 = arith.constant -65536 : i32
    %and3A_1014 = vector.broadcast %and3A_1013 : i32 to vector<256x128xi32>
    %and3A_1015 = arith.andi %bitcast_convert_type3A_1012, %and3A_1014 : vector<256x128xi32>
    %bitcast_convert_type3A_1016 = tpu.bitcast %and3A_1015 : vector<256x128xi32> -> vector<256x128xf32>
    %shift_left3A_1017 = arith.constant 16 : i32
    %shift_left3A_1018 = vector.broadcast %shift_left3A_1017 : i32 to vector<256x128xi32>
    %shift_left3A_1019 = arith.shli %bitcast_convert_type3A_1012, %shift_left3A_1018 : vector<256x128xi32>
    %bitcast_convert_type3A_1020 = tpu.bitcast %shift_left3A_1019 : vector<256x128xi32> -> vector<256x128xf32>
    %add3A_1021 = arith.addf %add3A_973, %bitcast_convert_type3A_1016 : vector<256x128xf32>
    %add3A_1022 = arith.addf %add3A_974, %bitcast_convert_type3A_1020 : vector<256x128xf32>
    %mul3A_1023 = arith.mulf %bitcast_convert_type3A_1016, %bitcast_convert_type3A_1016 : vector<256x128xf32>
    %mul3A_1024 = arith.mulf %bitcast_convert_type3A_1020, %bitcast_convert_type3A_1020 : vector<256x128xf32>
    %add3A_1025 = arith.addf %mul3A_1023, %mul3A_1024 : vector<256x128xf32>
    %reduce_sum3A_1026 = arith.constant dense<0.000000e+00> : vector<256xf32>
    %reduce_sum3A_1027 = vector.multi_reduction <add>, %add3A_1025, %reduce_sum3A_1026 [1] : vector<256x128xf32> to vector<256xf32>
    %broadcast_in_dim3A_1028 = vector.shape_cast %reduce_sum3A_1027 : vector<256xf32> to vector<256x1xf32>
    %add3A_1029 = arith.addf %add3A_981, %broadcast_in_dim3A_1028 : vector<256x1xf32>
    %slice3A_1030 = vector.extract_strided_slice %get3A_1 {offsets = [0, 21], sizes = [256, 1], strides = [1, 1]} : vector<256x26xi32> to vector<256x1xi32>
    %eq3A_1031 = vector.broadcast %slice3A_1030 : vector<256x1xi32> to vector<256x16xi32>
    %eq3A_1032 = arith.cmpi eq, %eq3A_1031, %iota3A : vector<256x16xi32>
    %convert_element_type3A_1033 = arith.extui %eq3A_1032 : vector<256x16xi1> to vector<256x16xi32>
    %convert_element_type3A_1034 = arith.sitofp %convert_element_type3A_1033 : vector<256x16xi32> to vector<256x16xf32>
    %get3A_1035 = arith.constant 0 : index
    %get3A_1036 = arith.constant 336 : index
    %get3A_1037 = vector.load %arg3[%get3A_1035, %get3A_1036] : memref<256x416xf32, #tpu.memory_space<vmem>>, vector<256x16xf32>
    %mul3A_1038 = arith.mulf %get3A_1037, %convert_element_type3A_1034 : vector<256x16xf32>
    %reduce_sum3A_1039 = arith.constant dense<0.000000e+00> : vector<256xf32>
    %reduce_sum3A_1040 = vector.multi_reduction <add>, %mul3A_1038, %reduce_sum3A_1039 [1] : vector<256x16xf32> to vector<256xf32>
    %broadcast_in_dim3A_1041 = vector.shape_cast %reduce_sum3A_1040 : vector<256xf32> to vector<256x1xf32>
    %add3A_1042 = arith.addf %add3A_994, %broadcast_in_dim3A_1041 : vector<256x1xf32>
    %convert_element_type3A_1043 = arith.truncf %bitcast_convert_type3A_1016 : vector<256x128xf32> to vector<256x128xbf16>
    %get3A_1044 = arith.constant 2688 : index
    %get3A_1045 = arith.constant 0 : index
    %get3A_1046 = vector.load %arg5[%get3A_1044, %get3A_1045] : memref<3328x200xbf16, #tpu.memory_space<vmem>>, vector<128x200xbf16>
    %dot_general3A_1047 = arith.constant dense<0.000000e+00> : vector<256x200xf32>
    %dot_general3A_1048 = tpu.matmul %convert_element_type3A_1043, %get3A_1046, %dot_general3A_1047 {dimension_numbers = #tpu.dot_dimension_numbers<[1], [0], [0], [1], [0, 0, 1, 1], [], []>, transpose_lhs_hint = false} : vector<256x128xbf16>, vector<128x200xbf16>, vector<256x200xf32> -> vector<256x200xf32>
    %add3A_1049 = arith.addf %add3A_1008, %dot_general3A_1048 : vector<256x200xf32>
    %convert_element_type3A_1050 = arith.truncf %bitcast_convert_type3A_1020 : vector<256x128xf32> to vector<256x128xbf16>
    %get3A_1051 = arith.constant 2688 : index
    %get3A_1052 = arith.constant 0 : index
    %get3A_1053 = vector.load %arg6[%get3A_1051, %get3A_1052] : memref<3328x200xbf16, #tpu.memory_space<vmem>>, vector<128x200xbf16>
    %dot_general3A_1054 = arith.constant dense<0.000000e+00> : vector<256x200xf32>
    %dot_general3A_1055 = tpu.matmul %convert_element_type3A_1050, %get3A_1053, %dot_general3A_1054 {dimension_numbers = #tpu.dot_dimension_numbers<[1], [0], [0], [1], [0, 0, 1, 1], [], []>, transpose_lhs_hint = false} : vector<256x128xbf16>, vector<128x200xbf16>, vector<256x200xf32> -> vector<256x200xf32>
    %add3A_1056 = arith.addf %add3A_1049, %dot_general3A_1055 : vector<256x200xf32>
    %get3A_1057 = arith.constant 0 : index
    %get3A_1058 = arith.constant 1152 : index
    %get3A_1059 = vector.load %arg2[%get3A_1057, %get3A_1058] : memref<256x1664xf32, #tpu.memory_space<vmem>>, vector<256x128xf32>
    %bitcast_convert_type3A_1060 = tpu.bitcast %get3A_1059 : vector<256x128xf32> -> vector<256x128xi32>
    %and3A_1061 = arith.constant -65536 : i32
    %and3A_1062 = vector.broadcast %and3A_1061 : i32 to vector<256x128xi32>
    %and3A_1063 = arith.andi %bitcast_convert_type3A_1060, %and3A_1062 : vector<256x128xi32>
    %bitcast_convert_type3A_1064 = tpu.bitcast %and3A_1063 : vector<256x128xi32> -> vector<256x128xf32>
    %shift_left3A_1065 = arith.constant 16 : i32
    %shift_left3A_1066 = vector.broadcast %shift_left3A_1065 : i32 to vector<256x128xi32>
    %shift_left3A_1067 = arith.shli %bitcast_convert_type3A_1060, %shift_left3A_1066 : vector<256x128xi32>
    %bitcast_convert_type3A_1068 = tpu.bitcast %shift_left3A_1067 : vector<256x128xi32> -> vector<256x128xf32>
    %add3A_1069 = arith.addf %add3A_1021, %bitcast_convert_type3A_1064 : vector<256x128xf32>
    %add3A_1070 = arith.addf %add3A_1022, %bitcast_convert_type3A_1068 : vector<256x128xf32>
    %mul3A_1071 = arith.mulf %bitcast_convert_type3A_1064, %bitcast_convert_type3A_1064 : vector<256x128xf32>
    %mul3A_1072 = arith.mulf %bitcast_convert_type3A_1068, %bitcast_convert_type3A_1068 : vector<256x128xf32>
    %add3A_1073 = arith.addf %mul3A_1071, %mul3A_1072 : vector<256x128xf32>
    %reduce_sum3A_1074 = arith.constant dense<0.000000e+00> : vector<256xf32>
    %reduce_sum3A_1075 = vector.multi_reduction <add>, %add3A_1073, %reduce_sum3A_1074 [1] : vector<256x128xf32> to vector<256xf32>
    %broadcast_in_dim3A_1076 = vector.shape_cast %reduce_sum3A_1075 : vector<256xf32> to vector<256x1xf32>
    %add3A_1077 = arith.addf %add3A_1029, %broadcast_in_dim3A_1076 : vector<256x1xf32>
    %slice3A_1078 = vector.extract_strided_slice %get3A_1 {offsets = [0, 22], sizes = [256, 1], strides = [1, 1]} : vector<256x26xi32> to vector<256x1xi32>
    %eq3A_1079 = vector.broadcast %slice3A_1078 : vector<256x1xi32> to vector<256x16xi32>
    %eq3A_1080 = arith.cmpi eq, %eq3A_1079, %iota3A : vector<256x16xi32>
    %convert_element_type3A_1081 = arith.extui %eq3A_1080 : vector<256x16xi1> to vector<256x16xi32>
    %convert_element_type3A_1082 = arith.sitofp %convert_element_type3A_1081 : vector<256x16xi32> to vector<256x16xf32>
    %get3A_1083 = arith.constant 0 : index
    %get3A_1084 = arith.constant 352 : index
    %get3A_1085 = vector.load %arg3[%get3A_1083, %get3A_1084] : memref<256x416xf32, #tpu.memory_space<vmem>>, vector<256x16xf32>
    %mul3A_1086 = arith.mulf %get3A_1085, %convert_element_type3A_1082 : vector<256x16xf32>
    %reduce_sum3A_1087 = arith.constant dense<0.000000e+00> : vector<256xf32>
    %reduce_sum3A_1088 = vector.multi_reduction <add>, %mul3A_1086, %reduce_sum3A_1087 [1] : vector<256x16xf32> to vector<256xf32>
    %broadcast_in_dim3A_1089 = vector.shape_cast %reduce_sum3A_1088 : vector<256xf32> to vector<256x1xf32>
    %add3A_1090 = arith.addf %add3A_1042, %broadcast_in_dim3A_1089 : vector<256x1xf32>
    %convert_element_type3A_1091 = arith.truncf %bitcast_convert_type3A_1064 : vector<256x128xf32> to vector<256x128xbf16>
    %get3A_1092 = arith.constant 2816 : index
    %get3A_1093 = arith.constant 0 : index
    %get3A_1094 = vector.load %arg5[%get3A_1092, %get3A_1093] : memref<3328x200xbf16, #tpu.memory_space<vmem>>, vector<128x200xbf16>
    %dot_general3A_1095 = arith.constant dense<0.000000e+00> : vector<256x200xf32>
    %dot_general3A_1096 = tpu.matmul %convert_element_type3A_1091, %get3A_1094, %dot_general3A_1095 {dimension_numbers = #tpu.dot_dimension_numbers<[1], [0], [0], [1], [0, 0, 1, 1], [], []>, transpose_lhs_hint = false} : vector<256x128xbf16>, vector<128x200xbf16>, vector<256x200xf32> -> vector<256x200xf32>
    %add3A_1097 = arith.addf %add3A_1056, %dot_general3A_1096 : vector<256x200xf32>
    %convert_element_type3A_1098 = arith.truncf %bitcast_convert_type3A_1068 : vector<256x128xf32> to vector<256x128xbf16>
    %get3A_1099 = arith.constant 2816 : index
    %get3A_1100 = arith.constant 0 : index
    %get3A_1101 = vector.load %arg6[%get3A_1099, %get3A_1100] : memref<3328x200xbf16, #tpu.memory_space<vmem>>, vector<128x200xbf16>
    %dot_general3A_1102 = arith.constant dense<0.000000e+00> : vector<256x200xf32>
    %dot_general3A_1103 = tpu.matmul %convert_element_type3A_1098, %get3A_1101, %dot_general3A_1102 {dimension_numbers = #tpu.dot_dimension_numbers<[1], [0], [0], [1], [0, 0, 1, 1], [], []>, transpose_lhs_hint = false} : vector<256x128xbf16>, vector<128x200xbf16>, vector<256x200xf32> -> vector<256x200xf32>
    %add3A_1104 = arith.addf %add3A_1097, %dot_general3A_1103 : vector<256x200xf32>
    %get3A_1105 = arith.constant 0 : index
    %get3A_1106 = arith.constant 1280 : index
    %get3A_1107 = vector.load %arg2[%get3A_1105, %get3A_1106] : memref<256x1664xf32, #tpu.memory_space<vmem>>, vector<256x128xf32>
    %bitcast_convert_type3A_1108 = tpu.bitcast %get3A_1107 : vector<256x128xf32> -> vector<256x128xi32>
    %and3A_1109 = arith.constant -65536 : i32
    %and3A_1110 = vector.broadcast %and3A_1109 : i32 to vector<256x128xi32>
    %and3A_1111 = arith.andi %bitcast_convert_type3A_1108, %and3A_1110 : vector<256x128xi32>
    %bitcast_convert_type3A_1112 = tpu.bitcast %and3A_1111 : vector<256x128xi32> -> vector<256x128xf32>
    %shift_left3A_1113 = arith.constant 16 : i32
    %shift_left3A_1114 = vector.broadcast %shift_left3A_1113 : i32 to vector<256x128xi32>
    %shift_left3A_1115 = arith.shli %bitcast_convert_type3A_1108, %shift_left3A_1114 : vector<256x128xi32>
    %bitcast_convert_type3A_1116 = tpu.bitcast %shift_left3A_1115 : vector<256x128xi32> -> vector<256x128xf32>
    %add3A_1117 = arith.addf %add3A_1069, %bitcast_convert_type3A_1112 : vector<256x128xf32>
    %add3A_1118 = arith.addf %add3A_1070, %bitcast_convert_type3A_1116 : vector<256x128xf32>
    %mul3A_1119 = arith.mulf %bitcast_convert_type3A_1112, %bitcast_convert_type3A_1112 : vector<256x128xf32>
    %mul3A_1120 = arith.mulf %bitcast_convert_type3A_1116, %bitcast_convert_type3A_1116 : vector<256x128xf32>
    %add3A_1121 = arith.addf %mul3A_1119, %mul3A_1120 : vector<256x128xf32>
    %reduce_sum3A_1122 = arith.constant dense<0.000000e+00> : vector<256xf32>
    %reduce_sum3A_1123 = vector.multi_reduction <add>, %add3A_1121, %reduce_sum3A_1122 [1] : vector<256x128xf32> to vector<256xf32>
    %broadcast_in_dim3A_1124 = vector.shape_cast %reduce_sum3A_1123 : vector<256xf32> to vector<256x1xf32>
    %add3A_1125 = arith.addf %add3A_1077, %broadcast_in_dim3A_1124 : vector<256x1xf32>
    %slice3A_1126 = vector.extract_strided_slice %get3A_1 {offsets = [0, 23], sizes = [256, 1], strides = [1, 1]} : vector<256x26xi32> to vector<256x1xi32>
    %eq3A_1127 = vector.broadcast %slice3A_1126 : vector<256x1xi32> to vector<256x16xi32>
    %eq3A_1128 = arith.cmpi eq, %eq3A_1127, %iota3A : vector<256x16xi32>
    %convert_element_type3A_1129 = arith.extui %eq3A_1128 : vector<256x16xi1> to vector<256x16xi32>
    %convert_element_type3A_1130 = arith.sitofp %convert_element_type3A_1129 : vector<256x16xi32> to vector<256x16xf32>
    %get3A_1131 = arith.constant 0 : index
    %get3A_1132 = arith.constant 368 : index
    %get3A_1133 = vector.load %arg3[%get3A_1131, %get3A_1132] : memref<256x416xf32, #tpu.memory_space<vmem>>, vector<256x16xf32>
    %mul3A_1134 = arith.mulf %get3A_1133, %convert_element_type3A_1130 : vector<256x16xf32>
    %reduce_sum3A_1135 = arith.constant dense<0.000000e+00> : vector<256xf32>
    %reduce_sum3A_1136 = vector.multi_reduction <add>, %mul3A_1134, %reduce_sum3A_1135 [1] : vector<256x16xf32> to vector<256xf32>
    %broadcast_in_dim3A_1137 = vector.shape_cast %reduce_sum3A_1136 : vector<256xf32> to vector<256x1xf32>
    %add3A_1138 = arith.addf %add3A_1090, %broadcast_in_dim3A_1137 : vector<256x1xf32>
    %convert_element_type3A_1139 = arith.truncf %bitcast_convert_type3A_1112 : vector<256x128xf32> to vector<256x128xbf16>
    %get3A_1140 = arith.constant 2944 : index
    %get3A_1141 = arith.constant 0 : index
    %get3A_1142 = vector.load %arg5[%get3A_1140, %get3A_1141] : memref<3328x200xbf16, #tpu.memory_space<vmem>>, vector<128x200xbf16>
    %dot_general3A_1143 = arith.constant dense<0.000000e+00> : vector<256x200xf32>
    %dot_general3A_1144 = tpu.matmul %convert_element_type3A_1139, %get3A_1142, %dot_general3A_1143 {dimension_numbers = #tpu.dot_dimension_numbers<[1], [0], [0], [1], [0, 0, 1, 1], [], []>, transpose_lhs_hint = false} : vector<256x128xbf16>, vector<128x200xbf16>, vector<256x200xf32> -> vector<256x200xf32>
    %add3A_1145 = arith.addf %add3A_1104, %dot_general3A_1144 : vector<256x200xf32>
    %convert_element_type3A_1146 = arith.truncf %bitcast_convert_type3A_1116 : vector<256x128xf32> to vector<256x128xbf16>
    %get3A_1147 = arith.constant 2944 : index
    %get3A_1148 = arith.constant 0 : index
    %get3A_1149 = vector.load %arg6[%get3A_1147, %get3A_1148] : memref<3328x200xbf16, #tpu.memory_space<vmem>>, vector<128x200xbf16>
    %dot_general3A_1150 = arith.constant dense<0.000000e+00> : vector<256x200xf32>
    %dot_general3A_1151 = tpu.matmul %convert_element_type3A_1146, %get3A_1149, %dot_general3A_1150 {dimension_numbers = #tpu.dot_dimension_numbers<[1], [0], [0], [1], [0, 0, 1, 1], [], []>, transpose_lhs_hint = false} : vector<256x128xbf16>, vector<128x200xbf16>, vector<256x200xf32> -> vector<256x200xf32>
    %add3A_1152 = arith.addf %add3A_1145, %dot_general3A_1151 : vector<256x200xf32>
    %get3A_1153 = arith.constant 0 : index
    %get3A_1154 = arith.constant 1408 : index
    %get3A_1155 = vector.load %arg2[%get3A_1153, %get3A_1154] : memref<256x1664xf32, #tpu.memory_space<vmem>>, vector<256x128xf32>
    %bitcast_convert_type3A_1156 = tpu.bitcast %get3A_1155 : vector<256x128xf32> -> vector<256x128xi32>
    %and3A_1157 = arith.constant -65536 : i32
    %and3A_1158 = vector.broadcast %and3A_1157 : i32 to vector<256x128xi32>
    %and3A_1159 = arith.andi %bitcast_convert_type3A_1156, %and3A_1158 : vector<256x128xi32>
    %bitcast_convert_type3A_1160 = tpu.bitcast %and3A_1159 : vector<256x128xi32> -> vector<256x128xf32>
    %shift_left3A_1161 = arith.constant 16 : i32
    %shift_left3A_1162 = vector.broadcast %shift_left3A_1161 : i32 to vector<256x128xi32>
    %shift_left3A_1163 = arith.shli %bitcast_convert_type3A_1156, %shift_left3A_1162 : vector<256x128xi32>
    %bitcast_convert_type3A_1164 = tpu.bitcast %shift_left3A_1163 : vector<256x128xi32> -> vector<256x128xf32>
    %add3A_1165 = arith.addf %add3A_1117, %bitcast_convert_type3A_1160 : vector<256x128xf32>
    %add3A_1166 = arith.addf %add3A_1118, %bitcast_convert_type3A_1164 : vector<256x128xf32>
    %mul3A_1167 = arith.mulf %bitcast_convert_type3A_1160, %bitcast_convert_type3A_1160 : vector<256x128xf32>
    %mul3A_1168 = arith.mulf %bitcast_convert_type3A_1164, %bitcast_convert_type3A_1164 : vector<256x128xf32>
    %add3A_1169 = arith.addf %mul3A_1167, %mul3A_1168 : vector<256x128xf32>
    %reduce_sum3A_1170 = arith.constant dense<0.000000e+00> : vector<256xf32>
    %reduce_sum3A_1171 = vector.multi_reduction <add>, %add3A_1169, %reduce_sum3A_1170 [1] : vector<256x128xf32> to vector<256xf32>
    %broadcast_in_dim3A_1172 = vector.shape_cast %reduce_sum3A_1171 : vector<256xf32> to vector<256x1xf32>
    %add3A_1173 = arith.addf %add3A_1125, %broadcast_in_dim3A_1172 : vector<256x1xf32>
    %slice3A_1174 = vector.extract_strided_slice %get3A_1 {offsets = [0, 24], sizes = [256, 1], strides = [1, 1]} : vector<256x26xi32> to vector<256x1xi32>
    %eq3A_1175 = vector.broadcast %slice3A_1174 : vector<256x1xi32> to vector<256x16xi32>
    %eq3A_1176 = arith.cmpi eq, %eq3A_1175, %iota3A : vector<256x16xi32>
    %convert_element_type3A_1177 = arith.extui %eq3A_1176 : vector<256x16xi1> to vector<256x16xi32>
    %convert_element_type3A_1178 = arith.sitofp %convert_element_type3A_1177 : vector<256x16xi32> to vector<256x16xf32>
    %get3A_1179 = arith.constant 0 : index
    %get3A_1180 = arith.constant 384 : index
    %get3A_1181 = vector.load %arg3[%get3A_1179, %get3A_1180] : memref<256x416xf32, #tpu.memory_space<vmem>>, vector<256x16xf32>
    %mul3A_1182 = arith.mulf %get3A_1181, %convert_element_type3A_1178 : vector<256x16xf32>
    %reduce_sum3A_1183 = arith.constant dense<0.000000e+00> : vector<256xf32>
    %reduce_sum3A_1184 = vector.multi_reduction <add>, %mul3A_1182, %reduce_sum3A_1183 [1] : vector<256x16xf32> to vector<256xf32>
    %broadcast_in_dim3A_1185 = vector.shape_cast %reduce_sum3A_1184 : vector<256xf32> to vector<256x1xf32>
    %add3A_1186 = arith.addf %add3A_1138, %broadcast_in_dim3A_1185 : vector<256x1xf32>
    %convert_element_type3A_1187 = arith.truncf %bitcast_convert_type3A_1160 : vector<256x128xf32> to vector<256x128xbf16>
    %get3A_1188 = arith.constant 3072 : index
    %get3A_1189 = arith.constant 0 : index
    %get3A_1190 = vector.load %arg5[%get3A_1188, %get3A_1189] : memref<3328x200xbf16, #tpu.memory_space<vmem>>, vector<128x200xbf16>
    %dot_general3A_1191 = arith.constant dense<0.000000e+00> : vector<256x200xf32>
    %dot_general3A_1192 = tpu.matmul %convert_element_type3A_1187, %get3A_1190, %dot_general3A_1191 {dimension_numbers = #tpu.dot_dimension_numbers<[1], [0], [0], [1], [0, 0, 1, 1], [], []>, transpose_lhs_hint = false} : vector<256x128xbf16>, vector<128x200xbf16>, vector<256x200xf32> -> vector<256x200xf32>
    %add3A_1193 = arith.addf %add3A_1152, %dot_general3A_1192 : vector<256x200xf32>
    %convert_element_type3A_1194 = arith.truncf %bitcast_convert_type3A_1164 : vector<256x128xf32> to vector<256x128xbf16>
    %get3A_1195 = arith.constant 3072 : index
    %get3A_1196 = arith.constant 0 : index
    %get3A_1197 = vector.load %arg6[%get3A_1195, %get3A_1196] : memref<3328x200xbf16, #tpu.memory_space<vmem>>, vector<128x200xbf16>
    %dot_general3A_1198 = arith.constant dense<0.000000e+00> : vector<256x200xf32>
    %dot_general3A_1199 = tpu.matmul %convert_element_type3A_1194, %get3A_1197, %dot_general3A_1198 {dimension_numbers = #tpu.dot_dimension_numbers<[1], [0], [0], [1], [0, 0, 1, 1], [], []>, transpose_lhs_hint = false} : vector<256x128xbf16>, vector<128x200xbf16>, vector<256x200xf32> -> vector<256x200xf32>
    %add3A_1200 = arith.addf %add3A_1193, %dot_general3A_1199 : vector<256x200xf32>
    %get3A_1201 = arith.constant 0 : index
    %get3A_1202 = arith.constant 1536 : index
    %get3A_1203 = vector.load %arg2[%get3A_1201, %get3A_1202] : memref<256x1664xf32, #tpu.memory_space<vmem>>, vector<256x128xf32>
    %bitcast_convert_type3A_1204 = tpu.bitcast %get3A_1203 : vector<256x128xf32> -> vector<256x128xi32>
    %and3A_1205 = arith.constant -65536 : i32
    %and3A_1206 = vector.broadcast %and3A_1205 : i32 to vector<256x128xi32>
    %and3A_1207 = arith.andi %bitcast_convert_type3A_1204, %and3A_1206 : vector<256x128xi32>
    %bitcast_convert_type3A_1208 = tpu.bitcast %and3A_1207 : vector<256x128xi32> -> vector<256x128xf32>
    %shift_left3A_1209 = arith.constant 16 : i32
    %shift_left3A_1210 = vector.broadcast %shift_left3A_1209 : i32 to vector<256x128xi32>
    %shift_left3A_1211 = arith.shli %bitcast_convert_type3A_1204, %shift_left3A_1210 : vector<256x128xi32>
    %bitcast_convert_type3A_1212 = tpu.bitcast %shift_left3A_1211 : vector<256x128xi32> -> vector<256x128xf32>
    %add3A_1213 = arith.addf %add3A_1165, %bitcast_convert_type3A_1208 : vector<256x128xf32>
    %add3A_1214 = arith.addf %add3A_1166, %bitcast_convert_type3A_1212 : vector<256x128xf32>
    %mul3A_1215 = arith.mulf %bitcast_convert_type3A_1208, %bitcast_convert_type3A_1208 : vector<256x128xf32>
    %mul3A_1216 = arith.mulf %bitcast_convert_type3A_1212, %bitcast_convert_type3A_1212 : vector<256x128xf32>
    %add3A_1217 = arith.addf %mul3A_1215, %mul3A_1216 : vector<256x128xf32>
    %reduce_sum3A_1218 = arith.constant dense<0.000000e+00> : vector<256xf32>
    %reduce_sum3A_1219 = vector.multi_reduction <add>, %add3A_1217, %reduce_sum3A_1218 [1] : vector<256x128xf32> to vector<256xf32>
    %broadcast_in_dim3A_1220 = vector.shape_cast %reduce_sum3A_1219 : vector<256xf32> to vector<256x1xf32>
    %add3A_1221 = arith.addf %add3A_1173, %broadcast_in_dim3A_1220 : vector<256x1xf32>
    %slice3A_1222 = vector.extract_strided_slice %get3A_1 {offsets = [0, 25], sizes = [256, 1], strides = [1, 1]} : vector<256x26xi32> to vector<256x1xi32>
    %eq3A_1223 = vector.broadcast %slice3A_1222 : vector<256x1xi32> to vector<256x16xi32>
    %eq3A_1224 = arith.cmpi eq, %eq3A_1223, %iota3A : vector<256x16xi32>
    %convert_element_type3A_1225 = arith.extui %eq3A_1224 : vector<256x16xi1> to vector<256x16xi32>
    %convert_element_type3A_1226 = arith.sitofp %convert_element_type3A_1225 : vector<256x16xi32> to vector<256x16xf32>
    %get3A_1227 = arith.constant 0 : index
    %get3A_1228 = arith.constant 400 : index
    %get3A_1229 = vector.load %arg3[%get3A_1227, %get3A_1228] : memref<256x416xf32, #tpu.memory_space<vmem>>, vector<256x16xf32>
    %mul3A_1230 = arith.mulf %get3A_1229, %convert_element_type3A_1226 : vector<256x16xf32>
    %reduce_sum3A_1231 = arith.constant dense<0.000000e+00> : vector<256xf32>
    %reduce_sum3A_1232 = vector.multi_reduction <add>, %mul3A_1230, %reduce_sum3A_1231 [1] : vector<256x16xf32> to vector<256xf32>
    %broadcast_in_dim3A_1233 = vector.shape_cast %reduce_sum3A_1232 : vector<256xf32> to vector<256x1xf32>
    %add3A_1234 = arith.addf %add3A_1186, %broadcast_in_dim3A_1233 : vector<256x1xf32>
    %convert_element_type3A_1235 = arith.truncf %bitcast_convert_type3A_1208 : vector<256x128xf32> to vector<256x128xbf16>
    %get3A_1236 = arith.constant 3200 : index
    %get3A_1237 = arith.constant 0 : index
    %get3A_1238 = vector.load %arg5[%get3A_1236, %get3A_1237] : memref<3328x200xbf16, #tpu.memory_space<vmem>>, vector<128x200xbf16>
    %dot_general3A_1239 = arith.constant dense<0.000000e+00> : vector<256x200xf32>
    %dot_general3A_1240 = tpu.matmul %convert_element_type3A_1235, %get3A_1238, %dot_general3A_1239 {dimension_numbers = #tpu.dot_dimension_numbers<[1], [0], [0], [1], [0, 0, 1, 1], [], []>, transpose_lhs_hint = false} : vector<256x128xbf16>, vector<128x200xbf16>, vector<256x200xf32> -> vector<256x200xf32>
    %add3A_1241 = arith.addf %add3A_1200, %dot_general3A_1240 : vector<256x200xf32>
    %convert_element_type3A_1242 = arith.truncf %bitcast_convert_type3A_1212 : vector<256x128xf32> to vector<256x128xbf16>
    %get3A_1243 = arith.constant 3200 : index
    %get3A_1244 = arith.constant 0 : index
    %get3A_1245 = vector.load %arg6[%get3A_1243, %get3A_1244] : memref<3328x200xbf16, #tpu.memory_space<vmem>>, vector<128x200xbf16>
    %dot_general3A_1246 = arith.constant dense<0.000000e+00> : vector<256x200xf32>
    %dot_general3A_1247 = tpu.matmul %convert_element_type3A_1242, %get3A_1245, %dot_general3A_1246 {dimension_numbers = #tpu.dot_dimension_numbers<[1], [0], [0], [1], [0, 0, 1, 1], [], []>, transpose_lhs_hint = false} : vector<256x128xbf16>, vector<128x200xbf16>, vector<256x200xf32> -> vector<256x200xf32>
    %add3A_1248 = arith.addf %add3A_1241, %dot_general3A_1247 : vector<256x200xf32>
    %mul3A_1249 = arith.mulf %add3A_1213, %add3A_1213 : vector<256x128xf32>
    %reduce_sum3A_1250 = arith.constant dense<0.000000e+00> : vector<256xf32>
    %reduce_sum3A_1251 = vector.multi_reduction <add>, %mul3A_1249, %reduce_sum3A_1250 [1] : vector<256x128xf32> to vector<256xf32>
    %broadcast_in_dim3A_1252 = vector.shape_cast %reduce_sum3A_1251 : vector<256xf32> to vector<256x1xf32>
    %mul3A_1253 = arith.mulf %add3A_1214, %add3A_1214 : vector<256x128xf32>
    %reduce_sum3A_1254 = arith.constant dense<0.000000e+00> : vector<256xf32>
    %reduce_sum3A_1255 = vector.multi_reduction <add>, %mul3A_1253, %reduce_sum3A_1254 [1] : vector<256x128xf32> to vector<256xf32>
    %broadcast_in_dim3A_1256 = vector.shape_cast %reduce_sum3A_1255 : vector<256xf32> to vector<256x1xf32>
    %add3A_1257 = arith.addf %broadcast_in_dim3A_1252, %broadcast_in_dim3A_1256 : vector<256x1xf32>
    %sub3A = arith.subf %add3A_1257, %add3A_1221 : vector<256x1xf32>
    %mul3A_1258 = arith.constant 5.000000e-01 : f32
    %mul3A_1259 = vector.broadcast %mul3A_1258 : f32 to vector<256x1xf32>
    %mul3A_1260 = arith.mulf %mul3A_1259, %sub3A : vector<256x1xf32>
    %get3A_1261 = arith.constant 0 : index
    %get3A_1262 = arith.constant 0 : index
    %get3A_1263 = vector.load %arg7[%get3A_1261, %get3A_1262] : memref<1x200xf32, #tpu.memory_space<vmem>>, vector<1x200xf32>
    %add3A_1264 = vector.broadcast %get3A_1263 : vector<1x200xf32> to vector<256x200xf32>
    %add3A_1265 = arith.addf %add3A_1248, %add3A_1264 : vector<256x200xf32>
    %max3A = arith.constant 0.000000e+00 : f32
    %max3A_1266 = vector.broadcast %max3A : f32 to vector<256x200xf32>
    %max3A_1267 = arith.maximumf %add3A_1265, %max3A_1266 : vector<256x200xf32>
    %convert_element_type3A_1268 = arith.truncf %max3A_1267 : vector<256x200xf32> to vector<256x200xbf16>
    %get3A_1269 = arith.constant 0 : index
    %get3A_1270 = arith.constant 0 : index
    %get3A_1271 = vector.load %arg8[%get3A_1269, %get3A_1270] : memref<200x200xbf16, #tpu.memory_space<vmem>>, vector<200x200xbf16>
    %dot_general3A_1272 = arith.constant dense<0.000000e+00> : vector<256x200xf32>
    %dot_general3A_1273 = tpu.matmul %convert_element_type3A_1268, %get3A_1271, %dot_general3A_1272 {dimension_numbers = #tpu.dot_dimension_numbers<[1], [0], [0], [1], [0, 0, 1, 1], [], []>, transpose_lhs_hint = false} : vector<256x200xbf16>, vector<200x200xbf16>, vector<256x200xf32> -> vector<256x200xf32>
    %get3A_1274 = arith.constant 0 : index
    %get3A_1275 = arith.constant 0 : index
    %get3A_1276 = vector.load %arg9[%get3A_1274, %get3A_1275] : memref<1x200xf32, #tpu.memory_space<vmem>>, vector<1x200xf32>
    %add3A_1277 = vector.broadcast %get3A_1276 : vector<1x200xf32> to vector<256x200xf32>
    %add3A_1278 = arith.addf %dot_general3A_1273, %add3A_1277 : vector<256x200xf32>
    %max3A_1279 = arith.constant 0.000000e+00 : f32
    %max3A_1280 = vector.broadcast %max3A_1279 : f32 to vector<256x200xf32>
    %max3A_1281 = arith.maximumf %add3A_1278, %max3A_1280 : vector<256x200xf32>
    %convert_element_type3A_1282 = arith.truncf %max3A_1281 : vector<256x200xf32> to vector<256x200xbf16>
    %get3A_1283 = arith.constant 0 : index
    %get3A_1284 = arith.constant 0 : index
    %get3A_1285 = vector.load %arg10[%get3A_1283, %get3A_1284] : memref<200x200xbf16, #tpu.memory_space<vmem>>, vector<200x200xbf16>
    %dot_general3A_1286 = arith.constant dense<0.000000e+00> : vector<256x200xf32>
    %dot_general3A_1287 = tpu.matmul %convert_element_type3A_1282, %get3A_1285, %dot_general3A_1286 {dimension_numbers = #tpu.dot_dimension_numbers<[1], [0], [0], [1], [0, 0, 1, 1], [], []>, transpose_lhs_hint = false} : vector<256x200xbf16>, vector<200x200xbf16>, vector<256x200xf32> -> vector<256x200xf32>
    %get3A_1288 = arith.constant 0 : index
    %get3A_1289 = arith.constant 0 : index
    %get3A_1290 = vector.load %arg11[%get3A_1288, %get3A_1289] : memref<1x200xf32, #tpu.memory_space<vmem>>, vector<1x200xf32>
    %add3A_1291 = vector.broadcast %get3A_1290 : vector<1x200xf32> to vector<256x200xf32>
    %add3A_1292 = arith.addf %dot_general3A_1287, %add3A_1291 : vector<256x200xf32>
    %max3A_1293 = arith.constant 0.000000e+00 : f32
    %max3A_1294 = vector.broadcast %max3A_1293 : f32 to vector<256x200xf32>
    %max3A_1295 = arith.maximumf %add3A_1292, %max3A_1294 : vector<256x200xf32>
    %convert_element_type3A_1296 = arith.truncf %max3A_1295 : vector<256x200xf32> to vector<256x200xbf16>
    %get3A_1297 = arith.constant 0 : index
    %get3A_1298 = arith.constant 0 : index
    %get3A_1299 = vector.load %arg12[%get3A_1297, %get3A_1298] : memref<200x1xbf16, #tpu.memory_space<vmem>>, vector<200x1xbf16>
    %dot_general3A_1300 = arith.constant dense<0.000000e+00> : vector<256x1xf32>
    %dot_general3A_1301 = tpu.matmul %convert_element_type3A_1296, %get3A_1299, %dot_general3A_1300 {dimension_numbers = #tpu.dot_dimension_numbers<[1], [0], [0], [1], [0, 0, 1, 1], [], []>, transpose_lhs_hint = false} : vector<256x200xbf16>, vector<200x1xbf16>, vector<256x1xf32> -> vector<256x1xf32>
    %get3A_1302 = arith.constant 0 : index
    %get3A_1303 = arith.constant 0 : index
    %get3A_1304 = vector.load %arg13[%get3A_1302, %get3A_1303] : memref<1x1xf32, #tpu.memory_space<vmem>>, vector<1x1xf32>
    %add3A_1305 = vector.broadcast %get3A_1304 : vector<1x1xf32> to vector<256x1xf32>
    %add3A_1306 = arith.addf %dot_general3A_1301, %add3A_1305 : vector<256x1xf32>
    %add3A_1307 = arith.addf %add3A_1234, %mul3A_1260 : vector<256x1xf32>
    %add3A_1308 = arith.addf %add3A_1307, %add3A_1306 : vector<256x1xf32>
    %logistic3A = arith.negf %add3A_1308 : vector<256x1xf32>
    %logistic3A_1309 = math.exp %logistic3A : vector<256x1xf32>
    %logistic3A_1310 = arith.constant 1.000000e+00 : f32
    %logistic3A_1311 = vector.broadcast %logistic3A_1310 : f32 to vector<256x1xf32>
    %logistic3A_1312 = arith.addf %logistic3A_1311, %logistic3A_1309 : vector<256x1xf32>
    %logistic3A_1313 = arith.divf %logistic3A_1311, %logistic3A_1312 : vector<256x1xf32>
    %swap3A = arith.constant 0 : index
    %swap3A_1314 = arith.constant 0 : index
    %swap3A_1315 = vector.load %arg14[%swap3A, %swap3A_1314] : memref<256x1xf32, #tpu.memory_space<vmem>>, vector<256x1xf32>
    tpu.vector_store %arg14[%swap3A, %swap3A_1314], %logistic3A_1313 {strides = array<i32>} : memref<256x1xf32, #tpu.memory_space<vmem>>, vector<256x1xf32>,
    return
  }
  func.func @transform_0(%arg0: i32) -> (i32, i32) {
    %c0_i32 = arith.constant 0 : i32
    %c0_i32_0 = arith.constant 0 : i32
    return %arg0, %c0_i32 : i32, i32
  }
  func.func @transform_1(%arg0: i32) -> (i32, i32) {
    %c0_i32 = arith.constant 0 : i32
    %c0_i32_0 = arith.constant 0 : i32
    return %arg0, %c0_i32 : i32, i32
  }
  func.func @transform_2(%arg0: i32) -> (i32, i32) {
    %c0_i32 = arith.constant 0 : i32
    %c0_i32_0 = arith.constant 0 : i32
    return %arg0, %c0_i32 : i32, i32
  }
  func.func @transform_3(%arg0: i32) -> (i32, i32) {
    %c0_i32 = arith.constant 0 : i32
    %c0_i32_0 = arith.constant 0 : i32
    return %arg0, %c0_i32 : i32, i32
  }
  func.func @transform_4(%arg0: i32) -> (i32, i32) {
    %c0_i32 = arith.constant 0 : i32
    %c0_i32_0 = arith.constant 0 : i32
    %c0_i32_1 = arith.constant 0 : i32
    return %c0_i32, %c0_i32_0 : i32, i32
  }
  func.func @transform_5(%arg0: i32) -> (i32, i32) {
    %c0_i32 = arith.constant 0 : i32
    %c0_i32_0 = arith.constant 0 : i32
    %c0_i32_1 = arith.constant 0 : i32
    return %c0_i32, %c0_i32_0 : i32, i32
  }
  func.func @transform_6(%arg0: i32) -> (i32, i32) {
    %c0_i32 = arith.constant 0 : i32
    %c0_i32_0 = arith.constant 0 : i32
    %c0_i32_1 = arith.constant 0 : i32
    return %c0_i32, %c0_i32_0 : i32, i32
  }
  func.func @transform_7(%arg0: i32) -> (i32, i32) {
    %c0_i32 = arith.constant 0 : i32
    %c0_i32_0 = arith.constant 0 : i32
    %c0_i32_1 = arith.constant 0 : i32
    return %c0_i32, %c0_i32_0 : i32, i32
  }
  func.func @transform_8(%arg0: i32) -> (i32, i32) {
    %c0_i32 = arith.constant 0 : i32
    %c0_i32_0 = arith.constant 0 : i32
    %c0_i32_1 = arith.constant 0 : i32
    return %c0_i32, %c0_i32_0 : i32, i32
  }
  func.func @transform_9(%arg0: i32) -> (i32, i32) {
    %c0_i32 = arith.constant 0 : i32
    %c0_i32_0 = arith.constant 0 : i32
    %c0_i32_1 = arith.constant 0 : i32
    return %c0_i32, %c0_i32_0 : i32, i32
  }
  func.func @transform_10(%arg0: i32) -> (i32, i32) {
    %c0_i32 = arith.constant 0 : i32
    %c0_i32_0 = arith.constant 0 : i32
    %c0_i32_1 = arith.constant 0 : i32
    return %c0_i32, %c0_i32_0 : i32, i32
  }
  func.func @transform_11(%arg0: i32) -> (i32, i32) {
    %c0_i32 = arith.constant 0 : i32
    %c0_i32_0 = arith.constant 0 : i32
    %c0_i32_1 = arith.constant 0 : i32
    return %c0_i32, %c0_i32_0 : i32, i32
  }
  func.func @transform_12(%arg0: i32) -> (i32, i32) {
    %c0_i32 = arith.constant 0 : i32
    %c0_i32_0 = arith.constant 0 : i32
    %c0_i32_1 = arith.constant 0 : i32
    return %c0_i32, %c0_i32_0 : i32, i32
  }
  func.func @transform_13(%arg0: i32) -> (i32, i32) {
    %c0_i32 = arith.constant 0 : i32
    %c0_i32_0 = arith.constant 0 : i32
    return %arg0, %c0_i32 : i32, i32
  }
}

</mosaic_0001>

<sc_bundles>
// kernel: kernel.11.cloned.1.call-start
scs
__scs_entry_jumppad:
0x0: {  	(pc) =	sbr.rel $0x88, $3  }
0x1: {  	(tag) =	ssettag $0x0;
	lr =	simm.s32 $0x1  }
0x2: {  	[smem:$0x3F96] =	sst lr;
	_ =	strace $0xD0000000  }
0x3: {  	_ = 	snop  }
0x4: {  	_ = 	snop  }
0x5: {  	_ = 	snop  }
0x6: {  	_ = 	snop  }
0x7: {  	_ = 	snop  }
__scs_overlays_trampoline_lowered:
0x8: {  	[smem:$0x3FA5] =	sst s0  }
0x9: {  	[smem:$0x3FA6] =	sst s1  }
0xa: {  	[smem:$0x3FA7] =	sst s2  }
0xb: {  	[smem:$0x3FA8] =	sst s3  }
0xc: {  	[smem:$0x3FA9] =	sst s4  }
0xd: {  	[smem:$0x3FAA] =	sst s5  }
0xe: {  	[smem:$0x3FAB] =	sst s6  }
0xf: {  	[smem:$0x3FAC] =	sst s7  }
0x10: {  	[smem:$0x3FAD] =	sst s8  }
0x11: {  	[smem:$0x3FAE] =	sst s9;
	s0 =	simm.s32 @!p0 $0x0  }
0x12: {  	s1 =	sld [smem:$0x3F94];
	s0 =	simm.s32 @p0 $0x1  }
0x13: {  	[smem:$0x3FAF] =	sst s0;
	s0 =	simm.s32 @!p1 $0x0  }
0x14: {  	s2 =	sld [smem:$0x3F93];
	s0 =	simm.s32 @p1 $0x1  }
0x15: {  	[smem:$0x3FB0] =	sst s0;
	s0 =	simm.s32 @!p2 $0x0  }
0x16: {  	s3 =	sld [smem:$0x3FDB];
	s0 =	simm.s32 @p2 $0x1  }
0x17: {  	s4 =	simm.s32 $0x1BF5;
	[smem:$0x3FB2] =	sst s0  }
0x18: {  	s0 =	sld [smem:$0x3F95];
	_ =	swait.ge [sflag:s4], $0x0  }
0x19: {  	s7 =	sld [smem:$0x3F96]  }
0x1a: {  	s8 =	sadd.s32 $0xFFFFE003, lr  }
0x1b: {  	s9 =	sadd.s32 $0xFFFFFEF7, lr;
	s5 =	simm.s32 $0xFFFFFFFF;
	p2 =	slt.u32 s8, $0xFFFFF086  }
0x1c: {  	p1 =	slt.u32 s9, $0xF7A;
	s5 =	simm.s32 @!p2 $0x0  }
0x1d: {  	s5 =	simm.s32 @p1 $0x1;
	p0 =	seq.s32 s7, s2  }
0x1e: {  	s7 =	smul.u32 @!p0 $0xF7A, s2;
	p2 =	seq.s32 @!p0 s5, $0x0  }
0x1f: {  	s9 =	smul.u32 $0xF7A, s1;
	s8 =	simm.s32 @!p0 $0x1BF5;
	p2 =	por !p2, p0  }
0x20: {  	[sflag:s8] =	ssyncset.s32 @!p0 $0xFFFFF086;
	s6 =	sadd.s32 @!p0 s3, s7;
	s7 =	simm.s32 @!p0 $0x108  }
0x21: {  	s3 =	sadd.s32 s3, s9;
	s6 =	sadd.s32 @!p0 $0x88, s6;
	s7 =	simm.s32 @p2 $0x1082  }
0x22: {  	[simem:s7], [sflag:s8] =	dma.local @!p0 [hbm:s6], $0xF7A  }
0x23: {  	s9 =	sor.u32 $0xD0000000, s2;
	s6 =	simm.s32 $0x108;
	_ =	swait.ge @!p0 [sflag:s8], $0x0  }
0x24: {  	s3 =	sadd.s32 $0x88, s3;
	s6 =	simm.s32 @!p1 $0x1082;
	[sflag:s4] =	ssyncset.s32 $0xFFFFF086  }
0x25: {  	[simem:s6], [sflag:s4] =	dma.local [hbm:s3], $0xF7A  }
0x26: {  	[smem:$0x3F96] =	sst s1;
	(tag) =	ssettag s2;
	_ =	strace s9  }
0x27: {  	s1 =	sld [smem:$0x3FA6]  }
0x28: {  	s2 =	sld [smem:$0x3FA7]  }
0x29: {  	s4 =	sld [smem:$0x3FA9]  }
0x2a: {  	p0 =	seq.s32 s5, $0x0;
	s5 =	sld [smem:$0x3FAA]  }
0x2b: {  	s6 =	sld [smem:$0x3FAB]  }
0x2c: {  	s7 =	sld [smem:$0x3FAC]  }
0x2d: {  	s3 =	simm.s32 $0x108;
	s8 =	sld [smem:$0x3FAD]  }
0x2e: {  	s3 =	simm.s32 @!p0 $0x1082;
	s9 =	sld [smem:$0x3FAE]  }
0x2f: {  	lr =	sadd.s32 s0, s3;
	s0 =	sld [smem:$0x3FA5]  }
0x30: {  	s3 =	sld [smem:$0x3FA8]  }
0x31: {  	[smem:$0x3FB1] =	sst s10  }
0x32: {  	s10 =	sld [smem:$0x3FAF];
	_ =	sdelay $0x3  }
0x33: {  	p0 =	seq.s32 s10, $0x1;
	s10 =	sld [smem:$0x3FB1];
	_ =	sdelay $0x3  }
0x34: {  	[smem:$0x3FB1] =	sst s10  }
0x35: {  	s10 =	sld [smem:$0x3FB0];
	_ =	sdelay $0x3  }
0x36: {  	p1 =	seq.s32 s10, $0x1;
	s10 =	sld [smem:$0x3FB1];
	_ =	sdelay $0x3  }
0x37: {  	[smem:$0x3FB1] =	sst s10  }
0x38: {  	s10 =	sld [smem:$0x3FB2]  }
0x39: {  	_ = 	snop;
	(pc) =	sbr.ind lr, $3  }
0x3a: {  	_ = 	snop  }
0x3b: {  	_ = 	snop  }
0x3c: {  	p2 =	seq.s32 s10, $0x1;
	s10 =	sld [smem:$0x3FB1]  }
0x3d: {  	_ =	shalt  }
0x3e: {  	_ =	shalt  }
0x3f: {  	_ =	shalt  }
0x40: {  	_ =	shalt  }
0x41: {  	_ =	shalt  }
0x42: {  	_ =	shalt  }
0x43: {  	_ =	shalt  }
0x44: {  	_ =	shalt  }
0x45: {  	_ =	shalt  }
0x46: {  	_ =	shalt  }
0x47: {  	_ =	shalt  }
0x48: {  	_ =	shalt  }
0x49: {  	_ =	shalt  }
0x4a: {  	_ =	shalt  }
0x4b: {  	_ =	shalt  }
0x4c: {  	_ =	shalt  }
0x4d: {  	_ =	shalt  }
0x4e: {  	_ =	shalt  }
0x4f: {  	_ =	shalt  }
0x50: {  	_ =	shalt  }
0x51: {  	_ =	shalt  }
0x52: {  	_ =	shalt  }
0x53: {  	_ =	shalt  }
0x54: {  	_ =	shalt  }
0x55: {  	_ =	shalt  }
0x56: {  	_ =	shalt  }
0x57: {  	_ =	shalt  }
0x58: {  	_ =	shalt  }
0x59: {  	_ =	shalt  }
0x5a: {  	_ =	shalt  }
0x5b: {  	_ =	shalt  }
0x5c: {  	_ =	shalt  }
0x5d: {  	_ =	shalt  }
0x5e: {  	_ =	shalt  }
0x5f: {  	_ =	shalt  }
0x60: {  	_ =	shalt  }
0x61: {  	_ =	shalt  }
0x62: {  	_ =	shalt  }
0x63: {  	_ =	shalt  }
0x64: {  	_ =	shalt  }
0x65: {  	_ =	shalt  }
0x66: {  	_ =	shalt  }
0x67: {  	_ =	shalt  }
0x68: {  	_ =	shalt  }
0x69: {  	_ =	shalt  }
0x6a: {  	_ =	shalt  }
0x6b: {  	_ =	shalt  }
0x6c: {  	_ =	shalt  }
0x6d: {  	_ =	shalt  }
0x6e: {  	_ =	shalt  }
0x6f: {  	_ =	shalt  }
0x70: {  	_ =	shalt  }
0x71: {  	_ =	shalt  }
0x72: {  	_ =	shalt  }
0x73: {  	_ =	shalt  }
0x74: {  	_ =	shalt  }
0x75: {  	_ =	shalt  }
0x76: {  	_ =	shalt  }
0x77: {  	_ =	shalt  }
0x78: {  	_ =	shalt  }
0x79: {  	_ =	shalt  }
0x7a: {  	_ =	shalt  }
0x7b: {  	_ =	shalt  }
0x7c: {  	_ =	shalt  }
0x7d: {  	_ =	shalt  }
0x7e: {  	_ =	shalt  }
0x7f: {  	_ =	shalt  }
0x80: {  	_ =	shalt  }
0x81: {  	_ =	shalt  }
0x82: {  	_ =	shalt  }
0x83: {  	_ =	shalt  }
0x84: {  	_ =	shalt  }
0x85: {  	_ =	shalt  }
0x86: {  	_ =	shalt  }
0x87: {  	_ =	shalt  }
.Lfunc_end0:
.L_simem_size_0:
called_computation.1_lowered:
.L_overlay_start_0:
0x88: {  	s2 =	sld [smem:$0x3FD9]  }
0x89: {  	s3 =	sld [smem:$0x3FFE];
	_ =	sdelay $0x1  }
0x8a: {  	s1 =	srdreg.scid  }
0x8b: {  	s0 =	sand.u32 $0x1, s1  }
0x8c: {  	s17 =	sshll.u32 s0, $0xA;
	s2 =	sadd.s32 s3, s2  }
0x8d: {  	s2 =	sadd.s32 s2, s17  }
0x8e: {  	[smem:$0x3FBD] =	sst s2  }
0x8f: {  	_ = 	snop  }
0x90: {  	(tm) =	ssettm $0x1  }
0x91: {  	s18 =	sld [smem:$0x3FFB];
	_ =	sdelay $0x3  }
0x92: {  	_ =	strace s18  }
0x93: {  	s2 =	sld [smem:$0x3FFC];
	_ =	sdelay $0x3  }
0x94: {  	_ =	strace s2  }
0x95: {  	s2 =	sld [smem:$0x3FFD];
	_ =	sdelay $0x3  }
0x96: {  	_ =	strace s2  }
0x97: {  	_ =	strace $0x8FFFFFFF  }
0x98: {  	s19 =	sld [smem:$0x3FDB];
	_ =	sdelay $0x1  }
0x99: {  	s20 =	simm.s32 $_scs_section_size  }
0x9a: {  	s4 =	simm.s32 $_size__tile_overlayer_lowered;
	s5 =	simm.s32 $_tile_overlayer_lowered  }
0x9b: {  	s6 =	simm.s32 $0x1BFF;
	s21 =	sshll.u32 s5, $0x1;
	s3 =	sadd.s32 s20, s19  }
0x9c: {  	s22 =	simm.s32 $0x0;
	s4 =	sshll.u32 s4, $0x1;
	s5 =	sadd.s32 s21, s3  }
0x9d: {  	[timem:s22], [sflag:s6] =	dma.local [hbm:s5], s4  }
0x9e: {  	_ =	swait.ge [sflag:s6], s4  }
0x9f: {  	s4 =	ssub.s32 $0x0, s4;
	[sflag:s6] =	ssyncset.done $0x0  }
0xa0: {  	[sflag:s6] =	ssyncadd.s32 s4;
	_ =	sdelay $0x1  }
0xa1: {  	s23 =	simm.s32 $0x1B8B  }
0xa2: {  	_ =	swait.ge [sflag:s23], $0x1  }
0xa3: {  	[sflag:s23] =	ssyncset.done $0x0  }
0xa4: {  	[sflag:s23] =	ssyncadd.s32 $0xFFFFFFFF  }
0xa5: {  	s4 =	sld [smem:$0x0]  }
0xa6: {  	s5 =	sand.u32 $0xFFFFFFFE, s1  }
0xa7: {  	p0 =	sne.s32 s1, s5  }
0xa8: {  	s5 =	sshll.u32 @p0 s5, $0xE  }
0xa9: {  	s5 =	sadd.s32 @p0 $0x11B8D, s5;
	s6 =	sshll.u32 @p0 s4, $0x11  }
0xaa: {  	s5 =	sor.u32 @p0 s6, s5  }
0xab: {  	[sflag:s5] =	ssyncadd.remote.s32 @p0 $0x1;
	_ =	sdelay $0x1  }
0xac: {  	s5 =	simm.s32 @p0 $0x1B8D  }
0xad: {  	_ =	swait.eq @p0 [sflag:s5], $0x1  }
0xae: {  	[sflag:s5] =	ssyncadd.s32 @p0 $0xFFFFFFFF  }
0xaf: {  	s6 =	sshll.u32 @!p0 s1, $0xE  }
0xb0: {  	s6 =	sor.u32 @!p0 $0x4000, s6;
	s5 =	simm.s32 @!p0 $0x1B8D  }
0xb1: {  	s4 =	sshll.u32 @!p0 s4, $0x11;
	s6 =	sadd.s32 @!p0 $0x11B8D, s6;
	_ =	swait.eq @!p0 [sflag:s5], $0x1  }
0xb2: {  	s4 =	sor.u32 @!p0 s4, s6;
	[sflag:s5] =	ssyncadd.s32 @!p0 $0xFFFFFFFF  }
0xb3: {  	s25 =	simm.s32 $0x1B8E;
	s24 =	sld [smem:$0x3FFE];
	[sflag:s4] =	ssyncadd.remote.s32 @!p0 $0x1  }
0xb4: {  	s26 =	simm.s32 $execute0_lowered;
	[smem:$0x3FD2] =	sst s25  }
0xb5: {  	s5 =	sshll.u32 s26, $0x1;
	_ =	strace $0x80000049;
	[dreg:$0x1] =	wrdreg $0xFFFFFFFF  }
0xb6: {  	s28 =	simm.s32 $_size_execute0_lowered;
	s3 =	sadd.s32 s3, s5;
	[dreg:$0x0] =	wrdreg $0x0  }
0xb7: {  	s5 =	sshll.u32 s28, $0x1;
	[dreg:$0x2] =	wrdreg s3  }
0xb8: {  	[dreg:$0x3] =	wrdreg s5  }
0xb9: {  	[dreg:$0x4] =	wrdreg $0xC0  }
0xba: {  	_ =	task [dreg:s22], $0x5FFFF  }
0xbb: {  	[dreg:$0x1] =	wrdreg $0xFFFFFFFF  }
0xbc: {  	[dreg:$0x0] =	wrdreg $0x60  }
0xbd: {  	[dreg:$0x2] =	wrdreg s24  }
0xbe: {  	[dreg:$0x3] =	wrdreg $0xA  }
0xbf: {  	_ =	task.clear_ibuf [dreg:s22], $0x4FFFF;
	_ =	strace $0x90000049  }
0xc0: {  	s29 =	simm.s32 $0xA;
	_ =	strace $0x8000004B  }
0xc1: {  	_ =	swait.ge [sflag:s29], $0x1  }
0xc2: {  	[sflag:s29] =	ssyncadd.s32 $0xFFFFFFFF  }
0xc3: {  	_ =	strace $0x9000004B  }
0xc4: {  	_ =	sfence  }
0xc5: {  	s30 =	sld [smem:$0x0];
	_ =	sdelay $0x2  }
0xc6: {  	s31 =	sshll.u32 s1, $0xD;
	s1 =	sshrl.u32 s1, $0x2  }
0xc7: {  	s4 =	sand.u32 $0x4000, s31;
	s1 =	sadd.s32 s1, s30  }
0xc8: {  	s0 =	sor.u32 s4, s0;
	s1 =	sshll.u32 s1, $0x11  }
0xc9: {  	s0 =	sor.u32 s1, s0  }
0xca: {  	s0 =	sadd.s32 $0x8F2B, s0  }
0xcb: {  	[sflag:s0] =	ssyncadd.remote.s32 $0x1  }
0xcc: {  	_ =	sfence.sel $0xFFFF  }
0xcd: {  	[dreg:$0x0] =	wrdreg $0xFFFFFFFF;
	(pc) =	sbr.abs _section_cstart, $3  }
0xce: {  	[dreg:$0x1] =	wrdreg $0xFFFFFFFF  }
0xcf: {  	_ =	task.clear_ibuf [dreg:s22], $0x2FFFF;
	_ =	strace $0x9FFFFFFF  }
0xd0: {  	(tm) =	ssettm $0x7FFFFFFF  }
0xd1: {  	_ =	shalt  }
tec
execute0_lowered:
.L_overlay_start_1:
0x0: {  	(tag) =	ssettag $0x1  }
0x1: {  	s4 =	rddreg [dreg:$0x0]  }
0x2: {  	s0 =	rddreg [dreg:$0x1];
	s2 =	simm.s32 $0x0;
	s3 =	srdreg.scid  }
0x3: {  	s1 =	stileid.u32;
	s10 =	simm.s32 $0x1;
	s11 =	simm.s32 $0x0  }
0x4: {  	[smem:$0x7FF] =	sst s2;
	s3 =	sand.u32 $0x1, s3;
	s5 =	sshll.u32 s1, $0x9  }
0x5: {  	s31 =	smul.u32 $0xD000, s1;
	_ =	strace $0x8000004A;
	s6 =	sshll.u32 s3, $0x8  }
0x6: {  	s7 =	ssub.s32 $0x2, s3;
	s9 =	smul.u32 $0x6800, s3;
	s3 =	sadd.s32 $0x7AE00, s4  }
0x7: {  	s5 =	sor.u32 s6, s5;
	s8 =	sshrl.u32 s7, $0x1;
	s6 =	sadd.s32 s31, s4  }
0x8: {  	s5 =	sadd.s32 s5, s4;
	s7 =	ssub.s32 s7, s8;
	s6 =	sadd.s32 s9, s6  }
0x9: {  	s8 =	simm.s32 $0x80;
	s9 =	simm.s32 $0x800;
	s4 =	sadd.s32 $0x78E00, s5  }
0xa: {  	s5 =	smax.u32 s7, $0x1;
	s6 =	sadd.s32 $0x86A200, s6;
	s7 =	simm.s32 $0x2  }
.LBB2_1:
0xb: {  	[tilespmem:s2], [sflag:$0x2] =	stream.linear.gather [hbm4b:s4+s2], $0x680, $0x38;
	[tilespmem:$0x4800] =	vst v63  }
0xc: {  	_ =	swait.ge [sflag:s7], $0x680  }
0xd: {  	[sflag:s7] =	ssyncset.done $0x0  }
0xe: {  	s12 =	simm.s32 $0x0;
	[sflag:s7] =	ssyncadd.s32 $0xFFFFF980  }
0xf: {  	[tilespmem:s9], [sflag:$0x1] =	stream.indirect.gather [hbm4b:s3+s8], $0x80, s12, s8, $0xb8;
	[tilespmem:$0x4800] =	vst v63  }
0x10: {  	_ =	swait.ge [sflag:s10], $0x4000  }
0x11: {  	[sflag:s10] =	ssyncset.done $0x0  }
0x12: {  	[sflag:s10] =	ssyncadd.s32 $0xFFFFC000  }
0x13: {  	[hbm4b:s6+s2] =	stream.linear.scatter [tilespmem:s9], [sflag:$0x2], $0x4000, $0x38;
	[tilespmem:$0x4800] =	vst v63  }
0x14: {  	s13 =	simm.s32 $0x200;
	_ =	swait.ge [sflag:s7], $0x4000  }
0x15: {  	s14 =	simm.s32 $0x400;
	s12 =	sadd.s32 $0x800, s6;
	[sflag:s7] =	ssyncset.done $0x0  }
.LBB2_2:
0x16: {  	s15 =	sshra.s32 s13, $0x2  }
0x17: {  	[sflag:s7] =	ssyncadd.s32 $0xFFFFC000;
	s13 =	smov.u32 s14;
	s16 =	sadd.s32 $0x200, s14  }
0x18: {  	[tilespmem:s9], [sflag:$0x1] =	stream.indirect.gather [hbm4b:s3+s8], $0x80, s15, s8, $0xb8;
	[tilespmem:$0x4800] =	vst v63  }
0x19: {  	p0 =	sne.s32 s14, $0x1800;
	_ =	swait.ge [sflag:s10], $0x4000  }
.Ltmp0:
0x1a: {  	[sflag:s10] =	ssyncset.done $0x0;
	(pc) =	sbr.rel @p0 .LBB2_2-.Ltmp0, $4  }
0x1b: {  	[sflag:s10] =	ssyncadd.s32 $0xFFFFC000  }
0x1c: {  	[hbm4b:s12+s2] =	stream.linear.scatter [tilespmem:s9], [sflag:$0x2], $0x4000, $0x38;
	[tilespmem:$0x4800] =	vst v63  }
0x1d: {  	_ =	swait.ge [sflag:s7], $0x4000  }
0x1e: {  	s14 =	smov.u32 s16;
	s12 =	sadd.s32 $0x800, s12;
	[sflag:s7] =	ssyncset.done $0x0  }
0x1f: {  	s13 =	sshra.s32 s13, $0x2;
	[sflag:s7] =	ssyncadd.s32 $0xFFFFC000  }
0x20: {  	[tilespmem:s9], [sflag:$0x1] =	stream.indirect.gather [hbm4b:s3+s8], $0x80, s13, s8, $0xb8;
	[tilespmem:$0x4800] =	vst v63  }
0x21: {  	s11 =	sadd.s32 $0x1, s11;
	_ =	swait.ge [sflag:s10], $0x4000  }
0x22: {  	p0 =	sne.s32 s11, s5;
	[sflag:s10] =	ssyncset.done $0x0  }
.Ltmp1:
0x23: {  	[sflag:s10] =	ssyncadd.s32 $0xFFFFC000;
	(pc) =	sbr.rel @p0 .LBB2_1-.Ltmp1, $4  }
0x24: {  	[hbm4b:s12+s2] =	stream.linear.scatter [tilespmem:s9], [sflag:$0x2], $0x4000, $0x38;
	[tilespmem:$0x4800] =	vst v63  }
0x25: {  	_ =	swait.ge [sflag:s7], $0x4000  }
0x26: {  	[sflag:s7] =	ssyncset.done $0x0  }
0x27: {  	[sflag:s7] =	ssyncadd.s32 $0xFFFFC000  }
0x28: {  	_ =	sfence.sel $0x180000  }
0x29: {  	[bflag:$0x0] =	sbarrier.arrive $0xFFFF  }
0x2a: {  	p0 =	sne.s32 s1, $0x0;
	_ =	strace $0x9000004A  }
0x2b: {  	s0 =	sadd.s32 @!p0 $0x100000, s0;
	[bflag:$0x2] =	sbarrier.arrive $0xFFFF  }
0x2c: {  	[sflag:s0] =	ssyncadd.tile.s32 @!p0 $0x1;
	_ =	shalt  }
.Lfunc_end2:
_tile_overlayer_lowered:
.L_overlay_start_2:
0x2d: {  	(tag) =	ssettag $0x2  }
0x2e: {  	s0 =	rddreg [dreg:$0x0];
	s2 =	stileid.u32  }
0x2f: {  	s1 =	rddreg [dreg:$0x1];
	p0 =	sne.s32 s2, $0x0  }
0x30: {  	s3 =	rddreg [dreg:$0x2];
	[bflag:$0x3] =	sbarrier.arrive $0xFFFF;
	s2 =	simm.s32 @!p0 $0x1C02  }
0x31: {  	[timem:s3], [sflag:s2] =	dma.local @!p0 [hbm:s0], s1  }
0x32: {  	s0 =	simm.s32 @!p0 $0x2  }
0x33: {  	_ =	swait.ge @!p0 [sflag:s0], s1  }
0x34: {  	s1 =	ssub.s32 @!p0 $0x0, s1;
	[sflag:s0] =	ssyncset.done @!p0 $0x0  }
0x35: {  	[sflag:s0] =	ssyncadd.s32 @!p0 s1  }
0x36: {  	[bflag:$0x3] =	sbarrier.arrive $0xFFFF  }
0x37: {  	_ =	shalt  }

// kernel: kernel.14.cloned.1.call-start
scs
__scs_entry_jumppad:
0x0: {  	(pc) =	sbr.rel $0x88, $3  }
0x1: {  	(tag) =	ssettag $0x0;
	lr =	simm.s32 $0x1  }
0x2: {  	[smem:$0x3F96] =	sst lr;
	_ =	strace $0xD0000000  }
0x3: {  	_ = 	snop  }
0x4: {  	_ = 	snop  }
0x5: {  	_ = 	snop  }
0x6: {  	_ = 	snop  }
0x7: {  	_ = 	snop  }
__scs_overlays_trampoline_lowered:
0x8: {  	[smem:$0x3FA5] =	sst s0  }
0x9: {  	[smem:$0x3FA6] =	sst s1  }
0xa: {  	[smem:$0x3FA7] =	sst s2  }
0xb: {  	[smem:$0x3FA8] =	sst s3  }
0xc: {  	[smem:$0x3FA9] =	sst s4  }
0xd: {  	[smem:$0x3FAA] =	sst s5  }
0xe: {  	[smem:$0x3FAB] =	sst s6  }
0xf: {  	[smem:$0x3FAC] =	sst s7  }
0x10: {  	[smem:$0x3FAD] =	sst s8  }
0x11: {  	[smem:$0x3FAE] =	sst s9;
	s0 =	simm.s32 @!p0 $0x0  }
0x12: {  	s1 =	sld [smem:$0x3F94];
	s0 =	simm.s32 @p0 $0x1  }
0x13: {  	[smem:$0x3FAF] =	sst s0;
	s0 =	simm.s32 @!p1 $0x0  }
0x14: {  	s2 =	sld [smem:$0x3F93];
	s0 =	simm.s32 @p1 $0x1  }
0x15: {  	[smem:$0x3FB0] =	sst s0;
	s0 =	simm.s32 @!p2 $0x0  }
0x16: {  	s3 =	sld [smem:$0x3FDB];
	s0 =	simm.s32 @p2 $0x1  }
0x17: {  	s4 =	simm.s32 $0x1BF5;
	[smem:$0x3FB2] =	sst s0  }
0x18: {  	s0 =	sld [smem:$0x3F95];
	_ =	swait.ge [sflag:s4], $0x0  }
0x19: {  	s7 =	sld [smem:$0x3F96]  }
0x1a: {  	s8 =	sadd.s32 $0xFFFFE003, lr  }
0x1b: {  	s9 =	sadd.s32 $0xFFFFFEF7, lr;
	s5 =	simm.s32 $0xFFFFFFFF;
	p2 =	slt.u32 s8, $0xFFFFF086  }
0x1c: {  	p1 =	slt.u32 s9, $0xF7A;
	s5 =	simm.s32 @!p2 $0x0  }
0x1d: {  	s5 =	simm.s32 @p1 $0x1;
	p0 =	seq.s32 s7, s2  }
0x1e: {  	s7 =	smul.u32 @!p0 $0xF7A, s2;
	p2 =	seq.s32 @!p0 s5, $0x0  }
0x1f: {  	s9 =	smul.u32 $0xF7A, s1;
	s8 =	simm.s32 @!p0 $0x1BF5;
	p2 =	por !p2, p0  }
0x20: {  	[sflag:s8] =	ssyncset.s32 @!p0 $0xFFFFF086;
	s6 =	sadd.s32 @!p0 s3, s7;
	s7 =	simm.s32 @!p0 $0x108  }
0x21: {  	s3 =	sadd.s32 s3, s9;
	s6 =	sadd.s32 @!p0 $0x88, s6;
	s7 =	simm.s32 @p2 $0x1082  }
0x22: {  	[simem:s7], [sflag:s8] =	dma.local @!p0 [hbm:s6], $0xF7A  }
0x23: {  	s9 =	sor.u32 $0xD0000000, s2;
	s6 =	simm.s32 $0x108;
	_ =	swait.ge @!p0 [sflag:s8], $0x0  }
0x24: {  	s3 =	sadd.s32 $0x88, s3;
	s6 =	simm.s32 @!p1 $0x1082;
	[sflag:s4] =	ssyncset.s32 $0xFFFFF086  }
0x25: {  	[simem:s6], [sflag:s4] =	dma.local [hbm:s3], $0xF7A  }
0x26: {  	[smem:$0x3F96] =	sst s1;
	(tag) =	ssettag s2;
	_ =	strace s9  }
0x27: {  	s1 =	sld [smem:$0x3FA6]  }
0x28: {  	s2 =	sld [smem:$0x3FA7]  }
0x29: {  	s4 =	sld [smem:$0x3FA9]  }
0x2a: {  	p0 =	seq.s32 s5, $0x0;
	s5 =	sld [smem:$0x3FAA]  }
0x2b: {  	s6 =	sld [smem:$0x3FAB]  }
0x2c: {  	s7 =	sld [smem:$0x3FAC]  }
0x2d: {  	s3 =	simm.s32 $0x108;
	s8 =	sld [smem:$0x3FAD]  }
0x2e: {  	s3 =	simm.s32 @!p0 $0x1082;
	s9 =	sld [smem:$0x3FAE]  }
0x2f: {  	lr =	sadd.s32 s0, s3;
	s0 =	sld [smem:$0x3FA5]  }
0x30: {  	s3 =	sld [smem:$0x3FA8]  }
0x31: {  	[smem:$0x3FB1] =	sst s10  }
0x32: {  	s10 =	sld [smem:$0x3FAF];
	_ =	sdelay $0x3  }
0x33: {  	p0 =	seq.s32 s10, $0x1;
	s10 =	sld [smem:$0x3FB1];
	_ =	sdelay $0x3  }
0x34: {  	[smem:$0x3FB1] =	sst s10  }
0x35: {  	s10 =	sld [smem:$0x3FB0];
	_ =	sdelay $0x3  }
0x36: {  	p1 =	seq.s32 s10, $0x1;
	s10 =	sld [smem:$0x3FB1];
	_ =	sdelay $0x3  }
0x37: {  	[smem:$0x3FB1] =	sst s10  }
0x38: {  	s10 =	sld [smem:$0x3FB2]  }
0x39: {  	_ = 	snop;
	(pc) =	sbr.ind lr, $3  }
0x3a: {  	_ = 	snop  }
0x3b: {  	_ = 	snop  }
0x3c: {  	p2 =	seq.s32 s10, $0x1;
	s10 =	sld [smem:$0x3FB1]  }
0x3d: {  	_ =	shalt  }
0x3e: {  	_ =	shalt  }
0x3f: {  	_ =	shalt  }
0x40: {  	_ =	shalt  }
0x41: {  	_ =	shalt  }
0x42: {  	_ =	shalt  }
0x43: {  	_ =	shalt  }
0x44: {  	_ =	shalt  }
0x45: {  	_ =	shalt  }
0x46: {  	_ =	shalt  }
0x47: {  	_ =	shalt  }
0x48: {  	_ =	shalt  }
0x49: {  	_ =	shalt  }
0x4a: {  	_ =	shalt  }
0x4b: {  	_ =	shalt  }
0x4c: {  	_ =	shalt  }
0x4d: {  	_ =	shalt  }
0x4e: {  	_ =	shalt  }
0x4f: {  	_ =	shalt  }
0x50: {  	_ =	shalt  }
0x51: {  	_ =	shalt  }
0x52: {  	_ =	shalt  }
0x53: {  	_ =	shalt  }
0x54: {  	_ =	shalt  }
0x55: {  	_ =	shalt  }
0x56: {  	_ =	shalt  }
0x57: {  	_ =	shalt  }
0x58: {  	_ =	shalt  }
0x59: {  	_ =	shalt  }
0x5a: {  	_ =	shalt  }
0x5b: {  	_ =	shalt  }
0x5c: {  	_ =	shalt  }
0x5d: {  	_ =	shalt  }
0x5e: {  	_ =	shalt  }
0x5f: {  	_ =	shalt  }
0x60: {  	_ =	shalt  }
0x61: {  	_ =	shalt  }
0x62: {  	_ =	shalt  }
0x63: {  	_ =	shalt  }
0x64: {  	_ =	shalt  }
0x65: {  	_ =	shalt  }
0x66: {  	_ =	shalt  }
0x67: {  	_ =	shalt  }
0x68: {  	_ =	shalt  }
0x69: {  	_ =	shalt  }
0x6a: {  	_ =	shalt  }
0x6b: {  	_ =	shalt  }
0x6c: {  	_ =	shalt  }
0x6d: {  	_ =	shalt  }
0x6e: {  	_ =	shalt  }
0x6f: {  	_ =	shalt  }
0x70: {  	_ =	shalt  }
0x71: {  	_ =	shalt  }
0x72: {  	_ =	shalt  }
0x73: {  	_ =	shalt  }
0x74: {  	_ =	shalt  }
0x75: {  	_ =	shalt  }
0x76: {  	_ =	shalt  }
0x77: {  	_ =	shalt  }
0x78: {  	_ =	shalt  }
0x79: {  	_ =	shalt  }
0x7a: {  	_ =	shalt  }
0x7b: {  	_ =	shalt  }
0x7c: {  	_ =	shalt  }
0x7d: {  	_ =	shalt  }
0x7e: {  	_ =	shalt  }
0x7f: {  	_ =	shalt  }
0x80: {  	_ =	shalt  }
0x81: {  	_ =	shalt  }
0x82: {  	_ =	shalt  }
0x83: {  	_ =	shalt  }
0x84: {  	_ =	shalt  }
0x85: {  	_ =	shalt  }
0x86: {  	_ =	shalt  }
0x87: {  	_ =	shalt  }
.Lfunc_end0:
.L_simem_size_0:
called_computation.2_lowered:
.L_overlay_start_0:
0x88: {  	s2 =	sld [smem:$0x3FD9]  }
0x89: {  	s3 =	sld [smem:$0x3FFE];
	_ =	sdelay $0x1  }
0x8a: {  	s1 =	srdreg.scid  }
0x8b: {  	s0 =	sand.u32 $0x1, s1  }
0x8c: {  	s17 =	sshll.u32 s0, $0xA;
	s2 =	sadd.s32 s3, s2  }
0x8d: {  	s2 =	sadd.s32 s2, s17  }
0x8e: {  	[smem:$0x3FBD] =	sst s2  }
0x8f: {  	_ = 	snop  }
0x90: {  	(tm) =	ssettm $0x1  }
0x91: {  	s18 =	sld [smem:$0x3FFB];
	_ =	sdelay $0x3  }
0x92: {  	_ =	strace s18  }
0x93: {  	s2 =	sld [smem:$0x3FFC];
	_ =	sdelay $0x3  }
0x94: {  	_ =	strace s2  }
0x95: {  	s2 =	sld [smem:$0x3FFD];
	_ =	sdelay $0x3  }
0x96: {  	_ =	strace s2  }
0x97: {  	_ =	strace $0x8FFFFFFF  }
0x98: {  	s19 =	sld [smem:$0x3FDB];
	_ =	sdelay $0x1  }
0x99: {  	s20 =	simm.s32 $_scs_section_size  }
0x9a: {  	s4 =	simm.s32 $_size__tile_overlayer_lowered;
	s5 =	simm.s32 $_tile_overlayer_lowered  }
0x9b: {  	s6 =	simm.s32 $0x1BFF;
	s21 =	sshll.u32 s5, $0x1;
	s3 =	sadd.s32 s20, s19  }
0x9c: {  	s22 =	simm.s32 $0x0;
	s4 =	sshll.u32 s4, $0x1;
	s5 =	sadd.s32 s21, s3  }
0x9d: {  	[timem:s22], [sflag:s6] =	dma.local [hbm:s5], s4  }
0x9e: {  	_ =	swait.ge [sflag:s6], s4  }
0x9f: {  	s4 =	ssub.s32 $0x0, s4;
	[sflag:s6] =	ssyncset.done $0x0  }
0xa0: {  	[sflag:s6] =	ssyncadd.s32 s4;
	_ =	sdelay $0x1  }
0xa1: {  	s23 =	simm.s32 $0x1B8B  }
0xa2: {  	_ =	swait.ge [sflag:s23], $0x1  }
0xa3: {  	[sflag:s23] =	ssyncset.done $0x0  }
0xa4: {  	[sflag:s23] =	ssyncadd.s32 $0xFFFFFFFF  }
0xa5: {  	s4 =	sld [smem:$0x0]  }
0xa6: {  	s5 =	sand.u32 $0xFFFFFFFE, s1  }
0xa7: {  	p0 =	sne.s32 s1, s5  }
0xa8: {  	s5 =	sshll.u32 @p0 s5, $0xE  }
0xa9: {  	s5 =	sadd.s32 @p0 $0x11B8D, s5;
	s6 =	sshll.u32 @p0 s4, $0x11  }
0xaa: {  	s5 =	sor.u32 @p0 s6, s5  }
0xab: {  	[sflag:s5] =	ssyncadd.remote.s32 @p0 $0x1;
	_ =	sdelay $0x1  }
0xac: {  	s5 =	simm.s32 @p0 $0x1B8D  }
0xad: {  	_ =	swait.eq @p0 [sflag:s5], $0x1  }
0xae: {  	[sflag:s5] =	ssyncadd.s32 @p0 $0xFFFFFFFF  }
0xaf: {  	s6 =	sshll.u32 @!p0 s1, $0xE  }
0xb0: {  	s6 =	sor.u32 @!p0 $0x4000, s6;
	s5 =	simm.s32 @!p0 $0x1B8D  }
0xb1: {  	s4 =	sshll.u32 @!p0 s4, $0x11;
	s6 =	sadd.s32 @!p0 $0x11B8D, s6;
	_ =	swait.eq @!p0 [sflag:s5], $0x1  }
0xb2: {  	s4 =	sor.u32 @!p0 s4, s6;
	[sflag:s5] =	ssyncadd.s32 @!p0 $0xFFFFFFFF  }
0xb3: {  	s25 =	simm.s32 $0x1B8E;
	s24 =	sld [smem:$0x3FFE];
	[sflag:s4] =	ssyncadd.remote.s32 @!p0 $0x1  }
0xb4: {  	s26 =	simm.s32 $execute0_lowered;
	[smem:$0x3FD2] =	sst s25  }
0xb5: {  	s5 =	sshll.u32 s26, $0x1;
	_ =	strace $0x8000004C;
	[dreg:$0x1] =	wrdreg $0xFFFFFFFF  }
0xb6: {  	s28 =	simm.s32 $_size_execute0_lowered;
	s3 =	sadd.s32 s3, s5;
	[dreg:$0x0] =	wrdreg $0x0  }
0xb7: {  	s5 =	sshll.u32 s28, $0x1;
	[dreg:$0x2] =	wrdreg s3  }
0xb8: {  	[dreg:$0x3] =	wrdreg s5  }
0xb9: {  	[dreg:$0x4] =	wrdreg $0xC0  }
0xba: {  	_ =	task [dreg:s22], $0x5FFFF  }
0xbb: {  	[dreg:$0x1] =	wrdreg $0xFFFFFFFF  }
0xbc: {  	[dreg:$0x0] =	wrdreg $0x60  }
0xbd: {  	[dreg:$0x2] =	wrdreg s24  }
0xbe: {  	[dreg:$0x3] =	wrdreg $0xB  }
0xbf: {  	_ =	task.clear_ibuf [dreg:s22], $0x4FFFF;
	_ =	strace $0x9000004C  }
0xc0: {  	s29 =	simm.s32 $0xB;
	_ =	strace $0x8000004E  }
0xc1: {  	_ =	swait.ge [sflag:s29], $0x1  }
0xc2: {  	[sflag:s29] =	ssyncadd.s32 $0xFFFFFFFF  }
0xc3: {  	_ =	strace $0x9000004E  }
0xc4: {  	_ =	sfence  }
0xc5: {  	s30 =	sld [smem:$0x0];
	_ =	sdelay $0x2  }
0xc6: {  	s31 =	sshll.u32 s1, $0xD;
	s1 =	sshrl.u32 s1, $0x2  }
0xc7: {  	s4 =	sand.u32 $0x4000, s31;
	s1 =	sadd.s32 s1, s30  }
0xc8: {  	s0 =	sor.u32 s4, s0;
	s1 =	sshll.u32 s1, $0x11  }
0xc9: {  	s0 =	sor.u32 s1, s0  }
0xca: {  	s0 =	sadd.s32 $0x8F2B, s0  }
0xcb: {  	[sflag:s0] =	ssyncadd.remote.s32 $0x1  }
0xcc: {  	_ =	sfence.sel $0xFFFF  }
0xcd: {  	[dreg:$0x0] =	wrdreg $0xFFFFFFFF;
	(pc) =	sbr.abs _section_cstart, $3  }
0xce: {  	[dreg:$0x1] =	wrdreg $0xFFFFFFFF  }
0xcf: {  	_ =	task.clear_ibuf [dreg:s22], $0x2FFFF;
	_ =	strace $0x9FFFFFFF  }
0xd0: {  	(tm) =	ssettm $0x7FFFFFFF  }
0xd1: {  	_ =	shalt  }
tec
execute0_lowered:
.L_overlay_start_1:
0x0: {  	(tag) =	ssettag $0x1  }
0x1: {  	s4 =	rddreg [dreg:$0x0]  }
0x2: {  	s0 =	rddreg [dreg:$0x1];
	s2 =	simm.s32 $0x0;
	s3 =	srdreg.scid  }
0x3: {  	s1 =	stileid.u32;
	s10 =	simm.s32 $0x1;
	s11 =	simm.s32 $0x0  }
0x4: {  	[smem:$0x7FF] =	sst s2;
	s3 =	sand.u32 $0x1, s3;
	s5 =	sshll.u32 s1, $0x9  }
0x5: {  	s31 =	smul.u32 $0xD000, s1;
	_ =	strace $0x8000004D;
	s6 =	sshll.u32 s3, $0x8  }
0x6: {  	s7 =	ssub.s32 $0x2, s3;
	s9 =	smul.u32 $0x6800, s3;
	s3 =	sadd.s32 $0x93A200, s4  }
0x7: {  	s5 =	sor.u32 s6, s5;
	s8 =	sshrl.u32 s7, $0x1;
	s6 =	sadd.s32 s31, s4  }
0x8: {  	s5 =	sadd.s32 s5, s4;
	s7 =	ssub.s32 s7, s8;
	s6 =	sadd.s32 s9, s6  }
0x9: {  	s8 =	simm.s32 $0x80;
	s9 =	simm.s32 $0x800;
	s4 =	sadd.s32 $0x68E00, s5  }
0xa: {  	s5 =	smax.u32 s7, $0x1;
	s6 =	sadd.s32 $0x1129600, s6;
	s7 =	simm.s32 $0x2  }
.LBB2_1:
0xb: {  	[tilespmem:s2], [sflag:$0x2] =	stream.linear.gather [hbm4b:s4+s2], $0x680, $0x38;
	[tilespmem:$0x4800] =	vst v63  }
0xc: {  	_ =	swait.ge [sflag:s7], $0x680  }
0xd: {  	[sflag:s7] =	ssyncset.done $0x0  }
0xe: {  	s12 =	simm.s32 $0x0;
	[sflag:s7] =	ssyncadd.s32 $0xFFFFF980  }
0xf: {  	[tilespmem:s9], [sflag:$0x1] =	stream.indirect.gather [hbm4b:s3+s8], $0x80, s12, s8, $0xb8;
	[tilespmem:$0x4800] =	vst v63  }
0x10: {  	_ =	swait.ge [sflag:s10], $0x4000  }
0x11: {  	[sflag:s10] =	ssyncset.done $0x0  }
0x12: {  	[sflag:s10] =	ssyncadd.s32 $0xFFFFC000  }
0x13: {  	[hbm4b:s6+s2] =	stream.linear.scatter [tilespmem:s9], [sflag:$0x2], $0x4000, $0x38;
	[tilespmem:$0x4800] =	vst v63  }
0x14: {  	s13 =	simm.s32 $0x200;
	_ =	swait.ge [sflag:s7], $0x4000  }
0x15: {  	s14 =	simm.s32 $0x400;
	s12 =	sadd.s32 $0x800, s6;
	[sflag:s7] =	ssyncset.done $0x0  }
.LBB2_2:
0x16: {  	s15 =	sshra.s32 s13, $0x2  }
0x17: {  	[sflag:s7] =	ssyncadd.s32 $0xFFFFC000;
	s13 =	smov.u32 s14;
	s16 =	sadd.s32 $0x200, s14  }
0x18: {  	[tilespmem:s9], [sflag:$0x1] =	stream.indirect.gather [hbm4b:s3+s8], $0x80, s15, s8, $0xb8;
	[tilespmem:$0x4800] =	vst v63  }
0x19: {  	p0 =	sne.s32 s14, $0x1800;
	_ =	swait.ge [sflag:s10], $0x4000  }
.Ltmp0:
0x1a: {  	[sflag:s10] =	ssyncset.done $0x0;
	(pc) =	sbr.rel @p0 .LBB2_2-.Ltmp0, $4  }
0x1b: {  	[sflag:s10] =	ssyncadd.s32 $0xFFFFC000  }
0x1c: {  	[hbm4b:s12+s2] =	stream.linear.scatter [tilespmem:s9], [sflag:$0x2], $0x4000, $0x38;
	[tilespmem:$0x4800] =	vst v63  }
0x1d: {  	_ =	swait.ge [sflag:s7], $0x4000  }
0x1e: {  	s14 =	smov.u32 s16;
	s12 =	sadd.s32 $0x800, s12;
	[sflag:s7] =	ssyncset.done $0x0  }
0x1f: {  	s13 =	sshra.s32 s13, $0x2;
	[sflag:s7] =	ssyncadd.s32 $0xFFFFC000  }
0x20: {  	[tilespmem:s9], [sflag:$0x1] =	stream.indirect.gather [hbm4b:s3+s8], $0x80, s13, s8, $0xb8;
	[tilespmem:$0x4800] =	vst v63  }
0x21: {  	s11 =	sadd.s32 $0x1, s11;
	_ =	swait.ge [sflag:s10], $0x4000  }
0x22: {  	p0 =	sne.s32 s11, s5;
	[sflag:s10] =	ssyncset.done $0x0  }
.Ltmp1:
0x23: {  	[sflag:s10] =	ssyncadd.s32 $0xFFFFC000;
	(pc) =	sbr.rel @p0 .LBB2_1-.Ltmp1, $4  }
0x24: {  	[hbm4b:s12+s2] =	stream.linear.scatter [tilespmem:s9], [sflag:$0x2], $0x4000, $0x38;
	[tilespmem:$0x4800] =	vst v63  }
0x25: {  	_ =	swait.ge [sflag:s7], $0x4000  }
0x26: {  	[sflag:s7] =	ssyncset.done $0x0  }
0x27: {  	[sflag:s7] =	ssyncadd.s32 $0xFFFFC000  }
0x28: {  	_ =	sfence.sel $0x180000  }
0x29: {  	[bflag:$0x0] =	sbarrier.arrive $0xFFFF  }
0x2a: {  	p0 =	sne.s32 s1, $0x0;
	_ =	strace $0x9000004D  }
0x2b: {  	s0 =	sadd.s32 @!p0 $0x100000, s0;
	[bflag:$0x2] =	sbarrier.arrive $0xFFFF  }
0x2c: {  	[sflag:s0] =	ssyncadd.tile.s32 @!p0 $0x1;
	_ =	shalt  }
.Lfunc_end2:
_tile_overlayer_lowered:
.L_overlay_start_2:
0x2d: {  	(tag) =	ssettag $0x2  }
0x2e: {  	s0 =	rddreg [dreg:$0x0];
	s2 =	stileid.u32  }
0x2f: {  	s1 =	rddreg [dreg:$0x1];
	p0 =	sne.s32 s2, $0x0  }
0x30: {  	s3 =	rddreg [dreg:$0x2];
	[bflag:$0x3] =	sbarrier.arrive $0xFFFF;
	s2 =	simm.s32 @!p0 $0x1C02  }
0x31: {  	[timem:s3], [sflag:s2] =	dma.local @!p0 [hbm:s0], s1  }
0x32: {  	s0 =	simm.s32 @!p0 $0x2  }
0x33: {  	_ =	swait.ge @!p0 [sflag:s0], s1  }
0x34: {  	s1 =	ssub.s32 @!p0 $0x0, s1;
	[sflag:s0] =	ssyncset.done @!p0 $0x0  }
0x35: {  	[sflag:s0] =	ssyncadd.s32 @!p0 s1  }
0x36: {  	[bflag:$0x3] =	sbarrier.arrive $0xFFFF  }
0x37: {  	_ =	shalt  }

// kernel: kernel.8.cloned.1.call-start
scs
__scs_entry_jumppad:
0x0: {  	(pc) =	sbr.rel $0x88, $3  }
0x1: {  	(tag) =	ssettag $0x0;
	lr =	simm.s32 $0x1  }
0x2: {  	[smem:$0x3F96] =	sst lr;
	_ =	strace $0xD0000000  }
0x3: {  	_ = 	snop  }
0x4: {  	_ = 	snop  }
0x5: {  	_ = 	snop  }
0x6: {  	_ = 	snop  }
0x7: {  	_ = 	snop  }
__scs_overlays_trampoline_lowered:
0x8: {  	[smem:$0x3FA5] =	sst s0  }
0x9: {  	[smem:$0x3FA6] =	sst s1  }
0xa: {  	[smem:$0x3FA7] =	sst s2  }
0xb: {  	[smem:$0x3FA8] =	sst s3  }
0xc: {  	[smem:$0x3FA9] =	sst s4  }
0xd: {  	[smem:$0x3FAA] =	sst s5  }
0xe: {  	[smem:$0x3FAB] =	sst s6  }
0xf: {  	[smem:$0x3FAC] =	sst s7  }
0x10: {  	[smem:$0x3FAD] =	sst s8  }
0x11: {  	[smem:$0x3FAE] =	sst s9;
	s0 =	simm.s32 @!p0 $0x0  }
0x12: {  	s1 =	sld [smem:$0x3F94];
	s0 =	simm.s32 @p0 $0x1  }
0x13: {  	[smem:$0x3FAF] =	sst s0;
	s0 =	simm.s32 @!p1 $0x0  }
0x14: {  	s2 =	sld [smem:$0x3F93];
	s0 =	simm.s32 @p1 $0x1  }
0x15: {  	[smem:$0x3FB0] =	sst s0;
	s0 =	simm.s32 @!p2 $0x0  }
0x16: {  	s3 =	sld [smem:$0x3FDB];
	s0 =	simm.s32 @p2 $0x1  }
0x17: {  	s4 =	simm.s32 $0x1BF5;
	[smem:$0x3FB2] =	sst s0  }
0x18: {  	s0 =	sld [smem:$0x3F95];
	_ =	swait.ge [sflag:s4], $0x0  }
0x19: {  	s7 =	sld [smem:$0x3F96]  }
0x1a: {  	s8 =	sadd.s32 $0xFFFFE003, lr  }
0x1b: {  	s9 =	sadd.s32 $0xFFFFFEF7, lr;
	s5 =	simm.s32 $0xFFFFFFFF;
	p2 =	slt.u32 s8, $0xFFFFF086  }
0x1c: {  	p1 =	slt.u32 s9, $0xF7A;
	s5 =	simm.s32 @!p2 $0x0  }
0x1d: {  	s5 =	simm.s32 @p1 $0x1;
	p0 =	seq.s32 s7, s2  }
0x1e: {  	s7 =	smul.u32 @!p0 $0xF7A, s2;
	p2 =	seq.s32 @!p0 s5, $0x0  }
0x1f: {  	s9 =	smul.u32 $0xF7A, s1;
	s8 =	simm.s32 @!p0 $0x1BF5;
	p2 =	por !p2, p0  }
0x20: {  	[sflag:s8] =	ssyncset.s32 @!p0 $0xFFFFF086;
	s6 =	sadd.s32 @!p0 s3, s7;
	s7 =	simm.s32 @!p0 $0x108  }
0x21: {  	s3 =	sadd.s32 s3, s9;
	s6 =	sadd.s32 @!p0 $0x88, s6;
	s7 =	simm.s32 @p2 $0x1082  }
0x22: {  	[simem:s7], [sflag:s8] =	dma.local @!p0 [hbm:s6], $0xF7A  }
0x23: {  	s9 =	sor.u32 $0xD0000000, s2;
	s6 =	simm.s32 $0x108;
	_ =	swait.ge @!p0 [sflag:s8], $0x0  }
0x24: {  	s3 =	sadd.s32 $0x88, s3;
	s6 =	simm.s32 @!p1 $0x1082;
	[sflag:s4] =	ssyncset.s32 $0xFFFFF086  }
0x25: {  	[simem:s6], [sflag:s4] =	dma.local [hbm:s3], $0xF7A  }
0x26: {  	[smem:$0x3F96] =	sst s1;
	(tag) =	ssettag s2;
	_ =	strace s9  }
0x27: {  	s1 =	sld [smem:$0x3FA6]  }
0x28: {  	s2 =	sld [smem:$0x3FA7]  }
0x29: {  	s4 =	sld [smem:$0x3FA9]  }
0x2a: {  	p0 =	seq.s32 s5, $0x0;
	s5 =	sld [smem:$0x3FAA]  }
0x2b: {  	s6 =	sld [smem:$0x3FAB]  }
0x2c: {  	s7 =	sld [smem:$0x3FAC]  }
0x2d: {  	s3 =	simm.s32 $0x108;
	s8 =	sld [smem:$0x3FAD]  }
0x2e: {  	s3 =	simm.s32 @!p0 $0x1082;
	s9 =	sld [smem:$0x3FAE]  }
0x2f: {  	lr =	sadd.s32 s0, s3;
	s0 =	sld [smem:$0x3FA5]  }
0x30: {  	s3 =	sld [smem:$0x3FA8]  }
0x31: {  	[smem:$0x3FB1] =	sst s10  }
0x32: {  	s10 =	sld [smem:$0x3FAF];
	_ =	sdelay $0x3  }
0x33: {  	p0 =	seq.s32 s10, $0x1;
	s10 =	sld [smem:$0x3FB1];
	_ =	sdelay $0x3  }
0x34: {  	[smem:$0x3FB1] =	sst s10  }
0x35: {  	s10 =	sld [smem:$0x3FB0];
	_ =	sdelay $0x3  }
0x36: {  	p1 =	seq.s32 s10, $0x1;
	s10 =	sld [smem:$0x3FB1];
	_ =	sdelay $0x3  }
0x37: {  	[smem:$0x3FB1] =	sst s10  }
0x38: {  	s10 =	sld [smem:$0x3FB2]  }
0x39: {  	_ = 	snop;
	(pc) =	sbr.ind lr, $3  }
0x3a: {  	_ = 	snop  }
0x3b: {  	_ = 	snop  }
0x3c: {  	p2 =	seq.s32 s10, $0x1;
	s10 =	sld [smem:$0x3FB1]  }
0x3d: {  	_ =	shalt  }
0x3e: {  	_ =	shalt  }
0x3f: {  	_ =	shalt  }
0x40: {  	_ =	shalt  }
0x41: {  	_ =	shalt  }
0x42: {  	_ =	shalt  }
0x43: {  	_ =	shalt  }
0x44: {  	_ =	shalt  }
0x45: {  	_ =	shalt  }
0x46: {  	_ =	shalt  }
0x47: {  	_ =	shalt  }
0x48: {  	_ =	shalt  }
0x49: {  	_ =	shalt  }
0x4a: {  	_ =	shalt  }
0x4b: {  	_ =	shalt  }
0x4c: {  	_ =	shalt  }
0x4d: {  	_ =	shalt  }
0x4e: {  	_ =	shalt  }
0x4f: {  	_ =	shalt  }
0x50: {  	_ =	shalt  }
0x51: {  	_ =	shalt  }
0x52: {  	_ =	shalt  }
0x53: {  	_ =	shalt  }
0x54: {  	_ =	shalt  }
0x55: {  	_ =	shalt  }
0x56: {  	_ =	shalt  }
0x57: {  	_ =	shalt  }
0x58: {  	_ =	shalt  }
0x59: {  	_ =	shalt  }
0x5a: {  	_ =	shalt  }
0x5b: {  	_ =	shalt  }
0x5c: {  	_ =	shalt  }
0x5d: {  	_ =	shalt  }
0x5e: {  	_ =	shalt  }
0x5f: {  	_ =	shalt  }
0x60: {  	_ =	shalt  }
0x61: {  	_ =	shalt  }
0x62: {  	_ =	shalt  }
0x63: {  	_ =	shalt  }
0x64: {  	_ =	shalt  }
0x65: {  	_ =	shalt  }
0x66: {  	_ =	shalt  }
0x67: {  	_ =	shalt  }
0x68: {  	_ =	shalt  }
0x69: {  	_ =	shalt  }
0x6a: {  	_ =	shalt  }
0x6b: {  	_ =	shalt  }
0x6c: {  	_ =	shalt  }
0x6d: {  	_ =	shalt  }
0x6e: {  	_ =	shalt  }
0x6f: {  	_ =	shalt  }
0x70: {  	_ =	shalt  }
0x71: {  	_ =	shalt  }
0x72: {  	_ =	shalt  }
0x73: {  	_ =	shalt  }
0x74: {  	_ =	shalt  }
0x75: {  	_ =	shalt  }
0x76: {  	_ =	shalt  }
0x77: {  	_ =	shalt  }
0x78: {  	_ =	shalt  }
0x79: {  	_ =	shalt  }
0x7a: {  	_ =	shalt  }
0x7b: {  	_ =	shalt  }
0x7c: {  	_ =	shalt  }
0x7d: {  	_ =	shalt  }
0x7e: {  	_ =	shalt  }
0x7f: {  	_ =	shalt  }
0x80: {  	_ =	shalt  }
0x81: {  	_ =	shalt  }
0x82: {  	_ =	shalt  }
0x83: {  	_ =	shalt  }
0x84: {  	_ =	shalt  }
0x85: {  	_ =	shalt  }
0x86: {  	_ =	shalt  }
0x87: {  	_ =	shalt  }
.Lfunc_end0:
.L_simem_size_0:
called_computation_lowered:
.L_overlay_start_0:
0x88: {  	s2 =	sld [smem:$0x3FD9]  }
0x89: {  	s3 =	sld [smem:$0x3FFE];
	_ =	sdelay $0x1  }
0x8a: {  	s1 =	srdreg.scid  }
0x8b: {  	s0 =	sand.u32 $0x1, s1  }
0x8c: {  	s16 =	sshll.u32 s0, $0xA;
	s2 =	sadd.s32 s3, s2  }
0x8d: {  	s2 =	sadd.s32 s2, s16  }
0x8e: {  	[smem:$0x3FBD] =	sst s2  }
0x8f: {  	_ = 	snop  }
0x90: {  	(tm) =	ssettm $0x1  }
0x91: {  	s17 =	sld [smem:$0x3FFB];
	_ =	sdelay $0x3  }
0x92: {  	_ =	strace s17  }
0x93: {  	s2 =	sld [smem:$0x3FFC];
	_ =	sdelay $0x3  }
0x94: {  	_ =	strace s2  }
0x95: {  	s2 =	sld [smem:$0x3FFD];
	_ =	sdelay $0x3  }
0x96: {  	_ =	strace s2  }
0x97: {  	_ =	strace $0x8FFFFFFF  }
0x98: {  	s18 =	sld [smem:$0x3FDB];
	_ =	sdelay $0x1  }
0x99: {  	s19 =	simm.s32 $_scs_section_size  }
0x9a: {  	s4 =	simm.s32 $_size__tile_overlayer_lowered;
	s5 =	simm.s32 $_tile_overlayer_lowered  }
0x9b: {  	s22 =	simm.s32 $0x1BFF;
	s21 =	sshll.u32 s5, $0x1;
	s2 =	sadd.s32 s19, s18  }
0x9c: {  	s6 =	simm.s32 $0x0;
	s20 =	sshll.u32 s4, $0x1;
	s4 =	sadd.s32 s21, s2  }
0x9d: {  	[timem:s6], [sflag:s22] =	dma.local [hbm:s4], s20  }
0x9e: {  	_ =	swait.ge [sflag:s22], s20  }
0x9f: {  	s3 =	ssub.s32 $0x0, s20;
	[sflag:s22] =	ssyncset.done $0x0  }
0xa0: {  	[sflag:s22] =	ssyncadd.s32 s3;
	_ =	sdelay $0x1  }
0xa1: {  	s23 =	simm.s32 $0x1B8B  }
0xa2: {  	_ =	swait.ge [sflag:s23], $0x1  }
0xa3: {  	[sflag:s23] =	ssyncset.done $0x0  }
0xa4: {  	s25 =	simm.s32 $0x1B8E;
	s24 =	sld [smem:$0x3FFE];
	[sflag:s23] =	ssyncadd.s32 $0xFFFFFFFF  }
0xa5: {  	s26 =	simm.s32 $execute0_lowered;
	[smem:$0x3FD2] =	sst s25  }
0xa6: {  	s4 =	sshll.u32 s26, $0x1;
	_ =	strace $0x80000046;
	[dreg:$0x1] =	wrdreg $0xFFFFFFFF  }
0xa7: {  	s28 =	simm.s32 $_size_execute0_lowered;
	s2 =	sadd.s32 s2, s4;
	[dreg:$0x0] =	wrdreg $0x0  }
0xa8: {  	s4 =	sshll.u32 s28, $0x1;
	[dreg:$0x2] =	wrdreg s2  }
0xa9: {  	[dreg:$0x3] =	wrdreg s4  }
0xaa: {  	[dreg:$0x4] =	wrdreg $0xC0  }
0xab: {  	_ =	task [dreg:s6], $0x5FFFF  }
0xac: {  	[dreg:$0x1] =	wrdreg $0xFFFFFFFF  }
0xad: {  	[dreg:$0x0] =	wrdreg $0x60  }
0xae: {  	[dreg:$0x2] =	wrdreg s24  }
0xaf: {  	[dreg:$0x3] =	wrdreg $0x9  }
0xb0: {  	_ =	task.clear_ibuf [dreg:s6], $0x4FFFF;
	_ =	strace $0x90000046  }
0xb1: {  	s29 =	simm.s32 $0x9;
	_ =	strace $0x80000048  }
0xb2: {  	_ =	swait.ge [sflag:s29], $0x1  }
0xb3: {  	[sflag:s29] =	ssyncadd.s32 $0xFFFFFFFF  }
0xb4: {  	_ =	strace $0x90000048  }
0xb5: {  	_ =	sfence  }
0xb6: {  	s30 =	sld [smem:$0x0];
	_ =	sdelay $0x2  }
0xb7: {  	s31 =	sshll.u32 s1, $0xD;
	s1 =	sshrl.u32 s1, $0x2  }
0xb8: {  	s3 =	sand.u32 $0x4000, s31;
	s1 =	sadd.s32 s1, s30  }
0xb9: {  	s0 =	sor.u32 s3, s0;
	s1 =	sshll.u32 s1, $0x11  }
0xba: {  	s0 =	sor.u32 s1, s0  }
0xbb: {  	s0 =	sadd.s32 $0x8F2B, s0  }
0xbc: {  	[sflag:s0] =	ssyncadd.remote.s32 $0x1  }
0xbd: {  	_ =	sfence.sel $0xFFFF  }
0xbe: {  	[dreg:$0x0] =	wrdreg $0xFFFFFFFF;
	(pc) =	sbr.abs _section_cstart, $3  }
0xbf: {  	[dreg:$0x1] =	wrdreg $0xFFFFFFFF  }
0xc0: {  	_ =	task.clear_ibuf [dreg:s6], $0x2FFFF;
	_ =	strace $0x9FFFFFFF  }
0xc1: {  	(tm) =	ssettm $0x7FFFFFFF  }
tec
execute0_lowered:
.L_overlay_start_1:
0x0: {  	(tag) =	ssettag $0x1  }
0x1: {  	s1 =	srdreg.scid;
	s0 =	stileid.u32  }
0x2: {  	s4 =	rddreg [dreg:$0x0];
	s2 =	simm.s32 $0x0;
	s10 =	simm.s32 $0x1  }
0x3: {  	s11 =	simm.s32 $0x0;
	s3 =	sand.u32 $0x1, s1;
	s1 =	rddreg [dreg:$0x1]  }
0x4: {  	s5 =	sshll.u32 s0, $0x1;
	[smem:$0x7FF] =	sst s2;
	s6 =	smul.u32 $0x3400, s0  }
0x5: {  	s5 =	sor.u32 s3, s5;
	s7 =	ssub.s32 $0x2, s3;
	s9 =	smul.u32 $0x1A00, s3  }
0x6: {  	_ =	strace $0x80000047;
	s5 =	smul.u32 $0xD00, s5;
	s8 =	sshrl.u32 s7, $0x1  }
0x7: {  	s3 =	sadd.s32 $0x15200, s4;
	s6 =	sadd.s32 s6, s4;
	s7 =	ssub.s32 s7, s8  }
0x8: {  	s6 =	sadd.s32 s9, s6;
	s8 =	simm.s32 $0x80;
	s5 =	sshrl.u32 s5, $0x3  }
0x9: {  	s9 =	simm.s32 $0xD00;
	s6 =	sadd.s32 $0x34E00, s6;
	s5 =	sadd.s32 s5, s4  }
0xa: {  	s4 =	sadd.s32 $0x11E00, s5;
	s5 =	smax.u32 s7, $0x1;
	s7 =	simm.s32 $0x2  }
.LBB2_1:
0xb: {  	[tilespmem:s2], [sflag:$0x2] =	stream.linear.gather [hbm4b:s4+s2], $0xD00, $0x38;
	[tilespmem:$0x1500] =	vst v63  }
0xc: {  	_ =	swait.ge [sflag:s7], $0xD00  }
0xd: {  	[sflag:s7] =	ssyncset.done $0x0  }
0xe: {  	[sflag:s7] =	ssyncadd.s32 $0xFFFFF300  }
0xf: {  	[tilespmem:s9], [sflag:$0x1] =	stream.indirect.gather [hbm4b:s3+s8], $0x10, s2, s8, $0xb8;
	[tilespmem:$0x1500] =	vst v63  }
0x10: {  	_ =	swait.ge [sflag:s10], $0x800  }
0x11: {  	[sflag:s10] =	ssyncset.done $0x0  }
0x12: {  	s12 =	sadd.s32 $0x0, s6;
	[sflag:s10] =	ssyncadd.s32 $0xFFFFF800  }
0x13: {  	[hbm4b:s12+s2] =	stream.linear.scatter [tilespmem:s9], [sflag:$0x2], $0x800, $0x38;
	[tilespmem:$0x1500] =	vst v63  }
0x14: {  	_ =	swait.ge [sflag:s7], $0x800  }
0x15: {  	s13 =	simm.s32 $0x0;
	s12 =	simm.s32 $0x100;
	[sflag:s7] =	ssyncset.done $0x0  }
.LBB2_2:
0x16: {  	p0 =	sne.s32 s12, $0x1900;
	[sflag:s7] =	ssyncadd.s32 $0xFFFFF800;
	s13 =	sadd.s32 $0x80, s13  }
0x17: {  	[tilespmem:s9], [sflag:$0x1] =	stream.indirect.gather [hbm4b:s3+s8], $0x10, s13, s8, $0xb8;
	[tilespmem:$0x1500] =	vst v63  }
0x18: {  	s14 =	smov.u32 s12;
	s12 =	sadd.s32 $0x100, s12;
	_ =	swait.ge [sflag:s10], $0x800  }
.Ltmp0:
0x19: {  	[sflag:s10] =	ssyncset.done $0x0;
	(pc) =	sbr.rel @p0 .LBB2_2-.Ltmp0, $4  }
0x1a: {  	s14 =	sadd.s32 s14, s6;
	[sflag:s10] =	ssyncadd.s32 $0xFFFFF800  }
0x1b: {  	[hbm4b:s14+s2] =	stream.linear.scatter [tilespmem:s9], [sflag:$0x2], $0x800, $0x38;
	[tilespmem:$0x1500] =	vst v63  }
0x1c: {  	_ =	swait.ge [sflag:s7], $0x800  }
0x1d: {  	[sflag:s7] =	ssyncset.done $0x0  }
0x1e: {  	s11 =	sadd.s32 $0x1, s11  }
0x1f: {  	p0 =	sne.s32 s11, s5  }
.Ltmp1:
0x20: {  	_ = 	snop;
	(pc) =	sbr.rel @p0 .LBB2_1-.Ltmp1, $2  }
0x21: {  	_ =	sdelay $0x2  }
0x22: {  	[sflag:s7] =	ssyncadd.s32 $0xFFFFF800  }
0x23: {  	_ =	sfence.sel $0x180000  }
0x24: {  	[bflag:$0x0] =	sbarrier.arrive $0xFFFF  }
0x25: {  	p0 =	sne.s32 s0, $0x0;
	_ =	strace $0x90000047  }
0x26: {  	s0 =	sadd.s32 @!p0 $0x100000, s1;
	[bflag:$0x2] =	sbarrier.arrive $0xFFFF  }
0x27: {  	[sflag:s0] =	ssyncadd.tile.s32 @!p0 $0x1;
	_ =	shalt  }
.Lfunc_end2:
_tile_overlayer_lowered:
.L_overlay_start_2:
0x28: {  	(tag) =	ssettag $0x2  }
0x29: {  	s0 =	rddreg [dreg:$0x0];
	s2 =	stileid.u32  }
0x2a: {  	s1 =	rddreg [dreg:$0x1];
	p0 =	sne.s32 s2, $0x0  }
0x2b: {  	s3 =	rddreg [dreg:$0x2];
	[bflag:$0x3] =	sbarrier.arrive $0xFFFF;
	s2 =	simm.s32 @!p0 $0x1C02  }
0x2c: {  	[timem:s3], [sflag:s2] =	dma.local @!p0 [hbm:s0], s1  }
0x2d: {  	s0 =	simm.s32 @!p0 $0x2  }
0x2e: {  	_ =	swait.ge @!p0 [sflag:s0], s1  }
0x2f: {  	s1 =	ssub.s32 @!p0 $0x0, s1;
	[sflag:s0] =	ssyncset.done @!p0 $0x0  }
0x30: {  	[sflag:s0] =	ssyncadd.s32 @!p0 s1  }
0x31: {  	[bflag:$0x3] =	sbarrier.arrive $0xFFFF  }
0x32: {  	_ =	shalt  }

</sc_bundles>
